<compile_context>
chip_gen: v7x
topology: tpu7x:2x2x1
jax: 0.10.2.dev20260603
libtpu: 0.0.44.dev20260713+nightly
codegen_flags: <defaults>
</compile_context>

<pallas_src>
import jax
import jax.numpy as jnp
from jax import lax
from jax.experimental import pallas as pl
from jax.experimental.pallas import tpu as pltpu
from jax.experimental.pallas import tpu_sc as plsc

N = 10000
E = 160000
NP = 10240
EP = 163840
K = 128
NC = 2
NS = 16
HALF = NP // 2
AH = HALF + 128
ZPT = AH // NS
WPT = HALF // NS


def _make_agg(two_chunks: bool):
    nc = EP // NS // K
    assert nc % 2 == 0
    nq = 2 if two_chunks else 1

    scratch = [
        pltpu.VMEM((nc, K), jnp.int32),
        pltpu.VMEM((2, nc, K), jnp.int32),
        pltpu.VMEM((K, 128), jnp.float32),
        pltpu.VMEM((K, 128), jnp.float32),
        pltpu.VMEM_SHARED((AH, 128), jnp.float32),
        pltpu.SemaphoreType.DMA,
        pltpu.SemaphoreType.DMA,
    ]
    mesh = plsc.VectorSubcoreMesh(core_axis_name="c", subcore_axis_name="s")

    def body(m_hbm, src_hbm, dst_hbm, zero_hbm, out_hbm,
             idxs, idxd, b0, b1, acc, sem0, sem1):
        c = lax.axis_index("c")
        s = lax.axis_index("s")

        if two_chunks:
            pltpu.sync_copy(src_hbm.at[c * NS + s], idxs)
            pltpu.sync_copy(dst_hbm.at[0].at[s], idxd.at[0])
            pltpu.sync_copy(dst_hbm.at[1].at[s], idxd.at[1])
        else:
            pltpu.sync_copy(src_hbm.at[s], idxs)
            pltpu.sync_copy(dst_hbm.at[c].at[s], idxd.at[0])

        for r in range(2 if two_chunks else 1):
            ixd = idxd.at[r]
            q = c if two_chunks else 0
            h = r if two_chunks else c

            pltpu.sync_copy(zero_hbm.at[pl.ds(s * ZPT, ZPT)],
                            acc.at[pl.ds(s * ZPT, ZPT)])
            plsc.subcore_barrier()

            pltpu.async_copy(m_hbm.at[idxs.at[0]], b0, sem0)

            def step(i, carry):
                j0 = 2 * i
                j1 = 2 * i + 1
                pltpu.async_copy(m_hbm.at[idxs.at[j1]], b1, sem1)
                pltpu.make_async_copy(m_hbm.at[idxs.at[j0]], b0, sem0).wait()
                pltpu.sync_copy(b0, acc.at[ixd.at[j0]], add=True)

                @pl.when(j1 + 1 < nc)
                def _():
                    pltpu.async_copy(m_hbm.at[idxs.at[j1 + 1]], b0, sem0)
                pltpu.make_async_copy(m_hbm.at[idxs.at[j1]], b1, sem1).wait()
                pltpu.sync_copy(b1, acc.at[ixd.at[j1]], add=True)
                return carry

            lax.fori_loop(0, nc // 2, step, 0)
            plsc.subcore_barrier()

            pltpu.sync_copy(
                acc.at[pl.ds(s * WPT, WPT)],
                out_hbm.at[q].at[pl.ds(h * HALF + s * WPT, WPT)])
            if two_chunks and r == 0:
                plsc.subcore_barrier()

    return pl.kernel(body,
                     out_type=jax.ShapeDtypeStruct((nq, NP, 128), jnp.float32),
                     mesh=mesh, scratch_types=tuple(scratch))


def _make_deg():
    nc = EP // NS // K
    scratch = [
        pltpu.VMEM((nc, K), jnp.int32),
        pltpu.VMEM((K, 128), jnp.float32),
        pltpu.VMEM_SHARED((AH, 128), jnp.float32),
        pltpu.SemaphoreType.DMA,
        pltpu.SemaphoreType.DMA,
    ]
    mesh = plsc.VectorSubcoreMesh(core_axis_name="c", subcore_axis_name="s")

    def body(dst_hbm, ones_hbm, zero_hbm, deg_hbm, idxd, onesb, dacc,
             sem0, sem1):
        c = lax.axis_index("c")
        s = lax.axis_index("s")
        pltpu.sync_copy(dst_hbm.at[c].at[s], idxd)
        pltpu.sync_copy(ones_hbm, onesb)
        pltpu.sync_copy(zero_hbm.at[pl.ds(s * ZPT, ZPT)],
                        dacc.at[pl.ds(s * ZPT, ZPT)])
        plsc.subcore_barrier()

        pltpu.async_copy(onesb, dacc.at[idxd.at[0]], sem0, add=True)

        def step(i, carry):
            j0 = 2 * i
            j1 = 2 * i + 1
            pltpu.async_copy(onesb, dacc.at[idxd.at[j1]], sem1, add=True)
            pltpu.make_async_copy(onesb, dacc.at[idxd.at[j0]], sem0).wait()

            @pl.when(j1 + 1 < nc)
            def _():
                pltpu.async_copy(onesb, dacc.at[idxd.at[j1 + 1]], sem0,
                                 add=True)
            pltpu.make_async_copy(onesb, dacc.at[idxd.at[j1]], sem1).wait()
            return carry

        lax.fori_loop(0, nc // 2, step, 0)
        plsc.subcore_barrier()
        pltpu.sync_copy(dacc.at[pl.ds(s * WPT, WPT)],
                        deg_hbm.at[pl.ds(c * HALF + s * WPT, WPT)])

    return pl.kernel(body,
                     out_type=jax.ShapeDtypeStruct((NP, 128), jnp.float32),
                     mesh=mesh, scratch_types=tuple(scratch))


def _dotT(a, w):
    return lax.dot_general(a, w, (((1,), (1,)), ((), ())),
                           preferred_element_type=jnp.float32)


def _mm1_body(x_ref, s_ref, ws_ref, wn_ref, b_ref, inv_ref, o_ref):
    ws = ws_ref[...]
    wn = wn_ref[...]
    inv = inv_ref[...]
    o = (_dotT(x_ref[0], ws[:, :128]) + _dotT(x_ref[1], ws[:, 128:])
         + _dotT(s_ref[0] * inv, wn[:, :128])
         + _dotT(s_ref[1] * inv, wn[:, 128:])
         + b_ref[0])
    o_ref[0] = jnp.maximum(o, 0.0)


def _mm2_body(a_ref, s_ref, ws_ref, wn_ref, b_ref, wpz_ref, wpr_ref, inv_ref,
              z_ref, r_ref, p_ref):
    c = pl.program_id(1)
    ws = ws_ref[...]
    wn = wn_ref[...]
    inv = inv_ref[...]
    z = (_dotT(a_ref[0], ws[:, :128]) + _dotT(a_ref[1], ws[:, 128:])
         + _dotT(s_ref[0] * inv, wn[:, :128])
         + _dotT(s_ref[1] * inv, wn[:, 128:])
         + b_ref[0])
    r = jnp.maximum(z, 0.0)
    z_ref[0] = z
    r_ref[0] = r
    contrib = _dotT(z, wpz_ref[...]) + _dotT(r, wpr_ref[...])

    @pl.when(c == 0)
    def _():
        p_ref[...] = contrib

    @pl.when(c != 0)
    def _():
        p_ref[...] = p_ref[...] + contrib


def _mm3_body(z_ref, r_ref, sp_ref, ws_ref, b_ref, inv_ref, o_ref):
    ws = ws_ref[...]
    inv = inv_ref[...]
    o_ref[...] = (_dotT(z_ref[0], ws[:, 0:128])
                  + _dotT(z_ref[1], ws[:, 128:256])
                  + _dotT(r_ref[0], ws[:, 256:384])
                  + _dotT(r_ref[1], ws[:, 384:512])
                  + sp_ref[0] * inv + b_ref[0])


def kernel(x, edge_index, Ws0, bs0, Wn0, bn0, Ws1, bs1, Wn1, bn1,
           Ws2, bs2, Wn2, bn2):
    f32 = jnp.float32
    src = edge_index[0].astype(jnp.int32)
    dst = edge_index[1].astype(jnp.int32)

    pad = EP - E
    pad_src = (jnp.arange(pad, dtype=jnp.int32) * 64) % N
    src_p = jnp.concatenate([src, pad_src])
    dst_p = jnp.concatenate([dst, jnp.full((pad,), N, jnp.int32)])

    ept = EP // NS
    nc = ept // K

    trash = HALF + (dst_p % 128)
    dst_loc = []
    for h in range(2):
        lo = h * HALF
        in_h = (dst_p >= lo) & (dst_p < lo + HALF)
        dst_loc.append(jnp.where(in_h, dst_p - lo, trash))
    dst2 = jnp.stack(dst_loc).reshape(2, NS, nc, K)

    src_a = jnp.concatenate([src_p, src_p + NP]).reshape(NC * NS, nc, K)
    src_1 = src_p.reshape(NS, nc, K)

    zeroA = jnp.zeros((AH, 128), f32)
    onesK = jnp.ones((K, 128), f32)

    xp = jnp.zeros((NP, 256), f32).at[:N].set(x)
    x_st = jnp.stack([xp[:, :128], xp[:, 128:]])

    agg2c = _make_agg(True)
    agg1c = _make_agg(False)
    deg_kernel = _make_deg()

    degm = deg_kernel(dst2, onesK, zeroA)
    s_x = agg2c(x_st.reshape(NC * NP, 128), src_a, dst2, zeroA)
    inv = (1.0 / jnp.clip(degm[:, 0], 1.0, None)).reshape(NP, 1)

    bm = 2048
    n_i = NP // bm
    grid2 = (n_i, NC)

    def rs(shape, f=f32):
        return jax.ShapeDtypeStruct(shape, f)

    a_st = pl.pallas_call(
        _mm1_body,
        grid=grid2,
        in_specs=[
            pl.BlockSpec((NC, bm, 128), lambda i, c: (0, i, 0)),
            pl.BlockSpec((NC, bm, 128), lambda i, c: (0, i, 0)),
            pl.BlockSpec((128, 256), lambda i, c: (c, 0)),
            pl.BlockSpec((128, 256), lambda i, c: (c, 0)),
            pl.BlockSpec((1, 1, 128), lambda i, c: (c, 0, 0)),
            pl.BlockSpec((bm, 1), lambda i, c: (i, 0)),
        ],
        out_specs=pl.BlockSpec((1, bm, 128), lambda i, c: (c, i, 0)),
        out_shape=rs((NC, NP, 128)),
    )(x_st, s_x, Ws0, Wn0, (bs0 + bn0).reshape(2, 1, 128), inv)

    s_a = agg2c(a_st.reshape(NC * NP, 128), src_a, dst2, zeroA)

    z_st, r_st, p2 = pl.pallas_call(
        _mm2_body,
        grid=grid2,
        in_specs=[
            pl.BlockSpec((NC, bm, 128), lambda i, c: (0, i, 0)),
            pl.BlockSpec((NC, bm, 128), lambda i, c: (0, i, 0)),
            pl.BlockSpec((128, 256), lambda i, c: (c, 0)),
            pl.BlockSpec((128, 256), lambda i, c: (c, 0)),
            pl.BlockSpec((1, 1, 128), lambda i, c: (c, 0, 0)),
            pl.BlockSpec((128, 128), lambda i, c: (0, c)),
            pl.BlockSpec((128, 128), lambda i, c: (0, 2 + c)),
            pl.BlockSpec((bm, 1), lambda i, c: (i, 0)),
        ],
        out_specs=[
            pl.BlockSpec((1, bm, 128), lambda i, c: (c, i, 0)),
            pl.BlockSpec((1, bm, 128), lambda i, c: (c, i, 0)),
            pl.BlockSpec((bm, 128), lambda i, c: (i, 0)),
        ],
        out_shape=[rs((NC, NP, 128)), rs((NC, NP, 128)), rs((NP, 128))],
    )(a_st, s_a, Ws1, Wn1, (bs1 + bn1).reshape(2, 1, 128), Wn2, Wn2, inv)

    s_p = agg1c(p2, src_1, dst2, zeroA)

    out = pl.pallas_call(
        _mm3_body,
        grid=(n_i,),
        in_specs=[
            pl.BlockSpec((NC, bm, 128), lambda i: (0, i, 0)),
            pl.BlockSpec((NC, bm, 128), lambda i: (0, i, 0)),
            pl.BlockSpec((1, bm, 128), lambda i: (0, i, 0)),
            pl.BlockSpec((128, 512), lambda i: (0, 0)),
            pl.BlockSpec((1, 1, 128), lambda i: (0, 0, 0)),
            pl.BlockSpec((bm, 1), lambda i: (i, 0)),
        ],
        out_specs=pl.BlockSpec((bm, 128), lambda i: (i, 0)),
        out_shape=rs((NP, 128)),
    )(z_st, r_st, s_p, Ws2, (bs2 + bn2).reshape(1, 1, 128), inv)

    return out[:N]

# --- scband reference (transcript-rebuilt; emitter-appended) ---
"""Pipeline reference for scband-graph-sage-sampling-18141941859031 (READ-ONLY COPY).

The authoritative reference and input builder live on the scoring server;
editing this copy changes nothing except your own understanding.
"""

import jax, jax.numpy as jnp
import numpy as np

N = 10000
E = 160000
D = 256   # in_feats
H = 256   # n_hidden
C = 128   # n_classes
NUM_BLOCKS = 3  # n_layers=2 -> 3 NodeUpdate layers, nodeflow has 4 node layers / 3 blocks


def _glorot(key, shape):
    # xavier_uniform with relu gain, matching nn.init.xavier_uniform_(w, gain=calculate_gain('relu'))
    fan_out, fan_in = shape
    gain = np.sqrt(2.0)
    limit = gain * np.sqrt(6.0 / (fan_in + fan_out))
    return jax.random.uniform(key, shape, minval=-limit, maxval=limit, dtype=jnp.float32)


def setup_inputs(seed: int = 0) -> dict:
    key = jax.random.key(seed)
    ks = jax.random.split(key, 16)
    inp = {}
    inp['x'] = jax.random.normal(ks[0], (N, D), dtype=jnp.float32)
    inp['edge_index'] = jax.random.randint(ks[1], (2, E), 0, N, dtype=jnp.int32)
    # layer 0: NodeUpdate(in_feats=256 -> n_hidden=256), activation=relu, concat=False
    inp['Ws0'] = _glorot(ks[2], (H, D)); inp['bs0'] = jnp.zeros((H,), jnp.float32)
    inp['Wn0'] = _glorot(ks[3], (H, D)); inp['bn0'] = jnp.zeros((H,), jnp.float32)
    # layer 1: NodeUpdate(n_hidden -> n_hidden), activation=relu, concat=True (skip_start)
    inp['Ws1'] = _glorot(ks[4], (H, H)); inp['bs1'] = jnp.zeros((H,), jnp.float32)
    inp['Wn1'] = _glorot(ks[5], (H, H)); inp['bn1'] = jnp.zeros((H,), jnp.float32)
    # layer 2: NodeUpdate(2*n_hidden -> n_classes), no activation, no concat
    inp['Ws2'] = _glorot(ks[6], (C, 2 * H)); inp['bs2'] = jnp.zeros((C,), jnp.float32)
    inp['Wn2'] = _glorot(ks[7], (C, 2 * H)); inp['bn2'] = jnp.zeros((C,), jnp.float32)
    return inp


def _forward(x, edge_index, params):
    src = edge_index[0]
    dst = edge_index[1]
    n = x.shape[0]
    ones = jnp.ones((src.shape[0],), jnp.float32)
    deg = jnp.clip(jax.ops.segment_sum(ones, dst, num_segments=n), 1.0, None)
    # nodeflow: every node layer starts with features as 'h' (preprocess=False path)
    h = [x for _ in range(NUM_BLOCKS + 1)]
    for lid in range(NUM_BLOCKS):
        Ws, bs, Wn, bn = params[lid]
        concat = (lid == NUM_BLOCKS - 2)  # skip_start on last hidden layer
        use_act = (lid < NUM_BLOCKS - 1)
        new_act = {}
        for i in range(lid, NUM_BLOCKS):
            # block_compute(i, copy_src('h','m'), fn.mean('m','neigh'), layer)
            msgs = h[i][src]
            neigh = jax.ops.segment_sum(msgs, dst, num_segments=n) / deg[:, None]
            out = h[i + 1] @ Ws.T + bs + neigh @ Wn.T + bn
            if concat:
                out = jnp.concatenate([out, jax.nn.relu(out)], axis=1)
            elif use_act:
                out = jax.nn.relu(out)
            new_act[i + 1] = out
        for i in range(lid + 1, NUM_BLOCKS + 1):
            h[i] = new_act[i]
    return h[NUM_BLOCKS]


def reference(x, edge_index, Ws0, bs0, Wn0, bn0, Ws1, bs1, Wn1, bn1, Ws2, bs2, Wn2, bn2):
    params = [(Ws0, bs0, Wn0, bn0), (Ws1, bs1, Wn1, bn1), (Ws2, bs2, Wn2, bn2)]
    return _forward(x, edge_index, params)

if __name__ == "__main__":
    import jax
    _d = setup_inputs()
    print(jax.jit(kernel)(*tuple(_d.values())))

</pallas_src>

<mosaic_0001>
#map = affine_map<(d0, d1) -> (0, 0)>
#map1 = affine_map<(d0, d1) -> (0, 0, 0)>
#map2 = affine_map<(d0, d1) -> (0, 0, 0, 0)>
module attributes {stable_mosaic.version = 14 : i64} {
  func.func @body(%arg0: i32, %arg1: i32, %arg2: memref<20480x128xf32, #tpu.memory_space<hbm>>, %arg3: memref<32x80x128xi32, #tpu.memory_space<hbm>>, %arg4: memref<2x16x80x128xi32, #tpu.memory_space<hbm>>, %arg5: memref<5248x128xf32, #tpu.memory_space<hbm>>, %arg6: memref<2x10240x128xf32, #tpu.memory_space<hbm>>, %arg7: memref<80x128xi32, #tpu.memory_space<vmem>>, %arg8: memref<2x80x128xi32, #tpu.memory_space<vmem>>, %arg9: memref<128x128xf32, #tpu.memory_space<vmem>>, %arg10: memref<128x128xf32, #tpu.memory_space<vmem>>, %arg11: memref<5248x128xf32, #tpu.memory_space<vmem_shared>>, %arg12: memref<!tpu.dma_semaphore, #tpu.memory_space<semaphore_mem>>, %arg13: memref<!tpu.dma_semaphore, #tpu.memory_space<semaphore_mem>>) attributes {dimension_semantics = [#tpu.dimension_semantics<core_parallel>, #tpu.dimension_semantics<subcore_parallel>], iteration_bounds = array<i64: 2, 16>, scalar_prefetch = 0 : i64, scratch_operands = 7 : i64, tpu.core_type = #tpu.core_type<sc_vector_subcore>, window_params = [{transform_indices = #map}, {transform_indices = #map1}, {transform_indices = #map2}, {transform_indices = #map}, {transform_indices = #map1}]} {
    %mul3A = arith.constant 16 : i32
    %mul3A_0 = arith.muli %arg0, %mul3A : i32
    %add3A = arith.addi %mul3A_0, %arg1 : i32
    "tpu.region"() ({
      %run_scoped3A_54 = tpu.sem_alloc : memref<!tpu.dma_semaphore, #tpu.memory_space<semaphore_mem>>
      %dma_start3A_55 = arith.constant 0 : i32
      %dma_start3A_56 = arith.constant 0 : i32
      %dma_start3A_57 = tpu.memref_slice %arg3[%add3A, %dma_start3A_55, %dma_start3A_56] : memref<32x80x128xi32, #tpu.memory_space<hbm>> -> memref<1x80x128xi32, #tpu.memory_space<hbm>>
      %dma_start3A_58 = tpu.memref_squeeze %dma_start3A_57 : memref<1x80x128xi32, #tpu.memory_space<hbm>> -> memref<80x128xi32, #tpu.memory_space<hbm>>
      %dma_start3A_59 = arith.constant 0 : i32
      %dma_start3A_60 = arith.constant 0 : i32
      %dma_start3A_61 = tpu.memref_slice %arg3[%add3A, %dma_start3A_59, %dma_start3A_60] : memref<32x80x128xi32, #tpu.memory_space<hbm>> -> memref<1x80x128xi32, #tpu.memory_space<hbm>>
      %dma_start3A_62 = tpu.memref_squeeze %dma_start3A_61 : memref<1x80x128xi32, #tpu.memory_space<hbm>> -> memref<80x128xi32, #tpu.memory_space<hbm>>
      tpu.enqueue_dma source(%dma_start3A_62 : memref<80x128xi32, #tpu.memory_space<hbm>>) target(%arg7 : memref<80x128xi32, #tpu.memory_space<vmem>>) target_semaphore(%run_scoped3A_54 : memref<!tpu.dma_semaphore, #tpu.memory_space<semaphore_mem>>)
      %dma_wait3A = arith.constant 0 : i32
      %dma_wait3A_63 = arith.constant 0 : i32
      %dma_wait3A_64 = tpu.memref_slice %arg3[%add3A, %dma_wait3A, %dma_wait3A_63] : memref<32x80x128xi32, #tpu.memory_space<hbm>> -> memref<1x80x128xi32, #tpu.memory_space<hbm>>
      %dma_wait3A_65 = tpu.memref_squeeze %dma_wait3A_64 : memref<1x80x128xi32, #tpu.memory_space<hbm>> -> memref<80x128xi32, #tpu.memory_space<hbm>>
      %dma_wait3A_66 = arith.constant 0 : i32
      %dma_wait3A_67 = arith.constant 0 : i32
      %dma_wait3A_68 = tpu.memref_slice %arg3[%add3A, %dma_wait3A_66, %dma_wait3A_67] : memref<32x80x128xi32, #tpu.memory_space<hbm>> -> memref<1x80x128xi32, #tpu.memory_space<hbm>>
      %dma_wait3A_69 = tpu.memref_squeeze %dma_wait3A_68 : memref<1x80x128xi32, #tpu.memory_space<hbm>> -> memref<80x128xi32, #tpu.memory_space<hbm>>
      tpu.wait_dma2 semaphore(%run_scoped3A_54 : memref<!tpu.dma_semaphore, #tpu.memory_space<semaphore_mem>>) src(%dma_wait3A_69 : memref<80x128xi32, #tpu.memory_space<hbm>>) dst(%arg7 : memref<80x128xi32, #tpu.memory_space<vmem>>)
      tpu.yield
    }) : () -> ()
    %run_scoped3A = arith.constant 0 : i32
    %run_scoped3A_1 = arith.constant 0 : i32
    "tpu.region"() ({
      %run_scoped3A_54 = tpu.sem_alloc : memref<!tpu.dma_semaphore, #tpu.memory_space<semaphore_mem>>
      %dma_start3A_55 = arith.constant 0 : i32
      %dma_start3A_56 = arith.constant 0 : i32
      %dma_start3A_57 = tpu.memref_slice %arg8[%run_scoped3A_1, %dma_start3A_55, %dma_start3A_56] : memref<2x80x128xi32, #tpu.memory_space<vmem>> -> memref<1x80x128xi32, #tpu.memory_space<vmem>>
      %dma_start3A_58 = tpu.memref_squeeze %dma_start3A_57 : memref<1x80x128xi32, #tpu.memory_space<vmem>> -> memref<80x128xi32, #tpu.memory_space<vmem>>
      %dma_start3A_59 = arith.constant 0 : i32
      %dma_start3A_60 = arith.constant 0 : i32
      %dma_start3A_61 = arith.constant 0 : i32
      %dma_start3A_62 = tpu.memref_slice %arg4[%run_scoped3A, %dma_start3A_59, %dma_start3A_60, %dma_start3A_61] : memref<2x16x80x128xi32, #tpu.memory_space<hbm>> -> memref<1x16x80x128xi32, #tpu.memory_space<hbm>>
      %dma_start3A_63 = tpu.memref_squeeze %dma_start3A_62 : memref<1x16x80x128xi32, #tpu.memory_space<hbm>> -> memref<16x80x128xi32, #tpu.memory_space<hbm>>
      %dma_start3A_64 = arith.constant 0 : i32
      %dma_start3A_65 = arith.constant 0 : i32
      %dma_start3A_66 = tpu.memref_slice %dma_start3A_63[%arg1, %dma_start3A_64, %dma_start3A_65] : memref<16x80x128xi32, #tpu.memory_space<hbm>> -> memref<1x80x128xi32, #tpu.memory_space<hbm>>
      %dma_start3A_67 = tpu.memref_squeeze %dma_start3A_66 : memref<1x80x128xi32, #tpu.memory_space<hbm>> -> memref<80x128xi32, #tpu.memory_space<hbm>>
      %dma_start3A_68 = arith.constant 0 : i32
      %dma_start3A_69 = arith.constant 0 : i32
      %dma_start3A_70 = tpu.memref_slice %arg8[%run_scoped3A_1, %dma_start3A_68, %dma_start3A_69] : memref<2x80x128xi32, #tpu.memory_space<vmem>> -> memref<1x80x128xi32, #tpu.memory_space<vmem>>
      %dma_start3A_71 = tpu.memref_squeeze %dma_start3A_70 : memref<1x80x128xi32, #tpu.memory_space<vmem>> -> memref<80x128xi32, #tpu.memory_space<vmem>>
      %dma_start3A_72 = arith.constant 0 : i32
      %dma_start3A_73 = arith.constant 0 : i32
      %dma_start3A_74 = arith.constant 0 : i32
      %dma_start3A_75 = tpu.memref_slice %arg4[%run_scoped3A, %dma_start3A_72, %dma_start3A_73, %dma_start3A_74] : memref<2x16x80x128xi32, #tpu.memory_space<hbm>> -> memref<1x16x80x128xi32, #tpu.memory_space<hbm>>
      %dma_start3A_76 = tpu.memref_squeeze %dma_start3A_75 : memref<1x16x80x128xi32, #tpu.memory_space<hbm>> -> memref<16x80x128xi32, #tpu.memory_space<hbm>>
      %dma_start3A_77 = arith.constant 0 : i32
      %dma_start3A_78 = arith.constant 0 : i32
      %dma_start3A_79 = tpu.memref_slice %dma_start3A_76[%arg1, %dma_start3A_77, %dma_start3A_78] : memref<16x80x128xi32, #tpu.memory_space<hbm>> -> memref<1x80x128xi32, #tpu.memory_space<hbm>>
      %dma_start3A_80 = tpu.memref_squeeze %dma_start3A_79 : memref<1x80x128xi32, #tpu.memory_space<hbm>> -> memref<80x128xi32, #tpu.memory_space<hbm>>
      tpu.enqueue_dma source(%dma_start3A_80 : memref<80x128xi32, #tpu.memory_space<hbm>>) target(%dma_start3A_71 : memref<80x128xi32, #tpu.memory_space<vmem>>) target_semaphore(%run_scoped3A_54 : memref<!tpu.dma_semaphore, #tpu.memory_space<semaphore_mem>>)
      %dma_wait3A = arith.constant 0 : i32
      %dma_wait3A_81 = arith.constant 0 : i32
      %dma_wait3A_82 = tpu.memref_slice %arg8[%run_scoped3A_1, %dma_wait3A, %dma_wait3A_81] : memref<2x80x128xi32, #tpu.memory_space<vmem>> -> memref<1x80x128xi32, #tpu.memory_space<vmem>>
      %dma_wait3A_83 = tpu.memref_squeeze %dma_wait3A_82 : memref<1x80x128xi32, #tpu.memory_space<vmem>> -> memref<80x128xi32, #tpu.memory_space<vmem>>
      %dma_wait3A_84 = arith.constant 0 : i32
      %dma_wait3A_85 = arith.constant 0 : i32
      %dma_wait3A_86 = arith.constant 0 : i32
      %dma_wait3A_87 = tpu.memref_slice %arg4[%run_scoped3A, %dma_wait3A_84, %dma_wait3A_85, %dma_wait3A_86] : memref<2x16x80x128xi32, #tpu.memory_space<hbm>> -> memref<1x16x80x128xi32, #tpu.memory_space<hbm>>
      %dma_wait3A_88 = tpu.memref_squeeze %dma_wait3A_87 : memref<1x16x80x128xi32, #tpu.memory_space<hbm>> -> memref<16x80x128xi32, #tpu.memory_space<hbm>>
      %dma_wait3A_89 = arith.constant 0 : i32
      %dma_wait3A_90 = arith.constant 0 : i32
      %dma_wait3A_91 = tpu.memref_slice %dma_wait3A_88[%arg1, %dma_wait3A_89, %dma_wait3A_90] : memref<16x80x128xi32, #tpu.memory_space<hbm>> -> memref<1x80x128xi32, #tpu.memory_space<hbm>>
      %dma_wait3A_92 = tpu.memref_squeeze %dma_wait3A_91 : memref<1x80x128xi32, #tpu.memory_space<hbm>> -> memref<80x128xi32, #tpu.memory_space<hbm>>
      %dma_wait3A_93 = arith.constant 0 : i32
      %dma_wait3A_94 = arith.constant 0 : i32
      %dma_wait3A_95 = tpu.memref_slice %arg8[%run_scoped3A_1, %dma_wait3A_93, %dma_wait3A_94] : memref<2x80x128xi32, #tpu.memory_space<vmem>> -> memref<1x80x128xi32, #tpu.memory_space<vmem>>
      %dma_wait3A_96 = tpu.memref_squeeze %dma_wait3A_95 : memref<1x80x128xi32, #tpu.memory_space<vmem>> -> memref<80x128xi32, #tpu.memory_space<vmem>>
      %dma_wait3A_97 = arith.constant 0 : i32
      %dma_wait3A_98 = arith.constant 0 : i32
      %dma_wait3A_99 = arith.constant 0 : i32
      %dma_wait3A_100 = tpu.memref_slice %arg4[%run_scoped3A, %dma_wait3A_97, %dma_wait3A_98, %dma_wait3A_99] : memref<2x16x80x128xi32, #tpu.memory_space<hbm>> -> memref<1x16x80x128xi32, #tpu.memory_space<hbm>>
      %dma_wait3A_101 = tpu.memref_squeeze %dma_wait3A_100 : memref<1x16x80x128xi32, #tpu.memory_space<hbm>> -> memref<16x80x128xi32, #tpu.memory_space<hbm>>
      %dma_wait3A_102 = arith.constant 0 : i32
      %dma_wait3A_103 = arith.constant 0 : i32
      %dma_wait3A_104 = tpu.memref_slice %dma_wait3A_101[%arg1, %dma_wait3A_102, %dma_wait3A_103] : memref<16x80x128xi32, #tpu.memory_space<hbm>> -> memref<1x80x128xi32, #tpu.memory_space<hbm>>
      %dma_wait3A_105 = tpu.memref_squeeze %dma_wait3A_104 : memref<1x80x128xi32, #tpu.memory_space<hbm>> -> memref<80x128xi32, #tpu.memory_space<hbm>>
      tpu.wait_dma2 semaphore(%run_scoped3A_54 : memref<!tpu.dma_semaphore, #tpu.memory_space<semaphore_mem>>) src(%dma_wait3A_105 : memref<80x128xi32, #tpu.memory_space<hbm>>) dst(%dma_wait3A_96 : memref<80x128xi32, #tpu.memory_space<vmem>>)
      tpu.yield
    }) : () -> ()
    %run_scoped3A_2 = arith.constant 1 : i32
    %run_scoped3A_3 = arith.constant 1 : i32
    "tpu.region"() ({
      %run_scoped3A_54 = tpu.sem_alloc : memref<!tpu.dma_semaphore, #tpu.memory_space<semaphore_mem>>
      %dma_start3A_55 = arith.constant 0 : i32
      %dma_start3A_56 = arith.constant 0 : i32
      %dma_start3A_57 = tpu.memref_slice %arg8[%run_scoped3A_3, %dma_start3A_55, %dma_start3A_56] : memref<2x80x128xi32, #tpu.memory_space<vmem>> -> memref<1x80x128xi32, #tpu.memory_space<vmem>>
      %dma_start3A_58 = tpu.memref_squeeze %dma_start3A_57 : memref<1x80x128xi32, #tpu.memory_space<vmem>> -> memref<80x128xi32, #tpu.memory_space<vmem>>
      %dma_start3A_59 = arith.constant 0 : i32
      %dma_start3A_60 = arith.constant 0 : i32
      %dma_start3A_61 = arith.constant 0 : i32
      %dma_start3A_62 = tpu.memref_slice %arg4[%run_scoped3A_2, %dma_start3A_59, %dma_start3A_60, %dma_start3A_61] : memref<2x16x80x128xi32, #tpu.memory_space<hbm>> -> memref<1x16x80x128xi32, #tpu.memory_space<hbm>>
      %dma_start3A_63 = tpu.memref_squeeze %dma_start3A_62 : memref<1x16x80x128xi32, #tpu.memory_space<hbm>> -> memref<16x80x128xi32, #tpu.memory_space<hbm>>
      %dma_start3A_64 = arith.constant 0 : i32
      %dma_start3A_65 = arith.constant 0 : i32
      %dma_start3A_66 = tpu.memref_slice %dma_start3A_63[%arg1, %dma_start3A_64, %dma_start3A_65] : memref<16x80x128xi32, #tpu.memory_space<hbm>> -> memref<1x80x128xi32, #tpu.memory_space<hbm>>
      %dma_start3A_67 = tpu.memref_squeeze %dma_start3A_66 : memref<1x80x128xi32, #tpu.memory_space<hbm>> -> memref<80x128xi32, #tpu.memory_space<hbm>>
      %dma_start3A_68 = arith.constant 0 : i32
      %dma_start3A_69 = arith.constant 0 : i32
      %dma_start3A_70 = tpu.memref_slice %arg8[%run_scoped3A_3, %dma_start3A_68, %dma_start3A_69] : memref<2x80x128xi32, #tpu.memory_space<vmem>> -> memref<1x80x128xi32, #tpu.memory_space<vmem>>
      %dma_start3A_71 = tpu.memref_squeeze %dma_start3A_70 : memref<1x80x128xi32, #tpu.memory_space<vmem>> -> memref<80x128xi32, #tpu.memory_space<vmem>>
      %dma_start3A_72 = arith.constant 0 : i32
      %dma_start3A_73 = arith.constant 0 : i32
      %dma_start3A_74 = arith.constant 0 : i32
      %dma_start3A_75 = tpu.memref_slice %arg4[%run_scoped3A_2, %dma_start3A_72, %dma_start3A_73, %dma_start3A_74] : memref<2x16x80x128xi32, #tpu.memory_space<hbm>> -> memref<1x16x80x128xi32, #tpu.memory_space<hbm>>
      %dma_start3A_76 = tpu.memref_squeeze %dma_start3A_75 : memref<1x16x80x128xi32, #tpu.memory_space<hbm>> -> memref<16x80x128xi32, #tpu.memory_space<hbm>>
      %dma_start3A_77 = arith.constant 0 : i32
      %dma_start3A_78 = arith.constant 0 : i32
      %dma_start3A_79 = tpu.memref_slice %dma_start3A_76[%arg1, %dma_start3A_77, %dma_start3A_78] : memref<16x80x128xi32, #tpu.memory_space<hbm>> -> memref<1x80x128xi32, #tpu.memory_space<hbm>>
      %dma_start3A_80 = tpu.memref_squeeze %dma_start3A_79 : memref<1x80x128xi32, #tpu.memory_space<hbm>> -> memref<80x128xi32, #tpu.memory_space<hbm>>
      tpu.enqueue_dma source(%dma_start3A_80 : memref<80x128xi32, #tpu.memory_space<hbm>>) target(%dma_start3A_71 : memref<80x128xi32, #tpu.memory_space<vmem>>) target_semaphore(%run_scoped3A_54 : memref<!tpu.dma_semaphore, #tpu.memory_space<semaphore_mem>>)
      %dma_wait3A = arith.constant 0 : i32
      %dma_wait3A_81 = arith.constant 0 : i32
      %dma_wait3A_82 = tpu.memref_slice %arg8[%run_scoped3A_3, %dma_wait3A, %dma_wait3A_81] : memref<2x80x128xi32, #tpu.memory_space<vmem>> -> memref<1x80x128xi32, #tpu.memory_space<vmem>>
      %dma_wait3A_83 = tpu.memref_squeeze %dma_wait3A_82 : memref<1x80x128xi32, #tpu.memory_space<vmem>> -> memref<80x128xi32, #tpu.memory_space<vmem>>
      %dma_wait3A_84 = arith.constant 0 : i32
      %dma_wait3A_85 = arith.constant 0 : i32
      %dma_wait3A_86 = arith.constant 0 : i32
      %dma_wait3A_87 = tpu.memref_slice %arg4[%run_scoped3A_2, %dma_wait3A_84, %dma_wait3A_85, %dma_wait3A_86] : memref<2x16x80x128xi32, #tpu.memory_space<hbm>> -> memref<1x16x80x128xi32, #tpu.memory_space<hbm>>
      %dma_wait3A_88 = tpu.memref_squeeze %dma_wait3A_87 : memref<1x16x80x128xi32, #tpu.memory_space<hbm>> -> memref<16x80x128xi32, #tpu.memory_space<hbm>>
      %dma_wait3A_89 = arith.constant 0 : i32
      %dma_wait3A_90 = arith.constant 0 : i32
      %dma_wait3A_91 = tpu.memref_slice %dma_wait3A_88[%arg1, %dma_wait3A_89, %dma_wait3A_90] : memref<16x80x128xi32, #tpu.memory_space<hbm>> -> memref<1x80x128xi32, #tpu.memory_space<hbm>>
      %dma_wait3A_92 = tpu.memref_squeeze %dma_wait3A_91 : memref<1x80x128xi32, #tpu.memory_space<hbm>> -> memref<80x128xi32, #tpu.memory_space<hbm>>
      %dma_wait3A_93 = arith.constant 0 : i32
      %dma_wait3A_94 = arith.constant 0 : i32
      %dma_wait3A_95 = tpu.memref_slice %arg8[%run_scoped3A_3, %dma_wait3A_93, %dma_wait3A_94] : memref<2x80x128xi32, #tpu.memory_space<vmem>> -> memref<1x80x128xi32, #tpu.memory_space<vmem>>
      %dma_wait3A_96 = tpu.memref_squeeze %dma_wait3A_95 : memref<1x80x128xi32, #tpu.memory_space<vmem>> -> memref<80x128xi32, #tpu.memory_space<vmem>>
      %dma_wait3A_97 = arith.constant 0 : i32
      %dma_wait3A_98 = arith.constant 0 : i32
      %dma_wait3A_99 = arith.constant 0 : i32
      %dma_wait3A_100 = tpu.memref_slice %arg4[%run_scoped3A_2, %dma_wait3A_97, %dma_wait3A_98, %dma_wait3A_99] : memref<2x16x80x128xi32, #tpu.memory_space<hbm>> -> memref<1x16x80x128xi32, #tpu.memory_space<hbm>>
      %dma_wait3A_101 = tpu.memref_squeeze %dma_wait3A_100 : memref<1x16x80x128xi32, #tpu.memory_space<hbm>> -> memref<16x80x128xi32, #tpu.memory_space<hbm>>
      %dma_wait3A_102 = arith.constant 0 : i32
      %dma_wait3A_103 = arith.constant 0 : i32
      %dma_wait3A_104 = tpu.memref_slice %dma_wait3A_101[%arg1, %dma_wait3A_102, %dma_wait3A_103] : memref<16x80x128xi32, #tpu.memory_space<hbm>> -> memref<1x80x128xi32, #tpu.memory_space<hbm>>
      %dma_wait3A_105 = tpu.memref_squeeze %dma_wait3A_104 : memref<1x80x128xi32, #tpu.memory_space<hbm>> -> memref<80x128xi32, #tpu.memory_space<hbm>>
      tpu.wait_dma2 semaphore(%run_scoped3A_54 : memref<!tpu.dma_semaphore, #tpu.memory_space<semaphore_mem>>) src(%dma_wait3A_105 : memref<80x128xi32, #tpu.memory_space<hbm>>) dst(%dma_wait3A_96 : memref<80x128xi32, #tpu.memory_space<vmem>>)
      tpu.yield
    }) : () -> ()
    %mul3A_4 = arith.constant 328 : i32
    %mul3A_5 = arith.muli %arg1, %mul3A_4 : i32
    %mul3A_6 = arith.constant 328 : i32
    %mul3A_7 = arith.muli %arg1, %mul3A_6 : i32
    "tpu.region"() ({
      %run_scoped3A_54 = tpu.sem_alloc : memref<!tpu.dma_semaphore, #tpu.memory_space<semaphore_mem>>
      %dma_start3A_55 = arith.constant 0 : i32
      %dma_start3A_56 = tpu.memref_slice %arg11[%mul3A_7, %dma_start3A_55] : memref<5248x128xf32, #tpu.memory_space<vmem_shared>> -> memref<328x128xf32, #tpu.memory_space<vmem_shared>>
      %dma_start3A_57 = arith.constant 0 : i32
      %dma_start3A_58 = tpu.memref_slice %arg5[%mul3A_5, %dma_start3A_57] : memref<5248x128xf32, #tpu.memory_space<hbm>> -> memref<328x128xf32, #tpu.memory_space<hbm>>
      tpu.enqueue_dma source(%dma_start3A_58 : memref<328x128xf32, #tpu.memory_space<hbm>>) target(%dma_start3A_56 : memref<328x128xf32, #tpu.memory_space<vmem_shared>>) target_semaphore(%run_scoped3A_54 : memref<!tpu.dma_semaphore, #tpu.memory_space<semaphore_mem>>)
      %dma_wait3A = arith.constant 0 : i32
      %dma_wait3A_59 = tpu.memref_slice %arg11[%mul3A_7, %dma_wait3A] : memref<5248x128xf32, #tpu.memory_space<vmem_shared>> -> memref<328x128xf32, #tpu.memory_space<vmem_shared>>
      %dma_wait3A_60 = arith.constant 0 : i32
      %dma_wait3A_61 = tpu.memref_slice %arg5[%mul3A_5, %dma_wait3A_60] : memref<5248x128xf32, #tpu.memory_space<hbm>> -> memref<328x128xf32, #tpu.memory_space<hbm>>
      tpu.wait_dma2 semaphore(%run_scoped3A_54 : memref<!tpu.dma_semaphore, #tpu.memory_space<semaphore_mem>>) src(%dma_wait3A_61 : memref<328x128xf32, #tpu.memory_space<hbm>>) dst(%dma_wait3A_59 : memref<328x128xf32, #tpu.memory_space<vmem_shared>>)
      tpu.yield
    }) : () -> ()
    %barrier3A = arith.constant 0 : index
    tpu.barrier barrier_id(%barrier3A)
    %dma_start3A = arith.constant 0 : i32
    %dma_start3A_8 = arith.constant 0 : i32
    %dma_start3A_9 = tpu.memref_slice %arg7[%dma_start3A, %dma_start3A_8] : memref<80x128xi32, #tpu.memory_space<vmem>> -> memref<1x128xi32, #tpu.memory_space<vmem>>
    %dma_start3A_10 = tpu.memref_squeeze %dma_start3A_9 : memref<1x128xi32, #tpu.memory_space<vmem>> -> memref<128xi32, #tpu.memory_space<vmem>>
    %dma_start3A_11 = arith.constant 0 : i32
    %dma_start3A_12 = arith.constant 0 : i32
    %dma_start3A_13 = tpu.memref_slice %arg2[%dma_start3A_11, %dma_start3A_12] : memref<20480x128xf32, #tpu.memory_space<hbm>> -> memref<20480x128xf32, #tpu.memory_space<hbm>>
    tpu.enqueue_indirect_dma source(%dma_start3A_13 : memref<20480x128xf32, #tpu.memory_space<hbm>>) target(%arg9 : memref<128x128xf32, #tpu.memory_space<vmem>>) offsets(%dma_start3A_10 : memref<128xi32, #tpu.memory_space<vmem>>) semaphore(%arg12 : memref<!tpu.dma_semaphore, #tpu.memory_space<semaphore_mem>>)
    %scan3A = arith.constant 0 : i32
    %scan3A_14 = arith.constant 0 : i32
    %scan3A_15 = arith.constant 0 : i32
    %scan3A_16 = arith.constant 40 : i32
    %scan3A_17 = arith.addi %scan3A_15, %scan3A_16 : i32
    %scan3A_18 = arith.constant 1 : i32
    scf.for %scan3A_54 = %scan3A_15 to %scan3A_17 step %scan3A_18  : i32 {
      %mul3A_55 = arith.constant 2 : i32
      %mul3A_56 = arith.muli %mul3A_55, %scan3A_54 : i32
      %mul3A_57 = arith.constant 2 : i32
      %mul3A_58 = arith.muli %mul3A_57, %scan3A_54 : i32
      %add3A_59 = arith.constant 1 : i32
      %add3A_60 = arith.addi %mul3A_58, %add3A_59 : i32
      %dma_start3A_61 = arith.constant 0 : i32
      %dma_start3A_62 = tpu.memref_slice %arg7[%add3A_60, %dma_start3A_61] : memref<80x128xi32, #tpu.memory_space<vmem>> -> memref<1x128xi32, #tpu.memory_space<vmem>>
      %dma_start3A_63 = tpu.memref_squeeze %dma_start3A_62 : memref<1x128xi32, #tpu.memory_space<vmem>> -> memref<128xi32, #tpu.memory_space<vmem>>
      %dma_start3A_64 = arith.constant 0 : i32
      %dma_start3A_65 = arith.constant 0 : i32
      %dma_start3A_66 = tpu.memref_slice %arg2[%dma_start3A_64, %dma_start3A_65] : memref<20480x128xf32, #tpu.memory_space<hbm>> -> memref<20480x128xf32, #tpu.memory_space<hbm>>
      tpu.enqueue_indirect_dma source(%dma_start3A_66 : memref<20480x128xf32, #tpu.memory_space<hbm>>) target(%arg10 : memref<128x128xf32, #tpu.memory_space<vmem>>) offsets(%dma_start3A_63 : memref<128xi32, #tpu.memory_space<vmem>>) semaphore(%arg13 : memref<!tpu.dma_semaphore, #tpu.memory_space<semaphore_mem>>)
      %dma_wait3A = arith.constant 0 : i32
      %dma_wait3A_67 = tpu.memref_slice %arg7[%mul3A_56, %dma_wait3A] : memref<80x128xi32, #tpu.memory_space<vmem>> -> memref<1x128xi32, #tpu.memory_space<vmem>>
      %dma_wait3A_68 = tpu.memref_squeeze %dma_wait3A_67 : memref<1x128xi32, #tpu.memory_space<vmem>> -> memref<128xi32, #tpu.memory_space<vmem>>
      %dma_wait3A_69 = arith.constant 0 : i32
      %dma_wait3A_70 = arith.constant 0 : i32
      %dma_wait3A_71 = tpu.memref_slice %arg2[%dma_wait3A_69, %dma_wait3A_70] : memref<20480x128xf32, #tpu.memory_space<hbm>> -> memref<20480x128xf32, #tpu.memory_space<hbm>>
      tpu.wait_indirect_dma semaphore(%arg12 : memref<!tpu.dma_semaphore, #tpu.memory_space<semaphore_mem>>) src(%dma_wait3A_71 : memref<20480x128xf32, #tpu.memory_space<hbm>>) dst(%arg9 : memref<128x128xf32, #tpu.memory_space<vmem>>)
      "tpu.region"() ({
        %run_scoped3A_82 = tpu.sem_alloc : memref<!tpu.dma_semaphore, #tpu.memory_space<semaphore_mem>>
        %dma_start3A_83 = arith.constant 0 : i32
        %dma_start3A_84 = arith.constant 0 : i32
        %dma_start3A_85 = tpu.memref_slice %arg8[%scan3A_14, %dma_start3A_83, %dma_start3A_84] : memref<2x80x128xi32, #tpu.memory_space<vmem>> -> memref<1x80x128xi32, #tpu.memory_space<vmem>>
        %dma_start3A_86 = tpu.memref_squeeze %dma_start3A_85 : memref<1x80x128xi32, #tpu.memory_space<vmem>> -> memref<80x128xi32, #tpu.memory_space<vmem>>
        %dma_start3A_87 = arith.constant 0 : i32
        %dma_start3A_88 = tpu.memref_slice %dma_start3A_86[%mul3A_56, %dma_start3A_87] : memref<80x128xi32, #tpu.memory_space<vmem>> -> memref<1x128xi32, #tpu.memory_space<vmem>>
        %dma_start3A_89 = tpu.memref_squeeze %dma_start3A_88 : memref<1x128xi32, #tpu.memory_space<vmem>> -> memref<128xi32, #tpu.memory_space<vmem>>
        %dma_start3A_90 = arith.constant 0 : i32
        %dma_start3A_91 = arith.constant 0 : i32
        %dma_start3A_92 = tpu.memref_slice %arg11[%dma_start3A_90, %dma_start3A_91] : memref<5248x128xf32, #tpu.memory_space<vmem_shared>> -> memref<5248x128xf32, #tpu.memory_space<vmem_shared>>
        tpu.enqueue_indirect_dma source(%arg9 : memref<128x128xf32, #tpu.memory_space<vmem>>) target(%dma_start3A_92 : memref<5248x128xf32, #tpu.memory_space<vmem_shared>>) offsets(%dma_start3A_89 : memref<128xi32, #tpu.memory_space<vmem>>) semaphore(%run_scoped3A_82 : memref<!tpu.dma_semaphore, #tpu.memory_space<semaphore_mem>>) {add = true}
        %dma_wait3A_93 = arith.constant 0 : i32
        %dma_wait3A_94 = arith.constant 0 : i32
        %dma_wait3A_95 = tpu.memref_slice %arg8[%scan3A_14, %dma_wait3A_93, %dma_wait3A_94] : memref<2x80x128xi32, #tpu.memory_space<vmem>> -> memref<1x80x128xi32, #tpu.memory_space<vmem>>
        %dma_wait3A_96 = tpu.memref_squeeze %dma_wait3A_95 : memref<1x80x128xi32, #tpu.memory_space<vmem>> -> memref<80x128xi32, #tpu.memory_space<vmem>>
        %dma_wait3A_97 = arith.constant 0 : i32
        %dma_wait3A_98 = tpu.memref_slice %dma_wait3A_96[%mul3A_56, %dma_wait3A_97] : memref<80x128xi32, #tpu.memory_space<vmem>> -> memref<1x128xi32, #tpu.memory_space<vmem>>
        %dma_wait3A_99 = tpu.memref_squeeze %dma_wait3A_98 : memref<1x128xi32, #tpu.memory_space<vmem>> -> memref<128xi32, #tpu.memory_space<vmem>>
        %dma_wait3A_100 = arith.constant 0 : i32
        %dma_wait3A_101 = arith.constant 0 : i32
        %dma_wait3A_102 = tpu.memref_slice %arg11[%dma_wait3A_100, %dma_wait3A_101] : memref<5248x128xf32, #tpu.memory_space<vmem_shared>> -> memref<5248x128xf32, #tpu.memory_space<vmem_shared>>
        tpu.wait_indirect_dma semaphore(%run_scoped3A_82 : memref<!tpu.dma_semaphore, #tpu.memory_space<semaphore_mem>>) src(%arg9 : memref<128x128xf32, #tpu.memory_space<vmem>>) dst(%dma_wait3A_102 : memref<5248x128xf32, #tpu.memory_space<vmem_shared>>)
        tpu.yield
      }) : () -> ()
      %add3A_72 = arith.constant 1 : i32
      %add3A_73 = arith.addi %add3A_60, %add3A_72 : i32
      %lt3A = arith.constant 80 : i32
      %lt3A_74 = arith.cmpi slt, %add3A_73, %lt3A : i32
      %convert_element_type3A = arith.extui %lt3A_74 : i1 to i32
      %cond3A = arith.constant 0 : i32
      %cond3A_75 = arith.cmpi ne, %convert_element_type3A, %cond3A : i32
      scf.if %cond3A_75 {
        %add3A_82 = arith.constant 1 : i32
        %add3A_83 = arith.addi %add3A_60, %add3A_82 : i32
        %dma_start3A_84 = arith.constant 0 : i32
        %dma_start3A_85 = tpu.memref_slice %arg7[%add3A_83, %dma_start3A_84] : memref<80x128xi32, #tpu.memory_space<vmem>> -> memref<1x128xi32, #tpu.memory_space<vmem>>
        %dma_start3A_86 = tpu.memref_squeeze %dma_start3A_85 : memref<1x128xi32, #tpu.memory_space<vmem>> -> memref<128xi32, #tpu.memory_space<vmem>>
        %dma_start3A_87 = arith.constant 0 : i32
        %dma_start3A_88 = arith.constant 0 : i32
        %dma_start3A_89 = tpu.memref_slice %arg2[%dma_start3A_87, %dma_start3A_88] : memref<20480x128xf32, #tpu.memory_space<hbm>> -> memref<20480x128xf32, #tpu.memory_space<hbm>>
        tpu.enqueue_indirect_dma source(%dma_start3A_89 : memref<20480x128xf32, #tpu.memory_space<hbm>>) target(%arg9 : memref<128x128xf32, #tpu.memory_space<vmem>>) offsets(%dma_start3A_86 : memref<128xi32, #tpu.memory_space<vmem>>) semaphore(%arg12 : memref<!tpu.dma_semaphore, #tpu.memory_space<semaphore_mem>>)
      } else {
      }
      %dma_wait3A_76 = arith.constant 0 : i32
      %dma_wait3A_77 = tpu.memref_slice %arg7[%add3A_60, %dma_wait3A_76] : memref<80x128xi32, #tpu.memory_space<vmem>> -> memref<1x128xi32, #tpu.memory_space<vmem>>
      %dma_wait3A_78 = tpu.memref_squeeze %dma_wait3A_77 : memref<1x128xi32, #tpu.memory_space<vmem>> -> memref<128xi32, #tpu.memory_space<vmem>>
      %dma_wait3A_79 = arith.constant 0 : i32
      %dma_wait3A_80 = arith.constant 0 : i32
      %dma_wait3A_81 = tpu.memref_slice %arg2[%dma_wait3A_79, %dma_wait3A_80] : memref<20480x128xf32, #tpu.memory_space<hbm>> -> memref<20480x128xf32, #tpu.memory_space<hbm>>
      tpu.wait_indirect_dma semaphore(%arg13 : memref<!tpu.dma_semaphore, #tpu.memory_space<semaphore_mem>>) src(%dma_wait3A_81 : memref<20480x128xf32, #tpu.memory_space<hbm>>) dst(%arg10 : memref<128x128xf32, #tpu.memory_space<vmem>>)
      "tpu.region"() ({
        %run_scoped3A_82 = tpu.sem_alloc : memref<!tpu.dma_semaphore, #tpu.memory_space<semaphore_mem>>
        %dma_start3A_83 = arith.constant 0 : i32
        %dma_start3A_84 = arith.constant 0 : i32
        %dma_start3A_85 = tpu.memref_slice %arg8[%scan3A_14, %dma_start3A_83, %dma_start3A_84] : memref<2x80x128xi32, #tpu.memory_space<vmem>> -> memref<1x80x128xi32, #tpu.memory_space<vmem>>
        %dma_start3A_86 = tpu.memref_squeeze %dma_start3A_85 : memref<1x80x128xi32, #tpu.memory_space<vmem>> -> memref<80x128xi32, #tpu.memory_space<vmem>>
        %dma_start3A_87 = arith.constant 0 : i32
        %dma_start3A_88 = tpu.memref_slice %dma_start3A_86[%add3A_60, %dma_start3A_87] : memref<80x128xi32, #tpu.memory_space<vmem>> -> memref<1x128xi32, #tpu.memory_space<vmem>>
        %dma_start3A_89 = tpu.memref_squeeze %dma_start3A_88 : memref<1x128xi32, #tpu.memory_space<vmem>> -> memref<128xi32, #tpu.memory_space<vmem>>
        %dma_start3A_90 = arith.constant 0 : i32
        %dma_start3A_91 = arith.constant 0 : i32
        %dma_start3A_92 = tpu.memref_slice %arg11[%dma_start3A_90, %dma_start3A_91] : memref<5248x128xf32, #tpu.memory_space<vmem_shared>> -> memref<5248x128xf32, #tpu.memory_space<vmem_shared>>
        tpu.enqueue_indirect_dma source(%arg10 : memref<128x128xf32, #tpu.memory_space<vmem>>) target(%dma_start3A_92 : memref<5248x128xf32, #tpu.memory_space<vmem_shared>>) offsets(%dma_start3A_89 : memref<128xi32, #tpu.memory_space<vmem>>) semaphore(%run_scoped3A_82 : memref<!tpu.dma_semaphore, #tpu.memory_space<semaphore_mem>>) {add = true}
        %dma_wait3A_93 = arith.constant 0 : i32
        %dma_wait3A_94 = arith.constant 0 : i32
        %dma_wait3A_95 = tpu.memref_slice %arg8[%scan3A_14, %dma_wait3A_93, %dma_wait3A_94] : memref<2x80x128xi32, #tpu.memory_space<vmem>> -> memref<1x80x128xi32, #tpu.memory_space<vmem>>
        %dma_wait3A_96 = tpu.memref_squeeze %dma_wait3A_95 : memref<1x80x128xi32, #tpu.memory_space<vmem>> -> memref<80x128xi32, #tpu.memory_space<vmem>>
        %dma_wait3A_97 = arith.constant 0 : i32
        %dma_wait3A_98 = tpu.memref_slice %dma_wait3A_96[%add3A_60, %dma_wait3A_97] : memref<80x128xi32, #tpu.memory_space<vmem>> -> memref<1x128xi32, #tpu.memory_space<vmem>>
        %dma_wait3A_99 = tpu.memref_squeeze %dma_wait3A_98 : memref<1x128xi32, #tpu.memory_space<vmem>> -> memref<128xi32, #tpu.memory_space<vmem>>
        %dma_wait3A_100 = arith.constant 0 : i32
        %dma_wait3A_101 = arith.constant 0 : i32
        %dma_wait3A_102 = tpu.memref_slice %arg11[%dma_wait3A_100, %dma_wait3A_101] : memref<5248x128xf32, #tpu.memory_space<vmem_shared>> -> memref<5248x128xf32, #tpu.memory_space<vmem_shared>>
        tpu.wait_indirect_dma semaphore(%run_scoped3A_82 : memref<!tpu.dma_semaphore, #tpu.memory_space<semaphore_mem>>) src(%arg10 : memref<128x128xf32, #tpu.memory_space<vmem>>) dst(%dma_wait3A_102 : memref<5248x128xf32, #tpu.memory_space<vmem_shared>>)
        tpu.yield
      }) : () -> ()
    }
    %scan3A_19 = arith.constant 40 : i32
    %barrier3A_20 = arith.constant 0 : index
    tpu.barrier barrier_id(%barrier3A_20)
    %mul3A_21 = arith.constant 320 : i32
    %mul3A_22 = arith.muli %arg1, %mul3A_21 : i32
    %mul3A_23 = arith.constant 320 : i32
    %mul3A_24 = arith.muli %arg1, %mul3A_23 : i32
    %add3A_25 = arith.constant 0 : i32
    %add3A_26 = arith.addi %add3A_25, %mul3A_24 : i32
    "tpu.region"() ({
      %run_scoped3A_54 = tpu.sem_alloc : memref<!tpu.dma_semaphore, #tpu.memory_space<semaphore_mem>>
      %dma_start3A_55 = arith.constant 0 : i32
      %dma_start3A_56 = arith.constant 0 : i32
      %dma_start3A_57 = tpu.memref_slice %arg6[%arg0, %dma_start3A_55, %dma_start3A_56] : memref<2x10240x128xf32, #tpu.memory_space<hbm>> -> memref<1x10240x128xf32, #tpu.memory_space<hbm>>
      %dma_start3A_58 = tpu.memref_squeeze %dma_start3A_57 : memref<1x10240x128xf32, #tpu.memory_space<hbm>> -> memref<10240x128xf32, #tpu.memory_space<hbm>>
      %dma_start3A_59 = arith.constant 0 : i32
      %dma_start3A_60 = tpu.memref_slice %dma_start3A_58[%add3A_26, %dma_start3A_59] : memref<10240x128xf32, #tpu.memory_space<hbm>> -> memref<320x128xf32, #tpu.memory_space<hbm>>
      %dma_start3A_61 = arith.constant 0 : i32
      %dma_start3A_62 = tpu.memref_slice %arg11[%mul3A_22, %dma_start3A_61] : memref<5248x128xf32, #tpu.memory_space<vmem_shared>> -> memref<320x128xf32, #tpu.memory_space<vmem_shared>>
      tpu.enqueue_dma source(%dma_start3A_62 : memref<320x128xf32, #tpu.memory_space<vmem_shared>>) target(%dma_start3A_60 : memref<320x128xf32, #tpu.memory_space<hbm>>) target_semaphore(%run_scoped3A_54 : memref<!tpu.dma_semaphore, #tpu.memory_space<semaphore_mem>>)
      %dma_wait3A = arith.constant 0 : i32
      %dma_wait3A_63 = arith.constant 0 : i32
      %dma_wait3A_64 = tpu.memref_slice %arg6[%arg0, %dma_wait3A, %dma_wait3A_63] : memref<2x10240x128xf32, #tpu.memory_space<hbm>> -> memref<1x10240x128xf32, #tpu.memory_space<hbm>>
      %dma_wait3A_65 = tpu.memref_squeeze %dma_wait3A_64 : memref<1x10240x128xf32, #tpu.memory_space<hbm>> -> memref<10240x128xf32, #tpu.memory_space<hbm>>
      %dma_wait3A_66 = arith.constant 0 : i32
      %dma_wait3A_67 = tpu.memref_slice %dma_wait3A_65[%add3A_26, %dma_wait3A_66] : memref<10240x128xf32, #tpu.memory_space<hbm>> -> memref<320x128xf32, #tpu.memory_space<hbm>>
      %dma_wait3A_68 = arith.constant 0 : i32
      %dma_wait3A_69 = tpu.memref_slice %arg11[%mul3A_22, %dma_wait3A_68] : memref<5248x128xf32, #tpu.memory_space<vmem_shared>> -> memref<320x128xf32, #tpu.memory_space<vmem_shared>>
      tpu.wait_dma2 semaphore(%run_scoped3A_54 : memref<!tpu.dma_semaphore, #tpu.memory_space<semaphore_mem>>) src(%dma_wait3A_69 : memref<320x128xf32, #tpu.memory_space<vmem_shared>>) dst(%dma_wait3A_67 : memref<320x128xf32, #tpu.memory_space<hbm>>)
      tpu.yield
    }) : () -> ()
    %barrier3A_27 = arith.constant 0 : index
    tpu.barrier barrier_id(%barrier3A_27)
    %mul3A_28 = arith.constant 328 : i32
    %mul3A_29 = arith.muli %arg1, %mul3A_28 : i32
    %mul3A_30 = arith.constant 328 : i32
    %mul3A_31 = arith.muli %arg1, %mul3A_30 : i32
    "tpu.region"() ({
      %run_scoped3A_54 = tpu.sem_alloc : memref<!tpu.dma_semaphore, #tpu.memory_space<semaphore_mem>>
      %dma_start3A_55 = arith.constant 0 : i32
      %dma_start3A_56 = tpu.memref_slice %arg11[%mul3A_31, %dma_start3A_55] : memref<5248x128xf32, #tpu.memory_space<vmem_shared>> -> memref<328x128xf32, #tpu.memory_space<vmem_shared>>
      %dma_start3A_57 = arith.constant 0 : i32
      %dma_start3A_58 = tpu.memref_slice %arg5[%mul3A_29, %dma_start3A_57] : memref<5248x128xf32, #tpu.memory_space<hbm>> -> memref<328x128xf32, #tpu.memory_space<hbm>>
      tpu.enqueue_dma source(%dma_start3A_58 : memref<328x128xf32, #tpu.memory_space<hbm>>) target(%dma_start3A_56 : memref<328x128xf32, #tpu.memory_space<vmem_shared>>) target_semaphore(%run_scoped3A_54 : memref<!tpu.dma_semaphore, #tpu.memory_space<semaphore_mem>>)
      %dma_wait3A = arith.constant 0 : i32
      %dma_wait3A_59 = tpu.memref_slice %arg11[%mul3A_31, %dma_wait3A] : memref<5248x128xf32, #tpu.memory_space<vmem_shared>> -> memref<328x128xf32, #tpu.memory_space<vmem_shared>>
      %dma_wait3A_60 = arith.constant 0 : i32
      %dma_wait3A_61 = tpu.memref_slice %arg5[%mul3A_29, %dma_wait3A_60] : memref<5248x128xf32, #tpu.memory_space<hbm>> -> memref<328x128xf32, #tpu.memory_space<hbm>>
      tpu.wait_dma2 semaphore(%run_scoped3A_54 : memref<!tpu.dma_semaphore, #tpu.memory_space<semaphore_mem>>) src(%dma_wait3A_61 : memref<328x128xf32, #tpu.memory_space<hbm>>) dst(%dma_wait3A_59 : memref<328x128xf32, #tpu.memory_space<vmem_shared>>)
      tpu.yield
    }) : () -> ()
    %barrier3A_32 = arith.constant 0 : index
    tpu.barrier barrier_id(%barrier3A_32)
    %dma_start3A_33 = arith.constant 0 : i32
    %dma_start3A_34 = arith.constant 0 : i32
    %dma_start3A_35 = tpu.memref_slice %arg7[%dma_start3A_33, %dma_start3A_34] : memref<80x128xi32, #tpu.memory_space<vmem>> -> memref<1x128xi32, #tpu.memory_space<vmem>>
    %dma_start3A_36 = tpu.memref_squeeze %dma_start3A_35 : memref<1x128xi32, #tpu.memory_space<vmem>> -> memref<128xi32, #tpu.memory_space<vmem>>
    %dma_start3A_37 = arith.constant 0 : i32
    %dma_start3A_38 = arith.constant 0 : i32
    %dma_start3A_39 = tpu.memref_slice %arg2[%dma_start3A_37, %dma_start3A_38] : memref<20480x128xf32, #tpu.memory_space<hbm>> -> memref<20480x128xf32, #tpu.memory_space<hbm>>
    tpu.enqueue_indirect_dma source(%dma_start3A_39 : memref<20480x128xf32, #tpu.memory_space<hbm>>) target(%arg9 : memref<128x128xf32, #tpu.memory_space<vmem>>) offsets(%dma_start3A_36 : memref<128xi32, #tpu.memory_space<vmem>>) semaphore(%arg12 : memref<!tpu.dma_semaphore, #tpu.memory_space<semaphore_mem>>)
    %scan3A_40 = arith.constant 0 : i32
    %scan3A_41 = arith.constant 1 : i32
    %scan3A_42 = arith.constant 0 : i32
    %scan3A_43 = arith.constant 40 : i32
    %scan3A_44 = arith.addi %scan3A_42, %scan3A_43 : i32
    %scan3A_45 = arith.constant 1 : i32
    scf.for %scan3A_54 = %scan3A_42 to %scan3A_44 step %scan3A_45  : i32 {
      %mul3A_55 = arith.constant 2 : i32
      %mul3A_56 = arith.muli %mul3A_55, %scan3A_54 : i32
      %mul3A_57 = arith.constant 2 : i32
      %mul3A_58 = arith.muli %mul3A_57, %scan3A_54 : i32
      %add3A_59 = arith.constant 1 : i32
      %add3A_60 = arith.addi %mul3A_58, %add3A_59 : i32
      %dma_start3A_61 = arith.constant 0 : i32
      %dma_start3A_62 = tpu.memref_slice %arg7[%add3A_60, %dma_start3A_61] : memref<80x128xi32, #tpu.memory_space<vmem>> -> memref<1x128xi32, #tpu.memory_space<vmem>>
      %dma_start3A_63 = tpu.memref_squeeze %dma_start3A_62 : memref<1x128xi32, #tpu.memory_space<vmem>> -> memref<128xi32, #tpu.memory_space<vmem>>
      %dma_start3A_64 = arith.constant 0 : i32
      %dma_start3A_65 = arith.constant 0 : i32
      %dma_start3A_66 = tpu.memref_slice %arg2[%dma_start3A_64, %dma_start3A_65] : memref<20480x128xf32, #tpu.memory_space<hbm>> -> memref<20480x128xf32, #tpu.memory_space<hbm>>
      tpu.enqueue_indirect_dma source(%dma_start3A_66 : memref<20480x128xf32, #tpu.memory_space<hbm>>) target(%arg10 : memref<128x128xf32, #tpu.memory_space<vmem>>) offsets(%dma_start3A_63 : memref<128xi32, #tpu.memory_space<vmem>>) semaphore(%arg13 : memref<!tpu.dma_semaphore, #tpu.memory_space<semaphore_mem>>)
      %dma_wait3A = arith.constant 0 : i32
      %dma_wait3A_67 = tpu.memref_slice %arg7[%mul3A_56, %dma_wait3A] : memref<80x128xi32, #tpu.memory_space<vmem>> -> memref<1x128xi32, #tpu.memory_space<vmem>>
      %dma_wait3A_68 = tpu.memref_squeeze %dma_wait3A_67 : memref<1x128xi32, #tpu.memory_space<vmem>> -> memref<128xi32, #tpu.memory_space<vmem>>
      %dma_wait3A_69 = arith.constant 0 : i32
      %dma_wait3A_70 = arith.constant 0 : i32
      %dma_wait3A_71 = tpu.memref_slice %arg2[%dma_wait3A_69, %dma_wait3A_70] : memref<20480x128xf32, #tpu.memory_space<hbm>> -> memref<20480x128xf32, #tpu.memory_space<hbm>>
      tpu.wait_indirect_dma semaphore(%arg12 : memref<!tpu.dma_semaphore, #tpu.memory_space<semaphore_mem>>) src(%dma_wait3A_71 : memref<20480x128xf32, #tpu.memory_space<hbm>>) dst(%arg9 : memref<128x128xf32, #tpu.memory_space<vmem>>)
      "tpu.region"() ({
        %run_scoped3A_82 = tpu.sem_alloc : memref<!tpu.dma_semaphore, #tpu.memory_space<semaphore_mem>>
        %dma_start3A_83 = arith.constant 0 : i32
        %dma_start3A_84 = arith.constant 0 : i32
        %dma_start3A_85 = tpu.memref_slice %arg8[%scan3A_41, %dma_start3A_83, %dma_start3A_84] : memref<2x80x128xi32, #tpu.memory_space<vmem>> -> memref<1x80x128xi32, #tpu.memory_space<vmem>>
        %dma_start3A_86 = tpu.memref_squeeze %dma_start3A_85 : memref<1x80x128xi32, #tpu.memory_space<vmem>> -> memref<80x128xi32, #tpu.memory_space<vmem>>
        %dma_start3A_87 = arith.constant 0 : i32
        %dma_start3A_88 = tpu.memref_slice %dma_start3A_86[%mul3A_56, %dma_start3A_87] : memref<80x128xi32, #tpu.memory_space<vmem>> -> memref<1x128xi32, #tpu.memory_space<vmem>>
        %dma_start3A_89 = tpu.memref_squeeze %dma_start3A_88 : memref<1x128xi32, #tpu.memory_space<vmem>> -> memref<128xi32, #tpu.memory_space<vmem>>
        %dma_start3A_90 = arith.constant 0 : i32
        %dma_start3A_91 = arith.constant 0 : i32
        %dma_start3A_92 = tpu.memref_slice %arg11[%dma_start3A_90, %dma_start3A_91] : memref<5248x128xf32, #tpu.memory_space<vmem_shared>> -> memref<5248x128xf32, #tpu.memory_space<vmem_shared>>
        tpu.enqueue_indirect_dma source(%arg9 : memref<128x128xf32, #tpu.memory_space<vmem>>) target(%dma_start3A_92 : memref<5248x128xf32, #tpu.memory_space<vmem_shared>>) offsets(%dma_start3A_89 : memref<128xi32, #tpu.memory_space<vmem>>) semaphore(%run_scoped3A_82 : memref<!tpu.dma_semaphore, #tpu.memory_space<semaphore_mem>>) {add = true}
        %dma_wait3A_93 = arith.constant 0 : i32
        %dma_wait3A_94 = arith.constant 0 : i32
        %dma_wait3A_95 = tpu.memref_slice %arg8[%scan3A_41, %dma_wait3A_93, %dma_wait3A_94] : memref<2x80x128xi32, #tpu.memory_space<vmem>> -> memref<1x80x128xi32, #tpu.memory_space<vmem>>
        %dma_wait3A_96 = tpu.memref_squeeze %dma_wait3A_95 : memref<1x80x128xi32, #tpu.memory_space<vmem>> -> memref<80x128xi32, #tpu.memory_space<vmem>>
        %dma_wait3A_97 = arith.constant 0 : i32
        %dma_wait3A_98 = tpu.memref_slice %dma_wait3A_96[%mul3A_56, %dma_wait3A_97] : memref<80x128xi32, #tpu.memory_space<vmem>> -> memref<1x128xi32, #tpu.memory_space<vmem>>
        %dma_wait3A_99 = tpu.memref_squeeze %dma_wait3A_98 : memref<1x128xi32, #tpu.memory_space<vmem>> -> memref<128xi32, #tpu.memory_space<vmem>>
        %dma_wait3A_100 = arith.constant 0 : i32
        %dma_wait3A_101 = arith.constant 0 : i32
        %dma_wait3A_102 = tpu.memref_slice %arg11[%dma_wait3A_100, %dma_wait3A_101] : memref<5248x128xf32, #tpu.memory_space<vmem_shared>> -> memref<5248x128xf32, #tpu.memory_space<vmem_shared>>
        tpu.wait_indirect_dma semaphore(%run_scoped3A_82 : memref<!tpu.dma_semaphore, #tpu.memory_space<semaphore_mem>>) src(%arg9 : memref<128x128xf32, #tpu.memory_space<vmem>>) dst(%dma_wait3A_102 : memref<5248x128xf32, #tpu.memory_space<vmem_shared>>)
        tpu.yield
      }) : () -> ()
      %add3A_72 = arith.constant 1 : i32
      %add3A_73 = arith.addi %add3A_60, %add3A_72 : i32
      %lt3A = arith.constant 80 : i32
      %lt3A_74 = arith.cmpi slt, %add3A_73, %lt3A : i32
      %convert_element_type3A = arith.extui %lt3A_74 : i1 to i32
      %cond3A = arith.constant 0 : i32
      %cond3A_75 = arith.cmpi ne, %convert_element_type3A, %cond3A : i32
      scf.if %cond3A_75 {
        %add3A_82 = arith.constant 1 : i32
        %add3A_83 = arith.addi %add3A_60, %add3A_82 : i32
        %dma_start3A_84 = arith.constant 0 : i32
        %dma_start3A_85 = tpu.memref_slice %arg7[%add3A_83, %dma_start3A_84] : memref<80x128xi32, #tpu.memory_space<vmem>> -> memref<1x128xi32, #tpu.memory_space<vmem>>
        %dma_start3A_86 = tpu.memref_squeeze %dma_start3A_85 : memref<1x128xi32, #tpu.memory_space<vmem>> -> memref<128xi32, #tpu.memory_space<vmem>>
        %dma_start3A_87 = arith.constant 0 : i32
        %dma_start3A_88 = arith.constant 0 : i32
        %dma_start3A_89 = tpu.memref_slice %arg2[%dma_start3A_87, %dma_start3A_88] : memref<20480x128xf32, #tpu.memory_space<hbm>> -> memref<20480x128xf32, #tpu.memory_space<hbm>>
        tpu.enqueue_indirect_dma source(%dma_start3A_89 : memref<20480x128xf32, #tpu.memory_space<hbm>>) target(%arg9 : memref<128x128xf32, #tpu.memory_space<vmem>>) offsets(%dma_start3A_86 : memref<128xi32, #tpu.memory_space<vmem>>) semaphore(%arg12 : memref<!tpu.dma_semaphore, #tpu.memory_space<semaphore_mem>>)
      } else {
      }
      %dma_wait3A_76 = arith.constant 0 : i32
      %dma_wait3A_77 = tpu.memref_slice %arg7[%add3A_60, %dma_wait3A_76] : memref<80x128xi32, #tpu.memory_space<vmem>> -> memref<1x128xi32, #tpu.memory_space<vmem>>
      %dma_wait3A_78 = tpu.memref_squeeze %dma_wait3A_77 : memref<1x128xi32, #tpu.memory_space<vmem>> -> memref<128xi32, #tpu.memory_space<vmem>>
      %dma_wait3A_79 = arith.constant 0 : i32
      %dma_wait3A_80 = arith.constant 0 : i32
      %dma_wait3A_81 = tpu.memref_slice %arg2[%dma_wait3A_79, %dma_wait3A_80] : memref<20480x128xf32, #tpu.memory_space<hbm>> -> memref<20480x128xf32, #tpu.memory_space<hbm>>
      tpu.wait_indirect_dma semaphore(%arg13 : memref<!tpu.dma_semaphore, #tpu.memory_space<semaphore_mem>>) src(%dma_wait3A_81 : memref<20480x128xf32, #tpu.memory_space<hbm>>) dst(%arg10 : memref<128x128xf32, #tpu.memory_space<vmem>>)
      "tpu.region"() ({
        %run_scoped3A_82 = tpu.sem_alloc : memref<!tpu.dma_semaphore, #tpu.memory_space<semaphore_mem>>
        %dma_start3A_83 = arith.constant 0 : i32
        %dma_start3A_84 = arith.constant 0 : i32
        %dma_start3A_85 = tpu.memref_slice %arg8[%scan3A_41, %dma_start3A_83, %dma_start3A_84] : memref<2x80x128xi32, #tpu.memory_space<vmem>> -> memref<1x80x128xi32, #tpu.memory_space<vmem>>
        %dma_start3A_86 = tpu.memref_squeeze %dma_start3A_85 : memref<1x80x128xi32, #tpu.memory_space<vmem>> -> memref<80x128xi32, #tpu.memory_space<vmem>>
        %dma_start3A_87 = arith.constant 0 : i32
        %dma_start3A_88 = tpu.memref_slice %dma_start3A_86[%add3A_60, %dma_start3A_87] : memref<80x128xi32, #tpu.memory_space<vmem>> -> memref<1x128xi32, #tpu.memory_space<vmem>>
        %dma_start3A_89 = tpu.memref_squeeze %dma_start3A_88 : memref<1x128xi32, #tpu.memory_space<vmem>> -> memref<128xi32, #tpu.memory_space<vmem>>
        %dma_start3A_90 = arith.constant 0 : i32
        %dma_start3A_91 = arith.constant 0 : i32
        %dma_start3A_92 = tpu.memref_slice %arg11[%dma_start3A_90, %dma_start3A_91] : memref<5248x128xf32, #tpu.memory_space<vmem_shared>> -> memref<5248x128xf32, #tpu.memory_space<vmem_shared>>
        tpu.enqueue_indirect_dma source(%arg10 : memref<128x128xf32, #tpu.memory_space<vmem>>) target(%dma_start3A_92 : memref<5248x128xf32, #tpu.memory_space<vmem_shared>>) offsets(%dma_start3A_89 : memref<128xi32, #tpu.memory_space<vmem>>) semaphore(%run_scoped3A_82 : memref<!tpu.dma_semaphore, #tpu.memory_space<semaphore_mem>>) {add = true}
        %dma_wait3A_93 = arith.constant 0 : i32
        %dma_wait3A_94 = arith.constant 0 : i32
        %dma_wait3A_95 = tpu.memref_slice %arg8[%scan3A_41, %dma_wait3A_93, %dma_wait3A_94] : memref<2x80x128xi32, #tpu.memory_space<vmem>> -> memref<1x80x128xi32, #tpu.memory_space<vmem>>
        %dma_wait3A_96 = tpu.memref_squeeze %dma_wait3A_95 : memref<1x80x128xi32, #tpu.memory_space<vmem>> -> memref<80x128xi32, #tpu.memory_space<vmem>>
        %dma_wait3A_97 = arith.constant 0 : i32
        %dma_wait3A_98 = tpu.memref_slice %dma_wait3A_96[%add3A_60, %dma_wait3A_97] : memref<80x128xi32, #tpu.memory_space<vmem>> -> memref<1x128xi32, #tpu.memory_space<vmem>>
        %dma_wait3A_99 = tpu.memref_squeeze %dma_wait3A_98 : memref<1x128xi32, #tpu.memory_space<vmem>> -> memref<128xi32, #tpu.memory_space<vmem>>
        %dma_wait3A_100 = arith.constant 0 : i32
        %dma_wait3A_101 = arith.constant 0 : i32
        %dma_wait3A_102 = tpu.memref_slice %arg11[%dma_wait3A_100, %dma_wait3A_101] : memref<5248x128xf32, #tpu.memory_space<vmem_shared>> -> memref<5248x128xf32, #tpu.memory_space<vmem_shared>>
        tpu.wait_indirect_dma semaphore(%run_scoped3A_82 : memref<!tpu.dma_semaphore, #tpu.memory_space<semaphore_mem>>) src(%arg10 : memref<128x128xf32, #tpu.memory_space<vmem>>) dst(%dma_wait3A_102 : memref<5248x128xf32, #tpu.memory_space<vmem_shared>>)
        tpu.yield
      }) : () -> ()
    }
    %scan3A_46 = arith.constant 40 : i32
    %barrier3A_47 = arith.constant 0 : index
    tpu.barrier barrier_id(%barrier3A_47)
    %mul3A_48 = arith.constant 320 : i32
    %mul3A_49 = arith.muli %arg1, %mul3A_48 : i32
    %mul3A_50 = arith.constant 320 : i32
    %mul3A_51 = arith.muli %arg1, %mul3A_50 : i32
    %add3A_52 = arith.constant 5120 : i32
    %add3A_53 = arith.addi %add3A_52, %mul3A_51 : i32
    "tpu.region"() ({
      %run_scoped3A_54 = tpu.sem_alloc : memref<!tpu.dma_semaphore, #tpu.memory_space<semaphore_mem>>
      %dma_start3A_55 = arith.constant 0 : i32
      %dma_start3A_56 = arith.constant 0 : i32
      %dma_start3A_57 = tpu.memref_slice %arg6[%arg0, %dma_start3A_55, %dma_start3A_56] : memref<2x10240x128xf32, #tpu.memory_space<hbm>> -> memref<1x10240x128xf32, #tpu.memory_space<hbm>>
      %dma_start3A_58 = tpu.memref_squeeze %dma_start3A_57 : memref<1x10240x128xf32, #tpu.memory_space<hbm>> -> memref<10240x128xf32, #tpu.memory_space<hbm>>
      %dma_start3A_59 = arith.constant 0 : i32
      %dma_start3A_60 = tpu.memref_slice %dma_start3A_58[%add3A_53, %dma_start3A_59] : memref<10240x128xf32, #tpu.memory_space<hbm>> -> memref<320x128xf32, #tpu.memory_space<hbm>>
      %dma_start3A_61 = arith.constant 0 : i32
      %dma_start3A_62 = tpu.memref_slice %arg11[%mul3A_49, %dma_start3A_61] : memref<5248x128xf32, #tpu.memory_space<vmem_shared>> -> memref<320x128xf32, #tpu.memory_space<vmem_shared>>
      tpu.enqueue_dma source(%dma_start3A_62 : memref<320x128xf32, #tpu.memory_space<vmem_shared>>) target(%dma_start3A_60 : memref<320x128xf32, #tpu.memory_space<hbm>>) target_semaphore(%run_scoped3A_54 : memref<!tpu.dma_semaphore, #tpu.memory_space<semaphore_mem>>)
      %dma_wait3A = arith.constant 0 : i32
      %dma_wait3A_63 = arith.constant 0 : i32
      %dma_wait3A_64 = tpu.memref_slice %arg6[%arg0, %dma_wait3A, %dma_wait3A_63] : memref<2x10240x128xf32, #tpu.memory_space<hbm>> -> memref<1x10240x128xf32, #tpu.memory_space<hbm>>
      %dma_wait3A_65 = tpu.memref_squeeze %dma_wait3A_64 : memref<1x10240x128xf32, #tpu.memory_space<hbm>> -> memref<10240x128xf32, #tpu.memory_space<hbm>>
      %dma_wait3A_66 = arith.constant 0 : i32
      %dma_wait3A_67 = tpu.memref_slice %dma_wait3A_65[%add3A_53, %dma_wait3A_66] : memref<10240x128xf32, #tpu.memory_space<hbm>> -> memref<320x128xf32, #tpu.memory_space<hbm>>
      %dma_wait3A_68 = arith.constant 0 : i32
      %dma_wait3A_69 = tpu.memref_slice %arg11[%mul3A_49, %dma_wait3A_68] : memref<5248x128xf32, #tpu.memory_space<vmem_shared>> -> memref<320x128xf32, #tpu.memory_space<vmem_shared>>
      tpu.wait_dma2 semaphore(%run_scoped3A_54 : memref<!tpu.dma_semaphore, #tpu.memory_space<semaphore_mem>>) src(%dma_wait3A_69 : memref<320x128xf32, #tpu.memory_space<vmem_shared>>) dst(%dma_wait3A_67 : memref<320x128xf32, #tpu.memory_space<hbm>>)
      tpu.yield
    }) : () -> ()
    return
  }
}

#map = affine_map<(d0, d1) -> (0, 0, 0, 0)>
#map1 = affine_map<(d0, d1) -> (0, 0)>
module attributes {stable_mosaic.version = 14 : i64} {
  func.func @body(%arg0: i32, %arg1: i32, %arg2: memref<2x16x80x128xi32, #tpu.memory_space<hbm>>, %arg3: memref<128x128xf32, #tpu.memory_space<hbm>>, %arg4: memref<5248x128xf32, #tpu.memory_space<hbm>>, %arg5: memref<10240x128xf32, #tpu.memory_space<hbm>>, %arg6: memref<80x128xi32, #tpu.memory_space<vmem>>, %arg7: memref<128x128xf32, #tpu.memory_space<vmem>>, %arg8: memref<5248x128xf32, #tpu.memory_space<vmem_shared>>, %arg9: memref<!tpu.dma_semaphore, #tpu.memory_space<semaphore_mem>>, %arg10: memref<!tpu.dma_semaphore, #tpu.memory_space<semaphore_mem>>) attributes {dimension_semantics = [#tpu.dimension_semantics<core_parallel>, #tpu.dimension_semantics<subcore_parallel>], iteration_bounds = array<i64: 2, 16>, scalar_prefetch = 0 : i64, scratch_operands = 5 : i64, tpu.core_type = #tpu.core_type<sc_vector_subcore>, window_params = [{transform_indices = #map}, {transform_indices = #map1}, {transform_indices = #map1}, {transform_indices = #map1}]} {
    "tpu.region"() ({
      %run_scoped3A = tpu.sem_alloc : memref<!tpu.dma_semaphore, #tpu.memory_space<semaphore_mem>>
      %dma_start3A_21 = arith.constant 0 : i32
      %dma_start3A_22 = arith.constant 0 : i32
      %dma_start3A_23 = arith.constant 0 : i32
      %dma_start3A_24 = tpu.memref_slice %arg2[%arg0, %dma_start3A_21, %dma_start3A_22, %dma_start3A_23] : memref<2x16x80x128xi32, #tpu.memory_space<hbm>> -> memref<1x16x80x128xi32, #tpu.memory_space<hbm>>
      %dma_start3A_25 = tpu.memref_squeeze %dma_start3A_24 : memref<1x16x80x128xi32, #tpu.memory_space<hbm>> -> memref<16x80x128xi32, #tpu.memory_space<hbm>>
      %dma_start3A_26 = arith.constant 0 : i32
      %dma_start3A_27 = arith.constant 0 : i32
      %dma_start3A_28 = tpu.memref_slice %dma_start3A_25[%arg1, %dma_start3A_26, %dma_start3A_27] : memref<16x80x128xi32, #tpu.memory_space<hbm>> -> memref<1x80x128xi32, #tpu.memory_space<hbm>>
      %dma_start3A_29 = tpu.memref_squeeze %dma_start3A_28 : memref<1x80x128xi32, #tpu.memory_space<hbm>> -> memref<80x128xi32, #tpu.memory_space<hbm>>
      %dma_start3A_30 = arith.constant 0 : i32
      %dma_start3A_31 = arith.constant 0 : i32
      %dma_start3A_32 = arith.constant 0 : i32
      %dma_start3A_33 = tpu.memref_slice %arg2[%arg0, %dma_start3A_30, %dma_start3A_31, %dma_start3A_32] : memref<2x16x80x128xi32, #tpu.memory_space<hbm>> -> memref<1x16x80x128xi32, #tpu.memory_space<hbm>>
      %dma_start3A_34 = tpu.memref_squeeze %dma_start3A_33 : memref<1x16x80x128xi32, #tpu.memory_space<hbm>> -> memref<16x80x128xi32, #tpu.memory_space<hbm>>
      %dma_start3A_35 = arith.constant 0 : i32
      %dma_start3A_36 = arith.constant 0 : i32
      %dma_start3A_37 = tpu.memref_slice %dma_start3A_34[%arg1, %dma_start3A_35, %dma_start3A_36] : memref<16x80x128xi32, #tpu.memory_space<hbm>> -> memref<1x80x128xi32, #tpu.memory_space<hbm>>
      %dma_start3A_38 = tpu.memref_squeeze %dma_start3A_37 : memref<1x80x128xi32, #tpu.memory_space<hbm>> -> memref<80x128xi32, #tpu.memory_space<hbm>>
      tpu.enqueue_dma source(%dma_start3A_38 : memref<80x128xi32, #tpu.memory_space<hbm>>) target(%arg6 : memref<80x128xi32, #tpu.memory_space<vmem>>) target_semaphore(%run_scoped3A : memref<!tpu.dma_semaphore, #tpu.memory_space<semaphore_mem>>)
      %dma_wait3A = arith.constant 0 : i32
      %dma_wait3A_39 = arith.constant 0 : i32
      %dma_wait3A_40 = arith.constant 0 : i32
      %dma_wait3A_41 = tpu.memref_slice %arg2[%arg0, %dma_wait3A, %dma_wait3A_39, %dma_wait3A_40] : memref<2x16x80x128xi32, #tpu.memory_space<hbm>> -> memref<1x16x80x128xi32, #tpu.memory_space<hbm>>
      %dma_wait3A_42 = tpu.memref_squeeze %dma_wait3A_41 : memref<1x16x80x128xi32, #tpu.memory_space<hbm>> -> memref<16x80x128xi32, #tpu.memory_space<hbm>>
      %dma_wait3A_43 = arith.constant 0 : i32
      %dma_wait3A_44 = arith.constant 0 : i32
      %dma_wait3A_45 = tpu.memref_slice %dma_wait3A_42[%arg1, %dma_wait3A_43, %dma_wait3A_44] : memref<16x80x128xi32, #tpu.memory_space<hbm>> -> memref<1x80x128xi32, #tpu.memory_space<hbm>>
      %dma_wait3A_46 = tpu.memref_squeeze %dma_wait3A_45 : memref<1x80x128xi32, #tpu.memory_space<hbm>> -> memref<80x128xi32, #tpu.memory_space<hbm>>
      %dma_wait3A_47 = arith.constant 0 : i32
      %dma_wait3A_48 = arith.constant 0 : i32
      %dma_wait3A_49 = arith.constant 0 : i32
      %dma_wait3A_50 = tpu.memref_slice %arg2[%arg0, %dma_wait3A_47, %dma_wait3A_48, %dma_wait3A_49] : memref<2x16x80x128xi32, #tpu.memory_space<hbm>> -> memref<1x16x80x128xi32, #tpu.memory_space<hbm>>
      %dma_wait3A_51 = tpu.memref_squeeze %dma_wait3A_50 : memref<1x16x80x128xi32, #tpu.memory_space<hbm>> -> memref<16x80x128xi32, #tpu.memory_space<hbm>>
      %dma_wait3A_52 = arith.constant 0 : i32
      %dma_wait3A_53 = arith.constant 0 : i32
      %dma_wait3A_54 = tpu.memref_slice %dma_wait3A_51[%arg1, %dma_wait3A_52, %dma_wait3A_53] : memref<16x80x128xi32, #tpu.memory_space<hbm>> -> memref<1x80x128xi32, #tpu.memory_space<hbm>>
      %dma_wait3A_55 = tpu.memref_squeeze %dma_wait3A_54 : memref<1x80x128xi32, #tpu.memory_space<hbm>> -> memref<80x128xi32, #tpu.memory_space<hbm>>
      tpu.wait_dma2 semaphore(%run_scoped3A : memref<!tpu.dma_semaphore, #tpu.memory_space<semaphore_mem>>) src(%dma_wait3A_55 : memref<80x128xi32, #tpu.memory_space<hbm>>) dst(%arg6 : memref<80x128xi32, #tpu.memory_space<vmem>>)
      tpu.yield
    }) : () -> ()
    "tpu.region"() ({
      %run_scoped3A = tpu.sem_alloc : memref<!tpu.dma_semaphore, #tpu.memory_space<semaphore_mem>>
      tpu.enqueue_dma source(%arg3 : memref<128x128xf32, #tpu.memory_space<hbm>>) target(%arg7 : memref<128x128xf32, #tpu.memory_space<vmem>>) target_semaphore(%run_scoped3A : memref<!tpu.dma_semaphore, #tpu.memory_space<semaphore_mem>>)
      tpu.wait_dma2 semaphore(%run_scoped3A : memref<!tpu.dma_semaphore, #tpu.memory_space<semaphore_mem>>) src(%arg3 : memref<128x128xf32, #tpu.memory_space<hbm>>) dst(%arg7 : memref<128x128xf32, #tpu.memory_space<vmem>>)
      tpu.yield
    }) : () -> ()
    %mul3A = arith.constant 328 : i32
    %mul3A_0 = arith.muli %arg1, %mul3A : i32
    %mul3A_1 = arith.constant 328 : i32
    %mul3A_2 = arith.muli %arg1, %mul3A_1 : i32
    "tpu.region"() ({
      %run_scoped3A = tpu.sem_alloc : memref<!tpu.dma_semaphore, #tpu.memory_space<semaphore_mem>>
      %dma_start3A_21 = arith.constant 0 : i32
      %dma_start3A_22 = tpu.memref_slice %arg8[%mul3A_2, %dma_start3A_21] : memref<5248x128xf32, #tpu.memory_space<vmem_shared>> -> memref<328x128xf32, #tpu.memory_space<vmem_shared>>
      %dma_start3A_23 = arith.constant 0 : i32
      %dma_start3A_24 = tpu.memref_slice %arg4[%mul3A_0, %dma_start3A_23] : memref<5248x128xf32, #tpu.memory_space<hbm>> -> memref<328x128xf32, #tpu.memory_space<hbm>>
      tpu.enqueue_dma source(%dma_start3A_24 : memref<328x128xf32, #tpu.memory_space<hbm>>) target(%dma_start3A_22 : memref<328x128xf32, #tpu.memory_space<vmem_shared>>) target_semaphore(%run_scoped3A : memref<!tpu.dma_semaphore, #tpu.memory_space<semaphore_mem>>)
      %dma_wait3A = arith.constant 0 : i32
      %dma_wait3A_25 = tpu.memref_slice %arg8[%mul3A_2, %dma_wait3A] : memref<5248x128xf32, #tpu.memory_space<vmem_shared>> -> memref<328x128xf32, #tpu.memory_space<vmem_shared>>
      %dma_wait3A_26 = arith.constant 0 : i32
      %dma_wait3A_27 = tpu.memref_slice %arg4[%mul3A_0, %dma_wait3A_26] : memref<5248x128xf32, #tpu.memory_space<hbm>> -> memref<328x128xf32, #tpu.memory_space<hbm>>
      tpu.wait_dma2 semaphore(%run_scoped3A : memref<!tpu.dma_semaphore, #tpu.memory_space<semaphore_mem>>) src(%dma_wait3A_27 : memref<328x128xf32, #tpu.memory_space<hbm>>) dst(%dma_wait3A_25 : memref<328x128xf32, #tpu.memory_space<vmem_shared>>)
      tpu.yield
    }) : () -> ()
    %barrier3A = arith.constant 0 : index
    tpu.barrier barrier_id(%barrier3A)
    %dma_start3A = arith.constant 0 : i32
    %dma_start3A_3 = arith.constant 0 : i32
    %dma_start3A_4 = tpu.memref_slice %arg6[%dma_start3A, %dma_start3A_3] : memref<80x128xi32, #tpu.memory_space<vmem>> -> memref<1x128xi32, #tpu.memory_space<vmem>>
    %dma_start3A_5 = tpu.memref_squeeze %dma_start3A_4 : memref<1x128xi32, #tpu.memory_space<vmem>> -> memref<128xi32, #tpu.memory_space<vmem>>
    %dma_start3A_6 = arith.constant 0 : i32
    %dma_start3A_7 = arith.constant 0 : i32
    %dma_start3A_8 = tpu.memref_slice %arg8[%dma_start3A_6, %dma_start3A_7] : memref<5248x128xf32, #tpu.memory_space<vmem_shared>> -> memref<5248x128xf32, #tpu.memory_space<vmem_shared>>
    tpu.enqueue_indirect_dma source(%arg7 : memref<128x128xf32, #tpu.memory_space<vmem>>) target(%dma_start3A_8 : memref<5248x128xf32, #tpu.memory_space<vmem_shared>>) offsets(%dma_start3A_5 : memref<128xi32, #tpu.memory_space<vmem>>) semaphore(%arg9 : memref<!tpu.dma_semaphore, #tpu.memory_space<semaphore_mem>>) {add = true}
    %scan3A = arith.constant 0 : i32
    %scan3A_9 = arith.constant 0 : i32
    %scan3A_10 = arith.constant 40 : i32
    %scan3A_11 = arith.addi %scan3A_9, %scan3A_10 : i32
    %scan3A_12 = arith.constant 1 : i32
    scf.for %scan3A_21 = %scan3A_9 to %scan3A_11 step %scan3A_12  : i32 {
      %mul3A_22 = arith.constant 2 : i32
      %mul3A_23 = arith.muli %mul3A_22, %scan3A_21 : i32
      %mul3A_24 = arith.constant 2 : i32
      %mul3A_25 = arith.muli %mul3A_24, %scan3A_21 : i32
      %add3A_26 = arith.constant 1 : i32
      %add3A_27 = arith.addi %mul3A_25, %add3A_26 : i32
      %dma_start3A_28 = arith.constant 0 : i32
      %dma_start3A_29 = tpu.memref_slice %arg6[%add3A_27, %dma_start3A_28] : memref<80x128xi32, #tpu.memory_space<vmem>> -> memref<1x128xi32, #tpu.memory_space<vmem>>
      %dma_start3A_30 = tpu.memref_squeeze %dma_start3A_29 : memref<1x128xi32, #tpu.memory_space<vmem>> -> memref<128xi32, #tpu.memory_space<vmem>>
      %dma_start3A_31 = arith.constant 0 : i32
      %dma_start3A_32 = arith.constant 0 : i32
      %dma_start3A_33 = tpu.memref_slice %arg8[%dma_start3A_31, %dma_start3A_32] : memref<5248x128xf32, #tpu.memory_space<vmem_shared>> -> memref<5248x128xf32, #tpu.memory_space<vmem_shared>>
      tpu.enqueue_indirect_dma source(%arg7 : memref<128x128xf32, #tpu.memory_space<vmem>>) target(%dma_start3A_33 : memref<5248x128xf32, #tpu.memory_space<vmem_shared>>) offsets(%dma_start3A_30 : memref<128xi32, #tpu.memory_space<vmem>>) semaphore(%arg10 : memref<!tpu.dma_semaphore, #tpu.memory_space<semaphore_mem>>) {add = true}
      %dma_wait3A = arith.constant 0 : i32
      %dma_wait3A_34 = tpu.memref_slice %arg6[%mul3A_23, %dma_wait3A] : memref<80x128xi32, #tpu.memory_space<vmem>> -> memref<1x128xi32, #tpu.memory_space<vmem>>
      %dma_wait3A_35 = tpu.memref_squeeze %dma_wait3A_34 : memref<1x128xi32, #tpu.memory_space<vmem>> -> memref<128xi32, #tpu.memory_space<vmem>>
      %dma_wait3A_36 = arith.constant 0 : i32
      %dma_wait3A_37 = arith.constant 0 : i32
      %dma_wait3A_38 = tpu.memref_slice %arg8[%dma_wait3A_36, %dma_wait3A_37] : memref<5248x128xf32, #tpu.memory_space<vmem_shared>> -> memref<5248x128xf32, #tpu.memory_space<vmem_shared>>
      tpu.wait_indirect_dma semaphore(%arg9 : memref<!tpu.dma_semaphore, #tpu.memory_space<semaphore_mem>>) src(%arg7 : memref<128x128xf32, #tpu.memory_space<vmem>>) dst(%dma_wait3A_38 : memref<5248x128xf32, #tpu.memory_space<vmem_shared>>)
      %add3A_39 = arith.constant 1 : i32
      %add3A_40 = arith.addi %add3A_27, %add3A_39 : i32
      %lt3A = arith.constant 80 : i32
      %lt3A_41 = arith.cmpi slt, %add3A_40, %lt3A : i32
      %convert_element_type3A = arith.extui %lt3A_41 : i1 to i32
      %cond3A = arith.constant 0 : i32
      %cond3A_42 = arith.cmpi ne, %convert_element_type3A, %cond3A : i32
      scf.if %cond3A_42 {
        %add3A_49 = arith.constant 1 : i32
        %add3A_50 = arith.addi %add3A_27, %add3A_49 : i32
        %dma_start3A_51 = arith.constant 0 : i32
        %dma_start3A_52 = tpu.memref_slice %arg6[%add3A_50, %dma_start3A_51] : memref<80x128xi32, #tpu.memory_space<vmem>> -> memref<1x128xi32, #tpu.memory_space<vmem>>
        %dma_start3A_53 = tpu.memref_squeeze %dma_start3A_52 : memref<1x128xi32, #tpu.memory_space<vmem>> -> memref<128xi32, #tpu.memory_space<vmem>>
        %dma_start3A_54 = arith.constant 0 : i32
        %dma_start3A_55 = arith.constant 0 : i32
        %dma_start3A_56 = tpu.memref_slice %arg8[%dma_start3A_54, %dma_start3A_55] : memref<5248x128xf32, #tpu.memory_space<vmem_shared>> -> memref<5248x128xf32, #tpu.memory_space<vmem_shared>>
        tpu.enqueue_indirect_dma source(%arg7 : memref<128x128xf32, #tpu.memory_space<vmem>>) target(%dma_start3A_56 : memref<5248x128xf32, #tpu.memory_space<vmem_shared>>) offsets(%dma_start3A_53 : memref<128xi32, #tpu.memory_space<vmem>>) semaphore(%arg9 : memref<!tpu.dma_semaphore, #tpu.memory_space<semaphore_mem>>) {add = true}
      } else {
      }
      %dma_wait3A_43 = arith.constant 0 : i32
      %dma_wait3A_44 = tpu.memref_slice %arg6[%add3A_27, %dma_wait3A_43] : memref<80x128xi32, #tpu.memory_space<vmem>> -> memref<1x128xi32, #tpu.memory_space<vmem>>
      %dma_wait3A_45 = tpu.memref_squeeze %dma_wait3A_44 : memref<1x128xi32, #tpu.memory_space<vmem>> -> memref<128xi32, #tpu.memory_space<vmem>>
      %dma_wait3A_46 = arith.constant 0 : i32
      %dma_wait3A_47 = arith.constant 0 : i32
      %dma_wait3A_48 = tpu.memref_slice %arg8[%dma_wait3A_46, %dma_wait3A_47] : memref<5248x128xf32, #tpu.memory_space<vmem_shared>> -> memref<5248x128xf32, #tpu.memory_space<vmem_shared>>
      tpu.wait_indirect_dma semaphore(%arg10 : memref<!tpu.dma_semaphore, #tpu.memory_space<semaphore_mem>>) src(%arg7 : memref<128x128xf32, #tpu.memory_space<vmem>>) dst(%dma_wait3A_48 : memref<5248x128xf32, #tpu.memory_space<vmem_shared>>)
    }
    %scan3A_13 = arith.constant 40 : i32
    %barrier3A_14 = arith.constant 0 : index
    tpu.barrier barrier_id(%barrier3A_14)
    %mul3A_15 = arith.constant 320 : i32
    %mul3A_16 = arith.muli %arg1, %mul3A_15 : i32
    %mul3A_17 = arith.constant 5120 : i32
    %mul3A_18 = arith.muli %arg0, %mul3A_17 : i32
    %mul3A_19 = arith.constant 320 : i32
    %mul3A_20 = arith.muli %arg1, %mul3A_19 : i32
    %add3A = arith.addi %mul3A_18, %mul3A_20 : i32
    "tpu.region"() ({
      %run_scoped3A = tpu.sem_alloc : memref<!tpu.dma_semaphore, #tpu.memory_space<semaphore_mem>>
      %dma_start3A_21 = arith.constant 0 : i32
      %dma_start3A_22 = tpu.memref_slice %arg5[%add3A, %dma_start3A_21] : memref<10240x128xf32, #tpu.memory_space<hbm>> -> memref<320x128xf32, #tpu.memory_space<hbm>>
      %dma_start3A_23 = arith.constant 0 : i32
      %dma_start3A_24 = tpu.memref_slice %arg8[%mul3A_16, %dma_start3A_23] : memref<5248x128xf32, #tpu.memory_space<vmem_shared>> -> memref<320x128xf32, #tpu.memory_space<vmem_shared>>
      tpu.enqueue_dma source(%dma_start3A_24 : memref<320x128xf32, #tpu.memory_space<vmem_shared>>) target(%dma_start3A_22 : memref<320x128xf32, #tpu.memory_space<hbm>>) target_semaphore(%run_scoped3A : memref<!tpu.dma_semaphore, #tpu.memory_space<semaphore_mem>>)
      %dma_wait3A = arith.constant 0 : i32
      %dma_wait3A_25 = tpu.memref_slice %arg5[%add3A, %dma_wait3A] : memref<10240x128xf32, #tpu.memory_space<hbm>> -> memref<320x128xf32, #tpu.memory_space<hbm>>
      %dma_wait3A_26 = arith.constant 0 : i32
      %dma_wait3A_27 = tpu.memref_slice %arg8[%mul3A_16, %dma_wait3A_26] : memref<5248x128xf32, #tpu.memory_space<vmem_shared>> -> memref<320x128xf32, #tpu.memory_space<vmem_shared>>
      tpu.wait_dma2 semaphore(%run_scoped3A : memref<!tpu.dma_semaphore, #tpu.memory_space<semaphore_mem>>) src(%dma_wait3A_27 : memref<320x128xf32, #tpu.memory_space<vmem_shared>>) dst(%dma_wait3A_25 : memref<320x128xf32, #tpu.memory_space<hbm>>)
      tpu.yield
    }) : () -> ()
    return
  }
}

#map = affine_map<(d0, d1) -> (0, 0)>
#map1 = affine_map<(d0, d1) -> (0, 0, 0)>
#map2 = affine_map<(d0, d1) -> (0, 0, 0, 0)>
module attributes {stable_mosaic.version = 14 : i64} {
  func.func @body(%arg0: i32, %arg1: i32, %arg2: memref<10240x128xf32, #tpu.memory_space<hbm>>, %arg3: memref<16x80x128xi32, #tpu.memory_space<hbm>>, %arg4: memref<2x16x80x128xi32, #tpu.memory_space<hbm>>, %arg5: memref<5248x128xf32, #tpu.memory_space<hbm>>, %arg6: memref<1x10240x128xf32, #tpu.memory_space<hbm>>, %arg7: memref<80x128xi32, #tpu.memory_space<vmem>>, %arg8: memref<2x80x128xi32, #tpu.memory_space<vmem>>, %arg9: memref<128x128xf32, #tpu.memory_space<vmem>>, %arg10: memref<128x128xf32, #tpu.memory_space<vmem>>, %arg11: memref<5248x128xf32, #tpu.memory_space<vmem_shared>>, %arg12: memref<!tpu.dma_semaphore, #tpu.memory_space<semaphore_mem>>, %arg13: memref<!tpu.dma_semaphore, #tpu.memory_space<semaphore_mem>>) attributes {dimension_semantics = [#tpu.dimension_semantics<core_parallel>, #tpu.dimension_semantics<subcore_parallel>], iteration_bounds = array<i64: 2, 16>, scalar_prefetch = 0 : i64, scratch_operands = 7 : i64, tpu.core_type = #tpu.core_type<sc_vector_subcore>, window_params = [{transform_indices = #map}, {transform_indices = #map1}, {transform_indices = #map2}, {transform_indices = #map}, {transform_indices = #map1}]} {
    "tpu.region"() ({
      %run_scoped3A_23 = tpu.sem_alloc : memref<!tpu.dma_semaphore, #tpu.memory_space<semaphore_mem>>
      %dma_start3A_24 = arith.constant 0 : i32
      %dma_start3A_25 = arith.constant 0 : i32
      %dma_start3A_26 = tpu.memref_slice %arg3[%arg1, %dma_start3A_24, %dma_start3A_25] : memref<16x80x128xi32, #tpu.memory_space<hbm>> -> memref<1x80x128xi32, #tpu.memory_space<hbm>>
      %dma_start3A_27 = tpu.memref_squeeze %dma_start3A_26 : memref<1x80x128xi32, #tpu.memory_space<hbm>> -> memref<80x128xi32, #tpu.memory_space<hbm>>
      %dma_start3A_28 = arith.constant 0 : i32
      %dma_start3A_29 = arith.constant 0 : i32
      %dma_start3A_30 = tpu.memref_slice %arg3[%arg1, %dma_start3A_28, %dma_start3A_29] : memref<16x80x128xi32, #tpu.memory_space<hbm>> -> memref<1x80x128xi32, #tpu.memory_space<hbm>>
      %dma_start3A_31 = tpu.memref_squeeze %dma_start3A_30 : memref<1x80x128xi32, #tpu.memory_space<hbm>> -> memref<80x128xi32, #tpu.memory_space<hbm>>
      tpu.enqueue_dma source(%dma_start3A_31 : memref<80x128xi32, #tpu.memory_space<hbm>>) target(%arg7 : memref<80x128xi32, #tpu.memory_space<vmem>>) target_semaphore(%run_scoped3A_23 : memref<!tpu.dma_semaphore, #tpu.memory_space<semaphore_mem>>)
      %dma_wait3A = arith.constant 0 : i32
      %dma_wait3A_32 = arith.constant 0 : i32
      %dma_wait3A_33 = tpu.memref_slice %arg3[%arg1, %dma_wait3A, %dma_wait3A_32] : memref<16x80x128xi32, #tpu.memory_space<hbm>> -> memref<1x80x128xi32, #tpu.memory_space<hbm>>
      %dma_wait3A_34 = tpu.memref_squeeze %dma_wait3A_33 : memref<1x80x128xi32, #tpu.memory_space<hbm>> -> memref<80x128xi32, #tpu.memory_space<hbm>>
      %dma_wait3A_35 = arith.constant 0 : i32
      %dma_wait3A_36 = arith.constant 0 : i32
      %dma_wait3A_37 = tpu.memref_slice %arg3[%arg1, %dma_wait3A_35, %dma_wait3A_36] : memref<16x80x128xi32, #tpu.memory_space<hbm>> -> memref<1x80x128xi32, #tpu.memory_space<hbm>>
      %dma_wait3A_38 = tpu.memref_squeeze %dma_wait3A_37 : memref<1x80x128xi32, #tpu.memory_space<hbm>> -> memref<80x128xi32, #tpu.memory_space<hbm>>
      tpu.wait_dma2 semaphore(%run_scoped3A_23 : memref<!tpu.dma_semaphore, #tpu.memory_space<semaphore_mem>>) src(%dma_wait3A_38 : memref<80x128xi32, #tpu.memory_space<hbm>>) dst(%arg7 : memref<80x128xi32, #tpu.memory_space<vmem>>)
      tpu.yield
    }) : () -> ()
    %run_scoped3A = arith.constant 0 : i32
    "tpu.region"() ({
      %run_scoped3A_23 = tpu.sem_alloc : memref<!tpu.dma_semaphore, #tpu.memory_space<semaphore_mem>>
      %dma_start3A_24 = arith.constant 0 : i32
      %dma_start3A_25 = arith.constant 0 : i32
      %dma_start3A_26 = tpu.memref_slice %arg8[%run_scoped3A, %dma_start3A_24, %dma_start3A_25] : memref<2x80x128xi32, #tpu.memory_space<vmem>> -> memref<1x80x128xi32, #tpu.memory_space<vmem>>
      %dma_start3A_27 = tpu.memref_squeeze %dma_start3A_26 : memref<1x80x128xi32, #tpu.memory_space<vmem>> -> memref<80x128xi32, #tpu.memory_space<vmem>>
      %dma_start3A_28 = arith.constant 0 : i32
      %dma_start3A_29 = arith.constant 0 : i32
      %dma_start3A_30 = arith.constant 0 : i32
      %dma_start3A_31 = tpu.memref_slice %arg4[%arg0, %dma_start3A_28, %dma_start3A_29, %dma_start3A_30] : memref<2x16x80x128xi32, #tpu.memory_space<hbm>> -> memref<1x16x80x128xi32, #tpu.memory_space<hbm>>
      %dma_start3A_32 = tpu.memref_squeeze %dma_start3A_31 : memref<1x16x80x128xi32, #tpu.memory_space<hbm>> -> memref<16x80x128xi32, #tpu.memory_space<hbm>>
      %dma_start3A_33 = arith.constant 0 : i32
      %dma_start3A_34 = arith.constant 0 : i32
      %dma_start3A_35 = tpu.memref_slice %dma_start3A_32[%arg1, %dma_start3A_33, %dma_start3A_34] : memref<16x80x128xi32, #tpu.memory_space<hbm>> -> memref<1x80x128xi32, #tpu.memory_space<hbm>>
      %dma_start3A_36 = tpu.memref_squeeze %dma_start3A_35 : memref<1x80x128xi32, #tpu.memory_space<hbm>> -> memref<80x128xi32, #tpu.memory_space<hbm>>
      %dma_start3A_37 = arith.constant 0 : i32
      %dma_start3A_38 = arith.constant 0 : i32
      %dma_start3A_39 = tpu.memref_slice %arg8[%run_scoped3A, %dma_start3A_37, %dma_start3A_38] : memref<2x80x128xi32, #tpu.memory_space<vmem>> -> memref<1x80x128xi32, #tpu.memory_space<vmem>>
      %dma_start3A_40 = tpu.memref_squeeze %dma_start3A_39 : memref<1x80x128xi32, #tpu.memory_space<vmem>> -> memref<80x128xi32, #tpu.memory_space<vmem>>
      %dma_start3A_41 = arith.constant 0 : i32
      %dma_start3A_42 = arith.constant 0 : i32
      %dma_start3A_43 = arith.constant 0 : i32
      %dma_start3A_44 = tpu.memref_slice %arg4[%arg0, %dma_start3A_41, %dma_start3A_42, %dma_start3A_43] : memref<2x16x80x128xi32, #tpu.memory_space<hbm>> -> memref<1x16x80x128xi32, #tpu.memory_space<hbm>>
      %dma_start3A_45 = tpu.memref_squeeze %dma_start3A_44 : memref<1x16x80x128xi32, #tpu.memory_space<hbm>> -> memref<16x80x128xi32, #tpu.memory_space<hbm>>
      %dma_start3A_46 = arith.constant 0 : i32
      %dma_start3A_47 = arith.constant 0 : i32
      %dma_start3A_48 = tpu.memref_slice %dma_start3A_45[%arg1, %dma_start3A_46, %dma_start3A_47] : memref<16x80x128xi32, #tpu.memory_space<hbm>> -> memref<1x80x128xi32, #tpu.memory_space<hbm>>
      %dma_start3A_49 = tpu.memref_squeeze %dma_start3A_48 : memref<1x80x128xi32, #tpu.memory_space<hbm>> -> memref<80x128xi32, #tpu.memory_space<hbm>>
      tpu.enqueue_dma source(%dma_start3A_49 : memref<80x128xi32, #tpu.memory_space<hbm>>) target(%dma_start3A_40 : memref<80x128xi32, #tpu.memory_space<vmem>>) target_semaphore(%run_scoped3A_23 : memref<!tpu.dma_semaphore, #tpu.memory_space<semaphore_mem>>)
      %dma_wait3A = arith.constant 0 : i32
      %dma_wait3A_50 = arith.constant 0 : i32
      %dma_wait3A_51 = tpu.memref_slice %arg8[%run_scoped3A, %dma_wait3A, %dma_wait3A_50] : memref<2x80x128xi32, #tpu.memory_space<vmem>> -> memref<1x80x128xi32, #tpu.memory_space<vmem>>
      %dma_wait3A_52 = tpu.memref_squeeze %dma_wait3A_51 : memref<1x80x128xi32, #tpu.memory_space<vmem>> -> memref<80x128xi32, #tpu.memory_space<vmem>>
      %dma_wait3A_53 = arith.constant 0 : i32
      %dma_wait3A_54 = arith.constant 0 : i32
      %dma_wait3A_55 = arith.constant 0 : i32
      %dma_wait3A_56 = tpu.memref_slice %arg4[%arg0, %dma_wait3A_53, %dma_wait3A_54, %dma_wait3A_55] : memref<2x16x80x128xi32, #tpu.memory_space<hbm>> -> memref<1x16x80x128xi32, #tpu.memory_space<hbm>>
      %dma_wait3A_57 = tpu.memref_squeeze %dma_wait3A_56 : memref<1x16x80x128xi32, #tpu.memory_space<hbm>> -> memref<16x80x128xi32, #tpu.memory_space<hbm>>
      %dma_wait3A_58 = arith.constant 0 : i32
      %dma_wait3A_59 = arith.constant 0 : i32
      %dma_wait3A_60 = tpu.memref_slice %dma_wait3A_57[%arg1, %dma_wait3A_58, %dma_wait3A_59] : memref<16x80x128xi32, #tpu.memory_space<hbm>> -> memref<1x80x128xi32, #tpu.memory_space<hbm>>
      %dma_wait3A_61 = tpu.memref_squeeze %dma_wait3A_60 : memref<1x80x128xi32, #tpu.memory_space<hbm>> -> memref<80x128xi32, #tpu.memory_space<hbm>>
      %dma_wait3A_62 = arith.constant 0 : i32
      %dma_wait3A_63 = arith.constant 0 : i32
      %dma_wait3A_64 = tpu.memref_slice %arg8[%run_scoped3A, %dma_wait3A_62, %dma_wait3A_63] : memref<2x80x128xi32, #tpu.memory_space<vmem>> -> memref<1x80x128xi32, #tpu.memory_space<vmem>>
      %dma_wait3A_65 = tpu.memref_squeeze %dma_wait3A_64 : memref<1x80x128xi32, #tpu.memory_space<vmem>> -> memref<80x128xi32, #tpu.memory_space<vmem>>
      %dma_wait3A_66 = arith.constant 0 : i32
      %dma_wait3A_67 = arith.constant 0 : i32
      %dma_wait3A_68 = arith.constant 0 : i32
      %dma_wait3A_69 = tpu.memref_slice %arg4[%arg0, %dma_wait3A_66, %dma_wait3A_67, %dma_wait3A_68] : memref<2x16x80x128xi32, #tpu.memory_space<hbm>> -> memref<1x16x80x128xi32, #tpu.memory_space<hbm>>
      %dma_wait3A_70 = tpu.memref_squeeze %dma_wait3A_69 : memref<1x16x80x128xi32, #tpu.memory_space<hbm>> -> memref<16x80x128xi32, #tpu.memory_space<hbm>>
      %dma_wait3A_71 = arith.constant 0 : i32
      %dma_wait3A_72 = arith.constant 0 : i32
      %dma_wait3A_73 = tpu.memref_slice %dma_wait3A_70[%arg1, %dma_wait3A_71, %dma_wait3A_72] : memref<16x80x128xi32, #tpu.memory_space<hbm>> -> memref<1x80x128xi32, #tpu.memory_space<hbm>>
      %dma_wait3A_74 = tpu.memref_squeeze %dma_wait3A_73 : memref<1x80x128xi32, #tpu.memory_space<hbm>> -> memref<80x128xi32, #tpu.memory_space<hbm>>
      tpu.wait_dma2 semaphore(%run_scoped3A_23 : memref<!tpu.dma_semaphore, #tpu.memory_space<semaphore_mem>>) src(%dma_wait3A_74 : memref<80x128xi32, #tpu.memory_space<hbm>>) dst(%dma_wait3A_65 : memref<80x128xi32, #tpu.memory_space<vmem>>)
      tpu.yield
    }) : () -> ()
    %mul3A = arith.constant 328 : i32
    %mul3A_0 = arith.muli %arg1, %mul3A : i32
    %mul3A_1 = arith.constant 328 : i32
    %mul3A_2 = arith.muli %arg1, %mul3A_1 : i32
    "tpu.region"() ({
      %run_scoped3A_23 = tpu.sem_alloc : memref<!tpu.dma_semaphore, #tpu.memory_space<semaphore_mem>>
      %dma_start3A_24 = arith.constant 0 : i32
      %dma_start3A_25 = tpu.memref_slice %arg11[%mul3A_2, %dma_start3A_24] : memref<5248x128xf32, #tpu.memory_space<vmem_shared>> -> memref<328x128xf32, #tpu.memory_space<vmem_shared>>
      %dma_start3A_26 = arith.constant 0 : i32
      %dma_start3A_27 = tpu.memref_slice %arg5[%mul3A_0, %dma_start3A_26] : memref<5248x128xf32, #tpu.memory_space<hbm>> -> memref<328x128xf32, #tpu.memory_space<hbm>>
      tpu.enqueue_dma source(%dma_start3A_27 : memref<328x128xf32, #tpu.memory_space<hbm>>) target(%dma_start3A_25 : memref<328x128xf32, #tpu.memory_space<vmem_shared>>) target_semaphore(%run_scoped3A_23 : memref<!tpu.dma_semaphore, #tpu.memory_space<semaphore_mem>>)
      %dma_wait3A = arith.constant 0 : i32
      %dma_wait3A_28 = tpu.memref_slice %arg11[%mul3A_2, %dma_wait3A] : memref<5248x128xf32, #tpu.memory_space<vmem_shared>> -> memref<328x128xf32, #tpu.memory_space<vmem_shared>>
      %dma_wait3A_29 = arith.constant 0 : i32
      %dma_wait3A_30 = tpu.memref_slice %arg5[%mul3A_0, %dma_wait3A_29] : memref<5248x128xf32, #tpu.memory_space<hbm>> -> memref<328x128xf32, #tpu.memory_space<hbm>>
      tpu.wait_dma2 semaphore(%run_scoped3A_23 : memref<!tpu.dma_semaphore, #tpu.memory_space<semaphore_mem>>) src(%dma_wait3A_30 : memref<328x128xf32, #tpu.memory_space<hbm>>) dst(%dma_wait3A_28 : memref<328x128xf32, #tpu.memory_space<vmem_shared>>)
      tpu.yield
    }) : () -> ()
    %barrier3A = arith.constant 0 : index
    tpu.barrier barrier_id(%barrier3A)
    %dma_start3A = arith.constant 0 : i32
    %dma_start3A_3 = arith.constant 0 : i32
    %dma_start3A_4 = tpu.memref_slice %arg7[%dma_start3A, %dma_start3A_3] : memref<80x128xi32, #tpu.memory_space<vmem>> -> memref<1x128xi32, #tpu.memory_space<vmem>>
    %dma_start3A_5 = tpu.memref_squeeze %dma_start3A_4 : memref<1x128xi32, #tpu.memory_space<vmem>> -> memref<128xi32, #tpu.memory_space<vmem>>
    %dma_start3A_6 = arith.constant 0 : i32
    %dma_start3A_7 = arith.constant 0 : i32
    %dma_start3A_8 = tpu.memref_slice %arg2[%dma_start3A_6, %dma_start3A_7] : memref<10240x128xf32, #tpu.memory_space<hbm>> -> memref<10240x128xf32, #tpu.memory_space<hbm>>
    tpu.enqueue_indirect_dma source(%dma_start3A_8 : memref<10240x128xf32, #tpu.memory_space<hbm>>) target(%arg9 : memref<128x128xf32, #tpu.memory_space<vmem>>) offsets(%dma_start3A_5 : memref<128xi32, #tpu.memory_space<vmem>>) semaphore(%arg12 : memref<!tpu.dma_semaphore, #tpu.memory_space<semaphore_mem>>)
    %scan3A = arith.constant 0 : i32
    %scan3A_9 = arith.constant 0 : i32
    %scan3A_10 = arith.constant 0 : i32
    %scan3A_11 = arith.constant 40 : i32
    %scan3A_12 = arith.addi %scan3A_10, %scan3A_11 : i32
    %scan3A_13 = arith.constant 1 : i32
    scf.for %scan3A_23 = %scan3A_10 to %scan3A_12 step %scan3A_13  : i32 {
      %mul3A_24 = arith.constant 2 : i32
      %mul3A_25 = arith.muli %mul3A_24, %scan3A_23 : i32
      %mul3A_26 = arith.constant 2 : i32
      %mul3A_27 = arith.muli %mul3A_26, %scan3A_23 : i32
      %add3A_28 = arith.constant 1 : i32
      %add3A_29 = arith.addi %mul3A_27, %add3A_28 : i32
      %dma_start3A_30 = arith.constant 0 : i32
      %dma_start3A_31 = tpu.memref_slice %arg7[%add3A_29, %dma_start3A_30] : memref<80x128xi32, #tpu.memory_space<vmem>> -> memref<1x128xi32, #tpu.memory_space<vmem>>
      %dma_start3A_32 = tpu.memref_squeeze %dma_start3A_31 : memref<1x128xi32, #tpu.memory_space<vmem>> -> memref<128xi32, #tpu.memory_space<vmem>>
      %dma_start3A_33 = arith.constant 0 : i32
      %dma_start3A_34 = arith.constant 0 : i32
      %dma_start3A_35 = tpu.memref_slice %arg2[%dma_start3A_33, %dma_start3A_34] : memref<10240x128xf32, #tpu.memory_space<hbm>> -> memref<10240x128xf32, #tpu.memory_space<hbm>>
      tpu.enqueue_indirect_dma source(%dma_start3A_35 : memref<10240x128xf32, #tpu.memory_space<hbm>>) target(%arg10 : memref<128x128xf32, #tpu.memory_space<vmem>>) offsets(%dma_start3A_32 : memref<128xi32, #tpu.memory_space<vmem>>) semaphore(%arg13 : memref<!tpu.dma_semaphore, #tpu.memory_space<semaphore_mem>>)
      %dma_wait3A = arith.constant 0 : i32
      %dma_wait3A_36 = tpu.memref_slice %arg7[%mul3A_25, %dma_wait3A] : memref<80x128xi32, #tpu.memory_space<vmem>> -> memref<1x128xi32, #tpu.memory_space<vmem>>
      %dma_wait3A_37 = tpu.memref_squeeze %dma_wait3A_36 : memref<1x128xi32, #tpu.memory_space<vmem>> -> memref<128xi32, #tpu.memory_space<vmem>>
      %dma_wait3A_38 = arith.constant 0 : i32
      %dma_wait3A_39 = arith.constant 0 : i32
      %dma_wait3A_40 = tpu.memref_slice %arg2[%dma_wait3A_38, %dma_wait3A_39] : memref<10240x128xf32, #tpu.memory_space<hbm>> -> memref<10240x128xf32, #tpu.memory_space<hbm>>
      tpu.wait_indirect_dma semaphore(%arg12 : memref<!tpu.dma_semaphore, #tpu.memory_space<semaphore_mem>>) src(%dma_wait3A_40 : memref<10240x128xf32, #tpu.memory_space<hbm>>) dst(%arg9 : memref<128x128xf32, #tpu.memory_space<vmem>>)
      "tpu.region"() ({
        %run_scoped3A_51 = tpu.sem_alloc : memref<!tpu.dma_semaphore, #tpu.memory_space<semaphore_mem>>
        %dma_start3A_52 = arith.constant 0 : i32
        %dma_start3A_53 = arith.constant 0 : i32
        %dma_start3A_54 = tpu.memref_slice %arg8[%scan3A_9, %dma_start3A_52, %dma_start3A_53] : memref<2x80x128xi32, #tpu.memory_space<vmem>> -> memref<1x80x128xi32, #tpu.memory_space<vmem>>
        %dma_start3A_55 = tpu.memref_squeeze %dma_start3A_54 : memref<1x80x128xi32, #tpu.memory_space<vmem>> -> memref<80x128xi32, #tpu.memory_space<vmem>>
        %dma_start3A_56 = arith.constant 0 : i32
        %dma_start3A_57 = tpu.memref_slice %dma_start3A_55[%mul3A_25, %dma_start3A_56] : memref<80x128xi32, #tpu.memory_space<vmem>> -> memref<1x128xi32, #tpu.memory_space<vmem>>
        %dma_start3A_58 = tpu.memref_squeeze %dma_start3A_57 : memref<1x128xi32, #tpu.memory_space<vmem>> -> memref<128xi32, #tpu.memory_space<vmem>>
        %dma_start3A_59 = arith.constant 0 : i32
        %dma_start3A_60 = arith.constant 0 : i32
        %dma_start3A_61 = tpu.memref_slice %arg11[%dma_start3A_59, %dma_start3A_60] : memref<5248x128xf32, #tpu.memory_space<vmem_shared>> -> memref<5248x128xf32, #tpu.memory_space<vmem_shared>>
        tpu.enqueue_indirect_dma source(%arg9 : memref<128x128xf32, #tpu.memory_space<vmem>>) target(%dma_start3A_61 : memref<5248x128xf32, #tpu.memory_space<vmem_shared>>) offsets(%dma_start3A_58 : memref<128xi32, #tpu.memory_space<vmem>>) semaphore(%run_scoped3A_51 : memref<!tpu.dma_semaphore, #tpu.memory_space<semaphore_mem>>) {add = true}
        %dma_wait3A_62 = arith.constant 0 : i32
        %dma_wait3A_63 = arith.constant 0 : i32
        %dma_wait3A_64 = tpu.memref_slice %arg8[%scan3A_9, %dma_wait3A_62, %dma_wait3A_63] : memref<2x80x128xi32, #tpu.memory_space<vmem>> -> memref<1x80x128xi32, #tpu.memory_space<vmem>>
        %dma_wait3A_65 = tpu.memref_squeeze %dma_wait3A_64 : memref<1x80x128xi32, #tpu.memory_space<vmem>> -> memref<80x128xi32, #tpu.memory_space<vmem>>
        %dma_wait3A_66 = arith.constant 0 : i32
        %dma_wait3A_67 = tpu.memref_slice %dma_wait3A_65[%mul3A_25, %dma_wait3A_66] : memref<80x128xi32, #tpu.memory_space<vmem>> -> memref<1x128xi32, #tpu.memory_space<vmem>>
        %dma_wait3A_68 = tpu.memref_squeeze %dma_wait3A_67 : memref<1x128xi32, #tpu.memory_space<vmem>> -> memref<128xi32, #tpu.memory_space<vmem>>
        %dma_wait3A_69 = arith.constant 0 : i32
        %dma_wait3A_70 = arith.constant 0 : i32
        %dma_wait3A_71 = tpu.memref_slice %arg11[%dma_wait3A_69, %dma_wait3A_70] : memref<5248x128xf32, #tpu.memory_space<vmem_shared>> -> memref<5248x128xf32, #tpu.memory_space<vmem_shared>>
        tpu.wait_indirect_dma semaphore(%run_scoped3A_51 : memref<!tpu.dma_semaphore, #tpu.memory_space<semaphore_mem>>) src(%arg9 : memref<128x128xf32, #tpu.memory_space<vmem>>) dst(%dma_wait3A_71 : memref<5248x128xf32, #tpu.memory_space<vmem_shared>>)
        tpu.yield
      }) : () -> ()
      %add3A_41 = arith.constant 1 : i32
      %add3A_42 = arith.addi %add3A_29, %add3A_41 : i32
      %lt3A = arith.constant 80 : i32
      %lt3A_43 = arith.cmpi slt, %add3A_42, %lt3A : i32
      %convert_element_type3A = arith.extui %lt3A_43 : i1 to i32
      %cond3A = arith.constant 0 : i32
      %cond3A_44 = arith.cmpi ne, %convert_element_type3A, %cond3A : i32
      scf.if %cond3A_44 {
        %add3A_51 = arith.constant 1 : i32
        %add3A_52 = arith.addi %add3A_29, %add3A_51 : i32
        %dma_start3A_53 = arith.constant 0 : i32
        %dma_start3A_54 = tpu.memref_slice %arg7[%add3A_52, %dma_start3A_53] : memref<80x128xi32, #tpu.memory_space<vmem>> -> memref<1x128xi32, #tpu.memory_space<vmem>>
        %dma_start3A_55 = tpu.memref_squeeze %dma_start3A_54 : memref<1x128xi32, #tpu.memory_space<vmem>> -> memref<128xi32, #tpu.memory_space<vmem>>
        %dma_start3A_56 = arith.constant 0 : i32
        %dma_start3A_57 = arith.constant 0 : i32
        %dma_start3A_58 = tpu.memref_slice %arg2[%dma_start3A_56, %dma_start3A_57] : memref<10240x128xf32, #tpu.memory_space<hbm>> -> memref<10240x128xf32, #tpu.memory_space<hbm>>
        tpu.enqueue_indirect_dma source(%dma_start3A_58 : memref<10240x128xf32, #tpu.memory_space<hbm>>) target(%arg9 : memref<128x128xf32, #tpu.memory_space<vmem>>) offsets(%dma_start3A_55 : memref<128xi32, #tpu.memory_space<vmem>>) semaphore(%arg12 : memref<!tpu.dma_semaphore, #tpu.memory_space<semaphore_mem>>)
      } else {
      }
      %dma_wait3A_45 = arith.constant 0 : i32
      %dma_wait3A_46 = tpu.memref_slice %arg7[%add3A_29, %dma_wait3A_45] : memref<80x128xi32, #tpu.memory_space<vmem>> -> memref<1x128xi32, #tpu.memory_space<vmem>>
      %dma_wait3A_47 = tpu.memref_squeeze %dma_wait3A_46 : memref<1x128xi32, #tpu.memory_space<vmem>> -> memref<128xi32, #tpu.memory_space<vmem>>
      %dma_wait3A_48 = arith.constant 0 : i32
      %dma_wait3A_49 = arith.constant 0 : i32
      %dma_wait3A_50 = tpu.memref_slice %arg2[%dma_wait3A_48, %dma_wait3A_49] : memref<10240x128xf32, #tpu.memory_space<hbm>> -> memref<10240x128xf32, #tpu.memory_space<hbm>>
      tpu.wait_indirect_dma semaphore(%arg13 : memref<!tpu.dma_semaphore, #tpu.memory_space<semaphore_mem>>) src(%dma_wait3A_50 : memref<10240x128xf32, #tpu.memory_space<hbm>>) dst(%arg10 : memref<128x128xf32, #tpu.memory_space<vmem>>)
      "tpu.region"() ({
        %run_scoped3A_51 = tpu.sem_alloc : memref<!tpu.dma_semaphore, #tpu.memory_space<semaphore_mem>>
        %dma_start3A_52 = arith.constant 0 : i32
        %dma_start3A_53 = arith.constant 0 : i32
        %dma_start3A_54 = tpu.memref_slice %arg8[%scan3A_9, %dma_start3A_52, %dma_start3A_53] : memref<2x80x128xi32, #tpu.memory_space<vmem>> -> memref<1x80x128xi32, #tpu.memory_space<vmem>>
        %dma_start3A_55 = tpu.memref_squeeze %dma_start3A_54 : memref<1x80x128xi32, #tpu.memory_space<vmem>> -> memref<80x128xi32, #tpu.memory_space<vmem>>
        %dma_start3A_56 = arith.constant 0 : i32
        %dma_start3A_57 = tpu.memref_slice %dma_start3A_55[%add3A_29, %dma_start3A_56] : memref<80x128xi32, #tpu.memory_space<vmem>> -> memref<1x128xi32, #tpu.memory_space<vmem>>
        %dma_start3A_58 = tpu.memref_squeeze %dma_start3A_57 : memref<1x128xi32, #tpu.memory_space<vmem>> -> memref<128xi32, #tpu.memory_space<vmem>>
        %dma_start3A_59 = arith.constant 0 : i32
        %dma_start3A_60 = arith.constant 0 : i32
        %dma_start3A_61 = tpu.memref_slice %arg11[%dma_start3A_59, %dma_start3A_60] : memref<5248x128xf32, #tpu.memory_space<vmem_shared>> -> memref<5248x128xf32, #tpu.memory_space<vmem_shared>>
        tpu.enqueue_indirect_dma source(%arg10 : memref<128x128xf32, #tpu.memory_space<vmem>>) target(%dma_start3A_61 : memref<5248x128xf32, #tpu.memory_space<vmem_shared>>) offsets(%dma_start3A_58 : memref<128xi32, #tpu.memory_space<vmem>>) semaphore(%run_scoped3A_51 : memref<!tpu.dma_semaphore, #tpu.memory_space<semaphore_mem>>) {add = true}
        %dma_wait3A_62 = arith.constant 0 : i32
        %dma_wait3A_63 = arith.constant 0 : i32
        %dma_wait3A_64 = tpu.memref_slice %arg8[%scan3A_9, %dma_wait3A_62, %dma_wait3A_63] : memref<2x80x128xi32, #tpu.memory_space<vmem>> -> memref<1x80x128xi32, #tpu.memory_space<vmem>>
        %dma_wait3A_65 = tpu.memref_squeeze %dma_wait3A_64 : memref<1x80x128xi32, #tpu.memory_space<vmem>> -> memref<80x128xi32, #tpu.memory_space<vmem>>
        %dma_wait3A_66 = arith.constant 0 : i32
        %dma_wait3A_67 = tpu.memref_slice %dma_wait3A_65[%add3A_29, %dma_wait3A_66] : memref<80x128xi32, #tpu.memory_space<vmem>> -> memref<1x128xi32, #tpu.memory_space<vmem>>
        %dma_wait3A_68 = tpu.memref_squeeze %dma_wait3A_67 : memref<1x128xi32, #tpu.memory_space<vmem>> -> memref<128xi32, #tpu.memory_space<vmem>>
        %dma_wait3A_69 = arith.constant 0 : i32
        %dma_wait3A_70 = arith.constant 0 : i32
        %dma_wait3A_71 = tpu.memref_slice %arg11[%dma_wait3A_69, %dma_wait3A_70] : memref<5248x128xf32, #tpu.memory_space<vmem_shared>> -> memref<5248x128xf32, #tpu.memory_space<vmem_shared>>
        tpu.wait_indirect_dma semaphore(%run_scoped3A_51 : memref<!tpu.dma_semaphore, #tpu.memory_space<semaphore_mem>>) src(%arg10 : memref<128x128xf32, #tpu.memory_space<vmem>>) dst(%dma_wait3A_71 : memref<5248x128xf32, #tpu.memory_space<vmem_shared>>)
        tpu.yield
      }) : () -> ()
    }
    %scan3A_14 = arith.constant 40 : i32
    %barrier3A_15 = arith.constant 0 : index
    tpu.barrier barrier_id(%barrier3A_15)
    %mul3A_16 = arith.constant 320 : i32
    %mul3A_17 = arith.muli %arg1, %mul3A_16 : i32
    %mul3A_18 = arith.constant 5120 : i32
    %mul3A_19 = arith.muli %arg0, %mul3A_18 : i32
    %mul3A_20 = arith.constant 320 : i32
    %mul3A_21 = arith.muli %arg1, %mul3A_20 : i32
    %add3A = arith.addi %mul3A_19, %mul3A_21 : i32
    %run_scoped3A_22 = arith.constant 0 : i32
    "tpu.region"() ({
      %run_scoped3A_23 = tpu.sem_alloc : memref<!tpu.dma_semaphore, #tpu.memory_space<semaphore_mem>>
      %dma_start3A_24 = arith.constant 0 : i32
      %dma_start3A_25 = arith.constant 0 : i32
      %dma_start3A_26 = tpu.memref_slice %arg6[%run_scoped3A_22, %dma_start3A_24, %dma_start3A_25] : memref<1x10240x128xf32, #tpu.memory_space<hbm>> -> memref<1x10240x128xf32, #tpu.memory_space<hbm>>
      %dma_start3A_27 = tpu.memref_squeeze %dma_start3A_26 : memref<1x10240x128xf32, #tpu.memory_space<hbm>> -> memref<10240x128xf32, #tpu.memory_space<hbm>>
      %dma_start3A_28 = arith.constant 0 : i32
      %dma_start3A_29 = tpu.memref_slice %dma_start3A_27[%add3A, %dma_start3A_28] : memref<10240x128xf32, #tpu.memory_space<hbm>> -> memref<320x128xf32, #tpu.memory_space<hbm>>
      %dma_start3A_30 = arith.constant 0 : i32
      %dma_start3A_31 = tpu.memref_slice %arg11[%mul3A_17, %dma_start3A_30] : memref<5248x128xf32, #tpu.memory_space<vmem_shared>> -> memref<320x128xf32, #tpu.memory_space<vmem_shared>>
      tpu.enqueue_dma source(%dma_start3A_31 : memref<320x128xf32, #tpu.memory_space<vmem_shared>>) target(%dma_start3A_29 : memref<320x128xf32, #tpu.memory_space<hbm>>) target_semaphore(%run_scoped3A_23 : memref<!tpu.dma_semaphore, #tpu.memory_space<semaphore_mem>>)
      %dma_wait3A = arith.constant 0 : i32
      %dma_wait3A_32 = arith.constant 0 : i32
      %dma_wait3A_33 = tpu.memref_slice %arg6[%run_scoped3A_22, %dma_wait3A, %dma_wait3A_32] : memref<1x10240x128xf32, #tpu.memory_space<hbm>> -> memref<1x10240x128xf32, #tpu.memory_space<hbm>>
      %dma_wait3A_34 = tpu.memref_squeeze %dma_wait3A_33 : memref<1x10240x128xf32, #tpu.memory_space<hbm>> -> memref<10240x128xf32, #tpu.memory_space<hbm>>
      %dma_wait3A_35 = arith.constant 0 : i32
      %dma_wait3A_36 = tpu.memref_slice %dma_wait3A_34[%add3A, %dma_wait3A_35] : memref<10240x128xf32, #tpu.memory_space<hbm>> -> memref<320x128xf32, #tpu.memory_space<hbm>>
      %dma_wait3A_37 = arith.constant 0 : i32
      %dma_wait3A_38 = tpu.memref_slice %arg11[%mul3A_17, %dma_wait3A_37] : memref<5248x128xf32, #tpu.memory_space<vmem_shared>> -> memref<320x128xf32, #tpu.memory_space<vmem_shared>>
      tpu.wait_dma2 semaphore(%run_scoped3A_23 : memref<!tpu.dma_semaphore, #tpu.memory_space<semaphore_mem>>) src(%dma_wait3A_38 : memref<320x128xf32, #tpu.memory_space<vmem_shared>>) dst(%dma_wait3A_36 : memref<320x128xf32, #tpu.memory_space<hbm>>)
      tpu.yield
    }) : () -> ()
    return
  }
}

#map = affine_map<(d0, d1) -> (0, 0)>
#map1 = affine_map<(d0, d1) -> (0, 0, 0)>
#map2 = affine_map<(d0, d1) -> (0, 0, 0, 0)>
module attributes {stable_mosaic.version = 14 : i64} {
  func.func @body(%arg0: i32, %arg1: i32, %arg2: memref<20480x128xf32, #tpu.memory_space<hbm>>, %arg3: memref<32x80x128xi32, #tpu.memory_space<hbm>>, %arg4: memref<2x16x80x128xi32, #tpu.memory_space<hbm>>, %arg5: memref<5248x128xf32, #tpu.memory_space<hbm>>, %arg6: memref<2x10240x128xf32, #tpu.memory_space<hbm>>, %arg7: memref<80x128xi32, #tpu.memory_space<vmem>>, %arg8: memref<2x80x128xi32, #tpu.memory_space<vmem>>, %arg9: memref<128x128xf32, #tpu.memory_space<vmem>>, %arg10: memref<128x128xf32, #tpu.memory_space<vmem>>, %arg11: memref<5248x128xf32, #tpu.memory_space<vmem_shared>>, %arg12: memref<!tpu.dma_semaphore, #tpu.memory_space<semaphore_mem>>, %arg13: memref<!tpu.dma_semaphore, #tpu.memory_space<semaphore_mem>>) attributes {dimension_semantics = [#tpu.dimension_semantics<core_parallel>, #tpu.dimension_semantics<subcore_parallel>], iteration_bounds = array<i64: 2, 16>, scalar_prefetch = 0 : i64, scratch_operands = 7 : i64, tpu.core_type = #tpu.core_type<sc_vector_subcore>, window_params = [{transform_indices = #map}, {transform_indices = #map1}, {transform_indices = #map2}, {transform_indices = #map}, {transform_indices = #map1}]} {
    %mul3A = arith.constant 16 : i32
    %mul3A_0 = arith.muli %arg0, %mul3A : i32
    %add3A = arith.addi %mul3A_0, %arg1 : i32
    "tpu.region"() ({
      %run_scoped3A_54 = tpu.sem_alloc : memref<!tpu.dma_semaphore, #tpu.memory_space<semaphore_mem>>
      %dma_start3A_55 = arith.constant 0 : i32
      %dma_start3A_56 = arith.constant 0 : i32
      %dma_start3A_57 = tpu.memref_slice %arg3[%add3A, %dma_start3A_55, %dma_start3A_56] : memref<32x80x128xi32, #tpu.memory_space<hbm>> -> memref<1x80x128xi32, #tpu.memory_space<hbm>>
      %dma_start3A_58 = tpu.memref_squeeze %dma_start3A_57 : memref<1x80x128xi32, #tpu.memory_space<hbm>> -> memref<80x128xi32, #tpu.memory_space<hbm>>
      %dma_start3A_59 = arith.constant 0 : i32
      %dma_start3A_60 = arith.constant 0 : i32
      %dma_start3A_61 = tpu.memref_slice %arg3[%add3A, %dma_start3A_59, %dma_start3A_60] : memref<32x80x128xi32, #tpu.memory_space<hbm>> -> memref<1x80x128xi32, #tpu.memory_space<hbm>>
      %dma_start3A_62 = tpu.memref_squeeze %dma_start3A_61 : memref<1x80x128xi32, #tpu.memory_space<hbm>> -> memref<80x128xi32, #tpu.memory_space<hbm>>
      tpu.enqueue_dma source(%dma_start3A_62 : memref<80x128xi32, #tpu.memory_space<hbm>>) target(%arg7 : memref<80x128xi32, #tpu.memory_space<vmem>>) target_semaphore(%run_scoped3A_54 : memref<!tpu.dma_semaphore, #tpu.memory_space<semaphore_mem>>)
      %dma_wait3A = arith.constant 0 : i32
      %dma_wait3A_63 = arith.constant 0 : i32
      %dma_wait3A_64 = tpu.memref_slice %arg3[%add3A, %dma_wait3A, %dma_wait3A_63] : memref<32x80x128xi32, #tpu.memory_space<hbm>> -> memref<1x80x128xi32, #tpu.memory_space<hbm>>
      %dma_wait3A_65 = tpu.memref_squeeze %dma_wait3A_64 : memref<1x80x128xi32, #tpu.memory_space<hbm>> -> memref<80x128xi32, #tpu.memory_space<hbm>>
      %dma_wait3A_66 = arith.constant 0 : i32
      %dma_wait3A_67 = arith.constant 0 : i32
      %dma_wait3A_68 = tpu.memref_slice %arg3[%add3A, %dma_wait3A_66, %dma_wait3A_67] : memref<32x80x128xi32, #tpu.memory_space<hbm>> -> memref<1x80x128xi32, #tpu.memory_space<hbm>>
      %dma_wait3A_69 = tpu.memref_squeeze %dma_wait3A_68 : memref<1x80x128xi32, #tpu.memory_space<hbm>> -> memref<80x128xi32, #tpu.memory_space<hbm>>
      tpu.wait_dma2 semaphore(%run_scoped3A_54 : memref<!tpu.dma_semaphore, #tpu.memory_space<semaphore_mem>>) src(%dma_wait3A_69 : memref<80x128xi32, #tpu.memory_space<hbm>>) dst(%arg7 : memref<80x128xi32, #tpu.memory_space<vmem>>)
      tpu.yield
    }) : () -> ()
    %run_scoped3A = arith.constant 0 : i32
    %run_scoped3A_1 = arith.constant 0 : i32
    "tpu.region"() ({
      %run_scoped3A_54 = tpu.sem_alloc : memref<!tpu.dma_semaphore, #tpu.memory_space<semaphore_mem>>
      %dma_start3A_55 = arith.constant 0 : i32
      %dma_start3A_56 = arith.constant 0 : i32
      %dma_start3A_57 = tpu.memref_slice %arg8[%run_scoped3A_1, %dma_start3A_55, %dma_start3A_56] : memref<2x80x128xi32, #tpu.memory_space<vmem>> -> memref<1x80x128xi32, #tpu.memory_space<vmem>>
      %dma_start3A_58 = tpu.memref_squeeze %dma_start3A_57 : memref<1x80x128xi32, #tpu.memory_space<vmem>> -> memref<80x128xi32, #tpu.memory_space<vmem>>
      %dma_start3A_59 = arith.constant 0 : i32
      %dma_start3A_60 = arith.constant 0 : i32
      %dma_start3A_61 = arith.constant 0 : i32
      %dma_start3A_62 = tpu.memref_slice %arg4[%run_scoped3A, %dma_start3A_59, %dma_start3A_60, %dma_start3A_61] : memref<2x16x80x128xi32, #tpu.memory_space<hbm>> -> memref<1x16x80x128xi32, #tpu.memory_space<hbm>>
      %dma_start3A_63 = tpu.memref_squeeze %dma_start3A_62 : memref<1x16x80x128xi32, #tpu.memory_space<hbm>> -> memref<16x80x128xi32, #tpu.memory_space<hbm>>
      %dma_start3A_64 = arith.constant 0 : i32
      %dma_start3A_65 = arith.constant 0 : i32
      %dma_start3A_66 = tpu.memref_slice %dma_start3A_63[%arg1, %dma_start3A_64, %dma_start3A_65] : memref<16x80x128xi32, #tpu.memory_space<hbm>> -> memref<1x80x128xi32, #tpu.memory_space<hbm>>
      %dma_start3A_67 = tpu.memref_squeeze %dma_start3A_66 : memref<1x80x128xi32, #tpu.memory_space<hbm>> -> memref<80x128xi32, #tpu.memory_space<hbm>>
      %dma_start3A_68 = arith.constant 0 : i32
      %dma_start3A_69 = arith.constant 0 : i32
      %dma_start3A_70 = tpu.memref_slice %arg8[%run_scoped3A_1, %dma_start3A_68, %dma_start3A_69] : memref<2x80x128xi32, #tpu.memory_space<vmem>> -> memref<1x80x128xi32, #tpu.memory_space<vmem>>
      %dma_start3A_71 = tpu.memref_squeeze %dma_start3A_70 : memref<1x80x128xi32, #tpu.memory_space<vmem>> -> memref<80x128xi32, #tpu.memory_space<vmem>>
      %dma_start3A_72 = arith.constant 0 : i32
      %dma_start3A_73 = arith.constant 0 : i32
      %dma_start3A_74 = arith.constant 0 : i32
      %dma_start3A_75 = tpu.memref_slice %arg4[%run_scoped3A, %dma_start3A_72, %dma_start3A_73, %dma_start3A_74] : memref<2x16x80x128xi32, #tpu.memory_space<hbm>> -> memref<1x16x80x128xi32, #tpu.memory_space<hbm>>
      %dma_start3A_76 = tpu.memref_squeeze %dma_start3A_75 : memref<1x16x80x128xi32, #tpu.memory_space<hbm>> -> memref<16x80x128xi32, #tpu.memory_space<hbm>>
      %dma_start3A_77 = arith.constant 0 : i32
      %dma_start3A_78 = arith.constant 0 : i32
      %dma_start3A_79 = tpu.memref_slice %dma_start3A_76[%arg1, %dma_start3A_77, %dma_start3A_78] : memref<16x80x128xi32, #tpu.memory_space<hbm>> -> memref<1x80x128xi32, #tpu.memory_space<hbm>>
      %dma_start3A_80 = tpu.memref_squeeze %dma_start3A_79 : memref<1x80x128xi32, #tpu.memory_space<hbm>> -> memref<80x128xi32, #tpu.memory_space<hbm>>
      tpu.enqueue_dma source(%dma_start3A_80 : memref<80x128xi32, #tpu.memory_space<hbm>>) target(%dma_start3A_71 : memref<80x128xi32, #tpu.memory_space<vmem>>) target_semaphore(%run_scoped3A_54 : memref<!tpu.dma_semaphore, #tpu.memory_space<semaphore_mem>>)
      %dma_wait3A = arith.constant 0 : i32
      %dma_wait3A_81 = arith.constant 0 : i32
      %dma_wait3A_82 = tpu.memref_slice %arg8[%run_scoped3A_1, %dma_wait3A, %dma_wait3A_81] : memref<2x80x128xi32, #tpu.memory_space<vmem>> -> memref<1x80x128xi32, #tpu.memory_space<vmem>>
      %dma_wait3A_83 = tpu.memref_squeeze %dma_wait3A_82 : memref<1x80x128xi32, #tpu.memory_space<vmem>> -> memref<80x128xi32, #tpu.memory_space<vmem>>
      %dma_wait3A_84 = arith.constant 0 : i32
      %dma_wait3A_85 = arith.constant 0 : i32
      %dma_wait3A_86 = arith.constant 0 : i32
      %dma_wait3A_87 = tpu.memref_slice %arg4[%run_scoped3A, %dma_wait3A_84, %dma_wait3A_85, %dma_wait3A_86] : memref<2x16x80x128xi32, #tpu.memory_space<hbm>> -> memref<1x16x80x128xi32, #tpu.memory_space<hbm>>
      %dma_wait3A_88 = tpu.memref_squeeze %dma_wait3A_87 : memref<1x16x80x128xi32, #tpu.memory_space<hbm>> -> memref<16x80x128xi32, #tpu.memory_space<hbm>>
      %dma_wait3A_89 = arith.constant 0 : i32
      %dma_wait3A_90 = arith.constant 0 : i32
      %dma_wait3A_91 = tpu.memref_slice %dma_wait3A_88[%arg1, %dma_wait3A_89, %dma_wait3A_90] : memref<16x80x128xi32, #tpu.memory_space<hbm>> -> memref<1x80x128xi32, #tpu.memory_space<hbm>>
      %dma_wait3A_92 = tpu.memref_squeeze %dma_wait3A_91 : memref<1x80x128xi32, #tpu.memory_space<hbm>> -> memref<80x128xi32, #tpu.memory_space<hbm>>
      %dma_wait3A_93 = arith.constant 0 : i32
      %dma_wait3A_94 = arith.constant 0 : i32
      %dma_wait3A_95 = tpu.memref_slice %arg8[%run_scoped3A_1, %dma_wait3A_93, %dma_wait3A_94] : memref<2x80x128xi32, #tpu.memory_space<vmem>> -> memref<1x80x128xi32, #tpu.memory_space<vmem>>
      %dma_wait3A_96 = tpu.memref_squeeze %dma_wait3A_95 : memref<1x80x128xi32, #tpu.memory_space<vmem>> -> memref<80x128xi32, #tpu.memory_space<vmem>>
      %dma_wait3A_97 = arith.constant 0 : i32
      %dma_wait3A_98 = arith.constant 0 : i32
      %dma_wait3A_99 = arith.constant 0 : i32
      %dma_wait3A_100 = tpu.memref_slice %arg4[%run_scoped3A, %dma_wait3A_97, %dma_wait3A_98, %dma_wait3A_99] : memref<2x16x80x128xi32, #tpu.memory_space<hbm>> -> memref<1x16x80x128xi32, #tpu.memory_space<hbm>>
      %dma_wait3A_101 = tpu.memref_squeeze %dma_wait3A_100 : memref<1x16x80x128xi32, #tpu.memory_space<hbm>> -> memref<16x80x128xi32, #tpu.memory_space<hbm>>
      %dma_wait3A_102 = arith.constant 0 : i32
      %dma_wait3A_103 = arith.constant 0 : i32
      %dma_wait3A_104 = tpu.memref_slice %dma_wait3A_101[%arg1, %dma_wait3A_102, %dma_wait3A_103] : memref<16x80x128xi32, #tpu.memory_space<hbm>> -> memref<1x80x128xi32, #tpu.memory_space<hbm>>
      %dma_wait3A_105 = tpu.memref_squeeze %dma_wait3A_104 : memref<1x80x128xi32, #tpu.memory_space<hbm>> -> memref<80x128xi32, #tpu.memory_space<hbm>>
      tpu.wait_dma2 semaphore(%run_scoped3A_54 : memref<!tpu.dma_semaphore, #tpu.memory_space<semaphore_mem>>) src(%dma_wait3A_105 : memref<80x128xi32, #tpu.memory_space<hbm>>) dst(%dma_wait3A_96 : memref<80x128xi32, #tpu.memory_space<vmem>>)
      tpu.yield
    }) : () -> ()
    %run_scoped3A_2 = arith.constant 1 : i32
    %run_scoped3A_3 = arith.constant 1 : i32
    "tpu.region"() ({
      %run_scoped3A_54 = tpu.sem_alloc : memref<!tpu.dma_semaphore, #tpu.memory_space<semaphore_mem>>
      %dma_start3A_55 = arith.constant 0 : i32
      %dma_start3A_56 = arith.constant 0 : i32
      %dma_start3A_57 = tpu.memref_slice %arg8[%run_scoped3A_3, %dma_start3A_55, %dma_start3A_56] : memref<2x80x128xi32, #tpu.memory_space<vmem>> -> memref<1x80x128xi32, #tpu.memory_space<vmem>>
      %dma_start3A_58 = tpu.memref_squeeze %dma_start3A_57 : memref<1x80x128xi32, #tpu.memory_space<vmem>> -> memref<80x128xi32, #tpu.memory_space<vmem>>
      %dma_start3A_59 = arith.constant 0 : i32
      %dma_start3A_60 = arith.constant 0 : i32
      %dma_start3A_61 = arith.constant 0 : i32
      %dma_start3A_62 = tpu.memref_slice %arg4[%run_scoped3A_2, %dma_start3A_59, %dma_start3A_60, %dma_start3A_61] : memref<2x16x80x128xi32, #tpu.memory_space<hbm>> -> memref<1x16x80x128xi32, #tpu.memory_space<hbm>>
      %dma_start3A_63 = tpu.memref_squeeze %dma_start3A_62 : memref<1x16x80x128xi32, #tpu.memory_space<hbm>> -> memref<16x80x128xi32, #tpu.memory_space<hbm>>
      %dma_start3A_64 = arith.constant 0 : i32
      %dma_start3A_65 = arith.constant 0 : i32
      %dma_start3A_66 = tpu.memref_slice %dma_start3A_63[%arg1, %dma_start3A_64, %dma_start3A_65] : memref<16x80x128xi32, #tpu.memory_space<hbm>> -> memref<1x80x128xi32, #tpu.memory_space<hbm>>
      %dma_start3A_67 = tpu.memref_squeeze %dma_start3A_66 : memref<1x80x128xi32, #tpu.memory_space<hbm>> -> memref<80x128xi32, #tpu.memory_space<hbm>>
      %dma_start3A_68 = arith.constant 0 : i32
      %dma_start3A_69 = arith.constant 0 : i32
      %dma_start3A_70 = tpu.memref_slice %arg8[%run_scoped3A_3, %dma_start3A_68, %dma_start3A_69] : memref<2x80x128xi32, #tpu.memory_space<vmem>> -> memref<1x80x128xi32, #tpu.memory_space<vmem>>
      %dma_start3A_71 = tpu.memref_squeeze %dma_start3A_70 : memref<1x80x128xi32, #tpu.memory_space<vmem>> -> memref<80x128xi32, #tpu.memory_space<vmem>>
      %dma_start3A_72 = arith.constant 0 : i32
      %dma_start3A_73 = arith.constant 0 : i32
      %dma_start3A_74 = arith.constant 0 : i32
      %dma_start3A_75 = tpu.memref_slice %arg4[%run_scoped3A_2, %dma_start3A_72, %dma_start3A_73, %dma_start3A_74] : memref<2x16x80x128xi32, #tpu.memory_space<hbm>> -> memref<1x16x80x128xi32, #tpu.memory_space<hbm>>
      %dma_start3A_76 = tpu.memref_squeeze %dma_start3A_75 : memref<1x16x80x128xi32, #tpu.memory_space<hbm>> -> memref<16x80x128xi32, #tpu.memory_space<hbm>>
      %dma_start3A_77 = arith.constant 0 : i32
      %dma_start3A_78 = arith.constant 0 : i32
      %dma_start3A_79 = tpu.memref_slice %dma_start3A_76[%arg1, %dma_start3A_77, %dma_start3A_78] : memref<16x80x128xi32, #tpu.memory_space<hbm>> -> memref<1x80x128xi32, #tpu.memory_space<hbm>>
      %dma_start3A_80 = tpu.memref_squeeze %dma_start3A_79 : memref<1x80x128xi32, #tpu.memory_space<hbm>> -> memref<80x128xi32, #tpu.memory_space<hbm>>
      tpu.enqueue_dma source(%dma_start3A_80 : memref<80x128xi32, #tpu.memory_space<hbm>>) target(%dma_start3A_71 : memref<80x128xi32, #tpu.memory_space<vmem>>) target_semaphore(%run_scoped3A_54 : memref<!tpu.dma_semaphore, #tpu.memory_space<semaphore_mem>>)
      %dma_wait3A = arith.constant 0 : i32
      %dma_wait3A_81 = arith.constant 0 : i32
      %dma_wait3A_82 = tpu.memref_slice %arg8[%run_scoped3A_3, %dma_wait3A, %dma_wait3A_81] : memref<2x80x128xi32, #tpu.memory_space<vmem>> -> memref<1x80x128xi32, #tpu.memory_space<vmem>>
      %dma_wait3A_83 = tpu.memref_squeeze %dma_wait3A_82 : memref<1x80x128xi32, #tpu.memory_space<vmem>> -> memref<80x128xi32, #tpu.memory_space<vmem>>
      %dma_wait3A_84 = arith.constant 0 : i32
      %dma_wait3A_85 = arith.constant 0 : i32
      %dma_wait3A_86 = arith.constant 0 : i32
      %dma_wait3A_87 = tpu.memref_slice %arg4[%run_scoped3A_2, %dma_wait3A_84, %dma_wait3A_85, %dma_wait3A_86] : memref<2x16x80x128xi32, #tpu.memory_space<hbm>> -> memref<1x16x80x128xi32, #tpu.memory_space<hbm>>
      %dma_wait3A_88 = tpu.memref_squeeze %dma_wait3A_87 : memref<1x16x80x128xi32, #tpu.memory_space<hbm>> -> memref<16x80x128xi32, #tpu.memory_space<hbm>>
      %dma_wait3A_89 = arith.constant 0 : i32
      %dma_wait3A_90 = arith.constant 0 : i32
      %dma_wait3A_91 = tpu.memref_slice %dma_wait3A_88[%arg1, %dma_wait3A_89, %dma_wait3A_90] : memref<16x80x128xi32, #tpu.memory_space<hbm>> -> memref<1x80x128xi32, #tpu.memory_space<hbm>>
      %dma_wait3A_92 = tpu.memref_squeeze %dma_wait3A_91 : memref<1x80x128xi32, #tpu.memory_space<hbm>> -> memref<80x128xi32, #tpu.memory_space<hbm>>
      %dma_wait3A_93 = arith.constant 0 : i32
      %dma_wait3A_94 = arith.constant 0 : i32
      %dma_wait3A_95 = tpu.memref_slice %arg8[%run_scoped3A_3, %dma_wait3A_93, %dma_wait3A_94] : memref<2x80x128xi32, #tpu.memory_space<vmem>> -> memref<1x80x128xi32, #tpu.memory_space<vmem>>
      %dma_wait3A_96 = tpu.memref_squeeze %dma_wait3A_95 : memref<1x80x128xi32, #tpu.memory_space<vmem>> -> memref<80x128xi32, #tpu.memory_space<vmem>>
      %dma_wait3A_97 = arith.constant 0 : i32
      %dma_wait3A_98 = arith.constant 0 : i32
      %dma_wait3A_99 = arith.constant 0 : i32
      %dma_wait3A_100 = tpu.memref_slice %arg4[%run_scoped3A_2, %dma_wait3A_97, %dma_wait3A_98, %dma_wait3A_99] : memref<2x16x80x128xi32, #tpu.memory_space<hbm>> -> memref<1x16x80x128xi32, #tpu.memory_space<hbm>>
      %dma_wait3A_101 = tpu.memref_squeeze %dma_wait3A_100 : memref<1x16x80x128xi32, #tpu.memory_space<hbm>> -> memref<16x80x128xi32, #tpu.memory_space<hbm>>
      %dma_wait3A_102 = arith.constant 0 : i32
      %dma_wait3A_103 = arith.constant 0 : i32
      %dma_wait3A_104 = tpu.memref_slice %dma_wait3A_101[%arg1, %dma_wait3A_102, %dma_wait3A_103] : memref<16x80x128xi32, #tpu.memory_space<hbm>> -> memref<1x80x128xi32, #tpu.memory_space<hbm>>
      %dma_wait3A_105 = tpu.memref_squeeze %dma_wait3A_104 : memref<1x80x128xi32, #tpu.memory_space<hbm>> -> memref<80x128xi32, #tpu.memory_space<hbm>>
      tpu.wait_dma2 semaphore(%run_scoped3A_54 : memref<!tpu.dma_semaphore, #tpu.memory_space<semaphore_mem>>) src(%dma_wait3A_105 : memref<80x128xi32, #tpu.memory_space<hbm>>) dst(%dma_wait3A_96 : memref<80x128xi32, #tpu.memory_space<vmem>>)
      tpu.yield
    }) : () -> ()
    %mul3A_4 = arith.constant 328 : i32
    %mul3A_5 = arith.muli %arg1, %mul3A_4 : i32
    %mul3A_6 = arith.constant 328 : i32
    %mul3A_7 = arith.muli %arg1, %mul3A_6 : i32
    "tpu.region"() ({
      %run_scoped3A_54 = tpu.sem_alloc : memref<!tpu.dma_semaphore, #tpu.memory_space<semaphore_mem>>
      %dma_start3A_55 = arith.constant 0 : i32
      %dma_start3A_56 = tpu.memref_slice %arg11[%mul3A_7, %dma_start3A_55] : memref<5248x128xf32, #tpu.memory_space<vmem_shared>> -> memref<328x128xf32, #tpu.memory_space<vmem_shared>>
      %dma_start3A_57 = arith.constant 0 : i32
      %dma_start3A_58 = tpu.memref_slice %arg5[%mul3A_5, %dma_start3A_57] : memref<5248x128xf32, #tpu.memory_space<hbm>> -> memref<328x128xf32, #tpu.memory_space<hbm>>
      tpu.enqueue_dma source(%dma_start3A_58 : memref<328x128xf32, #tpu.memory_space<hbm>>) target(%dma_start3A_56 : memref<328x128xf32, #tpu.memory_space<vmem_shared>>) target_semaphore(%run_scoped3A_54 : memref<!tpu.dma_semaphore, #tpu.memory_space<semaphore_mem>>)
      %dma_wait3A = arith.constant 0 : i32
      %dma_wait3A_59 = tpu.memref_slice %arg11[%mul3A_7, %dma_wait3A] : memref<5248x128xf32, #tpu.memory_space<vmem_shared>> -> memref<328x128xf32, #tpu.memory_space<vmem_shared>>
      %dma_wait3A_60 = arith.constant 0 : i32
      %dma_wait3A_61 = tpu.memref_slice %arg5[%mul3A_5, %dma_wait3A_60] : memref<5248x128xf32, #tpu.memory_space<hbm>> -> memref<328x128xf32, #tpu.memory_space<hbm>>
      tpu.wait_dma2 semaphore(%run_scoped3A_54 : memref<!tpu.dma_semaphore, #tpu.memory_space<semaphore_mem>>) src(%dma_wait3A_61 : memref<328x128xf32, #tpu.memory_space<hbm>>) dst(%dma_wait3A_59 : memref<328x128xf32, #tpu.memory_space<vmem_shared>>)
      tpu.yield
    }) : () -> ()
    %barrier3A = arith.constant 0 : index
    tpu.barrier barrier_id(%barrier3A)
    %dma_start3A = arith.constant 0 : i32
    %dma_start3A_8 = arith.constant 0 : i32
    %dma_start3A_9 = tpu.memref_slice %arg7[%dma_start3A, %dma_start3A_8] : memref<80x128xi32, #tpu.memory_space<vmem>> -> memref<1x128xi32, #tpu.memory_space<vmem>>
    %dma_start3A_10 = tpu.memref_squeeze %dma_start3A_9 : memref<1x128xi32, #tpu.memory_space<vmem>> -> memref<128xi32, #tpu.memory_space<vmem>>
    %dma_start3A_11 = arith.constant 0 : i32
    %dma_start3A_12 = arith.constant 0 : i32
    %dma_start3A_13 = tpu.memref_slice %arg2[%dma_start3A_11, %dma_start3A_12] : memref<20480x128xf32, #tpu.memory_space<hbm>> -> memref<20480x128xf32, #tpu.memory_space<hbm>>
    tpu.enqueue_indirect_dma source(%dma_start3A_13 : memref<20480x128xf32, #tpu.memory_space<hbm>>) target(%arg9 : memref<128x128xf32, #tpu.memory_space<vmem>>) offsets(%dma_start3A_10 : memref<128xi32, #tpu.memory_space<vmem>>) semaphore(%arg12 : memref<!tpu.dma_semaphore, #tpu.memory_space<semaphore_mem>>)
    %scan3A = arith.constant 0 : i32
    %scan3A_14 = arith.constant 0 : i32
    %scan3A_15 = arith.constant 0 : i32
    %scan3A_16 = arith.constant 40 : i32
    %scan3A_17 = arith.addi %scan3A_15, %scan3A_16 : i32
    %scan3A_18 = arith.constant 1 : i32
    scf.for %scan3A_54 = %scan3A_15 to %scan3A_17 step %scan3A_18  : i32 {
      %mul3A_55 = arith.constant 2 : i32
      %mul3A_56 = arith.muli %mul3A_55, %scan3A_54 : i32
      %mul3A_57 = arith.constant 2 : i32
      %mul3A_58 = arith.muli %mul3A_57, %scan3A_54 : i32
      %add3A_59 = arith.constant 1 : i32
      %add3A_60 = arith.addi %mul3A_58, %add3A_59 : i32
      %dma_start3A_61 = arith.constant 0 : i32
      %dma_start3A_62 = tpu.memref_slice %arg7[%add3A_60, %dma_start3A_61] : memref<80x128xi32, #tpu.memory_space<vmem>> -> memref<1x128xi32, #tpu.memory_space<vmem>>
      %dma_start3A_63 = tpu.memref_squeeze %dma_start3A_62 : memref<1x128xi32, #tpu.memory_space<vmem>> -> memref<128xi32, #tpu.memory_space<vmem>>
      %dma_start3A_64 = arith.constant 0 : i32
      %dma_start3A_65 = arith.constant 0 : i32
      %dma_start3A_66 = tpu.memref_slice %arg2[%dma_start3A_64, %dma_start3A_65] : memref<20480x128xf32, #tpu.memory_space<hbm>> -> memref<20480x128xf32, #tpu.memory_space<hbm>>
      tpu.enqueue_indirect_dma source(%dma_start3A_66 : memref<20480x128xf32, #tpu.memory_space<hbm>>) target(%arg10 : memref<128x128xf32, #tpu.memory_space<vmem>>) offsets(%dma_start3A_63 : memref<128xi32, #tpu.memory_space<vmem>>) semaphore(%arg13 : memref<!tpu.dma_semaphore, #tpu.memory_space<semaphore_mem>>)
      %dma_wait3A = arith.constant 0 : i32
      %dma_wait3A_67 = tpu.memref_slice %arg7[%mul3A_56, %dma_wait3A] : memref<80x128xi32, #tpu.memory_space<vmem>> -> memref<1x128xi32, #tpu.memory_space<vmem>>
      %dma_wait3A_68 = tpu.memref_squeeze %dma_wait3A_67 : memref<1x128xi32, #tpu.memory_space<vmem>> -> memref<128xi32, #tpu.memory_space<vmem>>
      %dma_wait3A_69 = arith.constant 0 : i32
      %dma_wait3A_70 = arith.constant 0 : i32
      %dma_wait3A_71 = tpu.memref_slice %arg2[%dma_wait3A_69, %dma_wait3A_70] : memref<20480x128xf32, #tpu.memory_space<hbm>> -> memref<20480x128xf32, #tpu.memory_space<hbm>>
      tpu.wait_indirect_dma semaphore(%arg12 : memref<!tpu.dma_semaphore, #tpu.memory_space<semaphore_mem>>) src(%dma_wait3A_71 : memref<20480x128xf32, #tpu.memory_space<hbm>>) dst(%arg9 : memref<128x128xf32, #tpu.memory_space<vmem>>)
      "tpu.region"() ({
        %run_scoped3A_82 = tpu.sem_alloc : memref<!tpu.dma_semaphore, #tpu.memory_space<semaphore_mem>>
        %dma_start3A_83 = arith.constant 0 : i32
        %dma_start3A_84 = arith.constant 0 : i32
        %dma_start3A_85 = tpu.memref_slice %arg8[%scan3A_14, %dma_start3A_83, %dma_start3A_84] : memref<2x80x128xi32, #tpu.memory_space<vmem>> -> memref<1x80x128xi32, #tpu.memory_space<vmem>>
        %dma_start3A_86 = tpu.memref_squeeze %dma_start3A_85 : memref<1x80x128xi32, #tpu.memory_space<vmem>> -> memref<80x128xi32, #tpu.memory_space<vmem>>
        %dma_start3A_87 = arith.constant 0 : i32
        %dma_start3A_88 = tpu.memref_slice %dma_start3A_86[%mul3A_56, %dma_start3A_87] : memref<80x128xi32, #tpu.memory_space<vmem>> -> memref<1x128xi32, #tpu.memory_space<vmem>>
        %dma_start3A_89 = tpu.memref_squeeze %dma_start3A_88 : memref<1x128xi32, #tpu.memory_space<vmem>> -> memref<128xi32, #tpu.memory_space<vmem>>
        %dma_start3A_90 = arith.constant 0 : i32
        %dma_start3A_91 = arith.constant 0 : i32
        %dma_start3A_92 = tpu.memref_slice %arg11[%dma_start3A_90, %dma_start3A_91] : memref<5248x128xf32, #tpu.memory_space<vmem_shared>> -> memref<5248x128xf32, #tpu.memory_space<vmem_shared>>
        tpu.enqueue_indirect_dma source(%arg9 : memref<128x128xf32, #tpu.memory_space<vmem>>) target(%dma_start3A_92 : memref<5248x128xf32, #tpu.memory_space<vmem_shared>>) offsets(%dma_start3A_89 : memref<128xi32, #tpu.memory_space<vmem>>) semaphore(%run_scoped3A_82 : memref<!tpu.dma_semaphore, #tpu.memory_space<semaphore_mem>>) {add = true}
        %dma_wait3A_93 = arith.constant 0 : i32
        %dma_wait3A_94 = arith.constant 0 : i32
        %dma_wait3A_95 = tpu.memref_slice %arg8[%scan3A_14, %dma_wait3A_93, %dma_wait3A_94] : memref<2x80x128xi32, #tpu.memory_space<vmem>> -> memref<1x80x128xi32, #tpu.memory_space<vmem>>
        %dma_wait3A_96 = tpu.memref_squeeze %dma_wait3A_95 : memref<1x80x128xi32, #tpu.memory_space<vmem>> -> memref<80x128xi32, #tpu.memory_space<vmem>>
        %dma_wait3A_97 = arith.constant 0 : i32
        %dma_wait3A_98 = tpu.memref_slice %dma_wait3A_96[%mul3A_56, %dma_wait3A_97] : memref<80x128xi32, #tpu.memory_space<vmem>> -> memref<1x128xi32, #tpu.memory_space<vmem>>
        %dma_wait3A_99 = tpu.memref_squeeze %dma_wait3A_98 : memref<1x128xi32, #tpu.memory_space<vmem>> -> memref<128xi32, #tpu.memory_space<vmem>>
        %dma_wait3A_100 = arith.constant 0 : i32
        %dma_wait3A_101 = arith.constant 0 : i32
        %dma_wait3A_102 = tpu.memref_slice %arg11[%dma_wait3A_100, %dma_wait3A_101] : memref<5248x128xf32, #tpu.memory_space<vmem_shared>> -> memref<5248x128xf32, #tpu.memory_space<vmem_shared>>
        tpu.wait_indirect_dma semaphore(%run_scoped3A_82 : memref<!tpu.dma_semaphore, #tpu.memory_space<semaphore_mem>>) src(%arg9 : memref<128x128xf32, #tpu.memory_space<vmem>>) dst(%dma_wait3A_102 : memref<5248x128xf32, #tpu.memory_space<vmem_shared>>)
        tpu.yield
      }) : () -> ()
      %add3A_72 = arith.constant 1 : i32
      %add3A_73 = arith.addi %add3A_60, %add3A_72 : i32
      %lt3A = arith.constant 80 : i32
      %lt3A_74 = arith.cmpi slt, %add3A_73, %lt3A : i32
      %convert_element_type3A = arith.extui %lt3A_74 : i1 to i32
      %cond3A = arith.constant 0 : i32
      %cond3A_75 = arith.cmpi ne, %convert_element_type3A, %cond3A : i32
      scf.if %cond3A_75 {
        %add3A_82 = arith.constant 1 : i32
        %add3A_83 = arith.addi %add3A_60, %add3A_82 : i32
        %dma_start3A_84 = arith.constant 0 : i32
        %dma_start3A_85 = tpu.memref_slice %arg7[%add3A_83, %dma_start3A_84] : memref<80x128xi32, #tpu.memory_space<vmem>> -> memref<1x128xi32, #tpu.memory_space<vmem>>
        %dma_start3A_86 = tpu.memref_squeeze %dma_start3A_85 : memref<1x128xi32, #tpu.memory_space<vmem>> -> memref<128xi32, #tpu.memory_space<vmem>>
        %dma_start3A_87 = arith.constant 0 : i32
        %dma_start3A_88 = arith.constant 0 : i32
        %dma_start3A_89 = tpu.memref_slice %arg2[%dma_start3A_87, %dma_start3A_88] : memref<20480x128xf32, #tpu.memory_space<hbm>> -> memref<20480x128xf32, #tpu.memory_space<hbm>>
        tpu.enqueue_indirect_dma source(%dma_start3A_89 : memref<20480x128xf32, #tpu.memory_space<hbm>>) target(%arg9 : memref<128x128xf32, #tpu.memory_space<vmem>>) offsets(%dma_start3A_86 : memref<128xi32, #tpu.memory_space<vmem>>) semaphore(%arg12 : memref<!tpu.dma_semaphore, #tpu.memory_space<semaphore_mem>>)
      } else {
      }
      %dma_wait3A_76 = arith.constant 0 : i32
      %dma_wait3A_77 = tpu.memref_slice %arg7[%add3A_60, %dma_wait3A_76] : memref<80x128xi32, #tpu.memory_space<vmem>> -> memref<1x128xi32, #tpu.memory_space<vmem>>
      %dma_wait3A_78 = tpu.memref_squeeze %dma_wait3A_77 : memref<1x128xi32, #tpu.memory_space<vmem>> -> memref<128xi32, #tpu.memory_space<vmem>>
      %dma_wait3A_79 = arith.constant 0 : i32
      %dma_wait3A_80 = arith.constant 0 : i32
      %dma_wait3A_81 = tpu.memref_slice %arg2[%dma_wait3A_79, %dma_wait3A_80] : memref<20480x128xf32, #tpu.memory_space<hbm>> -> memref<20480x128xf32, #tpu.memory_space<hbm>>
      tpu.wait_indirect_dma semaphore(%arg13 : memref<!tpu.dma_semaphore, #tpu.memory_space<semaphore_mem>>) src(%dma_wait3A_81 : memref<20480x128xf32, #tpu.memory_space<hbm>>) dst(%arg10 : memref<128x128xf32, #tpu.memory_space<vmem>>)
      "tpu.region"() ({
        %run_scoped3A_82 = tpu.sem_alloc : memref<!tpu.dma_semaphore, #tpu.memory_space<semaphore_mem>>
        %dma_start3A_83 = arith.constant 0 : i32
        %dma_start3A_84 = arith.constant 0 : i32
        %dma_start3A_85 = tpu.memref_slice %arg8[%scan3A_14, %dma_start3A_83, %dma_start3A_84] : memref<2x80x128xi32, #tpu.memory_space<vmem>> -> memref<1x80x128xi32, #tpu.memory_space<vmem>>
        %dma_start3A_86 = tpu.memref_squeeze %dma_start3A_85 : memref<1x80x128xi32, #tpu.memory_space<vmem>> -> memref<80x128xi32, #tpu.memory_space<vmem>>
        %dma_start3A_87 = arith.constant 0 : i32
        %dma_start3A_88 = tpu.memref_slice %dma_start3A_86[%add3A_60, %dma_start3A_87] : memref<80x128xi32, #tpu.memory_space<vmem>> -> memref<1x128xi32, #tpu.memory_space<vmem>>
        %dma_start3A_89 = tpu.memref_squeeze %dma_start3A_88 : memref<1x128xi32, #tpu.memory_space<vmem>> -> memref<128xi32, #tpu.memory_space<vmem>>
        %dma_start3A_90 = arith.constant 0 : i32
        %dma_start3A_91 = arith.constant 0 : i32
        %dma_start3A_92 = tpu.memref_slice %arg11[%dma_start3A_90, %dma_start3A_91] : memref<5248x128xf32, #tpu.memory_space<vmem_shared>> -> memref<5248x128xf32, #tpu.memory_space<vmem_shared>>
        tpu.enqueue_indirect_dma source(%arg10 : memref<128x128xf32, #tpu.memory_space<vmem>>) target(%dma_start3A_92 : memref<5248x128xf32, #tpu.memory_space<vmem_shared>>) offsets(%dma_start3A_89 : memref<128xi32, #tpu.memory_space<vmem>>) semaphore(%run_scoped3A_82 : memref<!tpu.dma_semaphore, #tpu.memory_space<semaphore_mem>>) {add = true}
        %dma_wait3A_93 = arith.constant 0 : i32
        %dma_wait3A_94 = arith.constant 0 : i32
        %dma_wait3A_95 = tpu.memref_slice %arg8[%scan3A_14, %dma_wait3A_93, %dma_wait3A_94] : memref<2x80x128xi32, #tpu.memory_space<vmem>> -> memref<1x80x128xi32, #tpu.memory_space<vmem>>
        %dma_wait3A_96 = tpu.memref_squeeze %dma_wait3A_95 : memref<1x80x128xi32, #tpu.memory_space<vmem>> -> memref<80x128xi32, #tpu.memory_space<vmem>>
        %dma_wait3A_97 = arith.constant 0 : i32
        %dma_wait3A_98 = tpu.memref_slice %dma_wait3A_96[%add3A_60, %dma_wait3A_97] : memref<80x128xi32, #tpu.memory_space<vmem>> -> memref<1x128xi32, #tpu.memory_space<vmem>>
        %dma_wait3A_99 = tpu.memref_squeeze %dma_wait3A_98 : memref<1x128xi32, #tpu.memory_space<vmem>> -> memref<128xi32, #tpu.memory_space<vmem>>
        %dma_wait3A_100 = arith.constant 0 : i32
        %dma_wait3A_101 = arith.constant 0 : i32
        %dma_wait3A_102 = tpu.memref_slice %arg11[%dma_wait3A_100, %dma_wait3A_101] : memref<5248x128xf32, #tpu.memory_space<vmem_shared>> -> memref<5248x128xf32, #tpu.memory_space<vmem_shared>>
        tpu.wait_indirect_dma semaphore(%run_scoped3A_82 : memref<!tpu.dma_semaphore, #tpu.memory_space<semaphore_mem>>) src(%arg10 : memref<128x128xf32, #tpu.memory_space<vmem>>) dst(%dma_wait3A_102 : memref<5248x128xf32, #tpu.memory_space<vmem_shared>>)
        tpu.yield
      }) : () -> ()
    }
    %scan3A_19 = arith.constant 40 : i32
    %barrier3A_20 = arith.constant 0 : index
    tpu.barrier barrier_id(%barrier3A_20)
    %mul3A_21 = arith.constant 320 : i32
    %mul3A_22 = arith.muli %arg1, %mul3A_21 : i32
    %mul3A_23 = arith.constant 320 : i32
    %mul3A_24 = arith.muli %arg1, %mul3A_23 : i32
    %add3A_25 = arith.constant 0 : i32
    %add3A_26 = arith.addi %add3A_25, %mul3A_24 : i32
    "tpu.region"() ({
      %run_scoped3A_54 = tpu.sem_alloc : memref<!tpu.dma_semaphore, #tpu.memory_space<semaphore_mem>>
      %dma_start3A_55 = arith.constant 0 : i32
      %dma_start3A_56 = arith.constant 0 : i32
      %dma_start3A_57 = tpu.memref_slice %arg6[%arg0, %dma_start3A_55, %dma_start3A_56] : memref<2x10240x128xf32, #tpu.memory_space<hbm>> -> memref<1x10240x128xf32, #tpu.memory_space<hbm>>
      %dma_start3A_58 = tpu.memref_squeeze %dma_start3A_57 : memref<1x10240x128xf32, #tpu.memory_space<hbm>> -> memref<10240x128xf32, #tpu.memory_space<hbm>>
      %dma_start3A_59 = arith.constant 0 : i32
      %dma_start3A_60 = tpu.memref_slice %dma_start3A_58[%add3A_26, %dma_start3A_59] : memref<10240x128xf32, #tpu.memory_space<hbm>> -> memref<320x128xf32, #tpu.memory_space<hbm>>
      %dma_start3A_61 = arith.constant 0 : i32
      %dma_start3A_62 = tpu.memref_slice %arg11[%mul3A_22, %dma_start3A_61] : memref<5248x128xf32, #tpu.memory_space<vmem_shared>> -> memref<320x128xf32, #tpu.memory_space<vmem_shared>>
      tpu.enqueue_dma source(%dma_start3A_62 : memref<320x128xf32, #tpu.memory_space<vmem_shared>>) target(%dma_start3A_60 : memref<320x128xf32, #tpu.memory_space<hbm>>) target_semaphore(%run_scoped3A_54 : memref<!tpu.dma_semaphore, #tpu.memory_space<semaphore_mem>>)
      %dma_wait3A = arith.constant 0 : i32
      %dma_wait3A_63 = arith.constant 0 : i32
      %dma_wait3A_64 = tpu.memref_slice %arg6[%arg0, %dma_wait3A, %dma_wait3A_63] : memref<2x10240x128xf32, #tpu.memory_space<hbm>> -> memref<1x10240x128xf32, #tpu.memory_space<hbm>>
      %dma_wait3A_65 = tpu.memref_squeeze %dma_wait3A_64 : memref<1x10240x128xf32, #tpu.memory_space<hbm>> -> memref<10240x128xf32, #tpu.memory_space<hbm>>
      %dma_wait3A_66 = arith.constant 0 : i32
      %dma_wait3A_67 = tpu.memref_slice %dma_wait3A_65[%add3A_26, %dma_wait3A_66] : memref<10240x128xf32, #tpu.memory_space<hbm>> -> memref<320x128xf32, #tpu.memory_space<hbm>>
      %dma_wait3A_68 = arith.constant 0 : i32
      %dma_wait3A_69 = tpu.memref_slice %arg11[%mul3A_22, %dma_wait3A_68] : memref<5248x128xf32, #tpu.memory_space<vmem_shared>> -> memref<320x128xf32, #tpu.memory_space<vmem_shared>>
      tpu.wait_dma2 semaphore(%run_scoped3A_54 : memref<!tpu.dma_semaphore, #tpu.memory_space<semaphore_mem>>) src(%dma_wait3A_69 : memref<320x128xf32, #tpu.memory_space<vmem_shared>>) dst(%dma_wait3A_67 : memref<320x128xf32, #tpu.memory_space<hbm>>)
      tpu.yield
    }) : () -> ()
    %barrier3A_27 = arith.constant 0 : index
    tpu.barrier barrier_id(%barrier3A_27)
    %mul3A_28 = arith.constant 328 : i32
    %mul3A_29 = arith.muli %arg1, %mul3A_28 : i32
    %mul3A_30 = arith.constant 328 : i32
    %mul3A_31 = arith.muli %arg1, %mul3A_30 : i32
    "tpu.region"() ({
      %run_scoped3A_54 = tpu.sem_alloc : memref<!tpu.dma_semaphore, #tpu.memory_space<semaphore_mem>>
      %dma_start3A_55 = arith.constant 0 : i32
      %dma_start3A_56 = tpu.memref_slice %arg11[%mul3A_31, %dma_start3A_55] : memref<5248x128xf32, #tpu.memory_space<vmem_shared>> -> memref<328x128xf32, #tpu.memory_space<vmem_shared>>
      %dma_start3A_57 = arith.constant 0 : i32
      %dma_start3A_58 = tpu.memref_slice %arg5[%mul3A_29, %dma_start3A_57] : memref<5248x128xf32, #tpu.memory_space<hbm>> -> memref<328x128xf32, #tpu.memory_space<hbm>>
      tpu.enqueue_dma source(%dma_start3A_58 : memref<328x128xf32, #tpu.memory_space<hbm>>) target(%dma_start3A_56 : memref<328x128xf32, #tpu.memory_space<vmem_shared>>) target_semaphore(%run_scoped3A_54 : memref<!tpu.dma_semaphore, #tpu.memory_space<semaphore_mem>>)
      %dma_wait3A = arith.constant 0 : i32
      %dma_wait3A_59 = tpu.memref_slice %arg11[%mul3A_31, %dma_wait3A] : memref<5248x128xf32, #tpu.memory_space<vmem_shared>> -> memref<328x128xf32, #tpu.memory_space<vmem_shared>>
      %dma_wait3A_60 = arith.constant 0 : i32
      %dma_wait3A_61 = tpu.memref_slice %arg5[%mul3A_29, %dma_wait3A_60] : memref<5248x128xf32, #tpu.memory_space<hbm>> -> memref<328x128xf32, #tpu.memory_space<hbm>>
      tpu.wait_dma2 semaphore(%run_scoped3A_54 : memref<!tpu.dma_semaphore, #tpu.memory_space<semaphore_mem>>) src(%dma_wait3A_61 : memref<328x128xf32, #tpu.memory_space<hbm>>) dst(%dma_wait3A_59 : memref<328x128xf32, #tpu.memory_space<vmem_shared>>)
      tpu.yield
    }) : () -> ()
    %barrier3A_32 = arith.constant 0 : index
    tpu.barrier barrier_id(%barrier3A_32)
    %dma_start3A_33 = arith.constant 0 : i32
    %dma_start3A_34 = arith.constant 0 : i32
    %dma_start3A_35 = tpu.memref_slice %arg7[%dma_start3A_33, %dma_start3A_34] : memref<80x128xi32, #tpu.memory_space<vmem>> -> memref<1x128xi32, #tpu.memory_space<vmem>>
    %dma_start3A_36 = tpu.memref_squeeze %dma_start3A_35 : memref<1x128xi32, #tpu.memory_space<vmem>> -> memref<128xi32, #tpu.memory_space<vmem>>
    %dma_start3A_37 = arith.constant 0 : i32
    %dma_start3A_38 = arith.constant 0 : i32
    %dma_start3A_39 = tpu.memref_slice %arg2[%dma_start3A_37, %dma_start3A_38] : memref<20480x128xf32, #tpu.memory_space<hbm>> -> memref<20480x128xf32, #tpu.memory_space<hbm>>
    tpu.enqueue_indirect_dma source(%dma_start3A_39 : memref<20480x128xf32, #tpu.memory_space<hbm>>) target(%arg9 : memref<128x128xf32, #tpu.memory_space<vmem>>) offsets(%dma_start3A_36 : memref<128xi32, #tpu.memory_space<vmem>>) semaphore(%arg12 : memref<!tpu.dma_semaphore, #tpu.memory_space<semaphore_mem>>)
    %scan3A_40 = arith.constant 0 : i32
    %scan3A_41 = arith.constant 1 : i32
    %scan3A_42 = arith.constant 0 : i32
    %scan3A_43 = arith.constant 40 : i32
    %scan3A_44 = arith.addi %scan3A_42, %scan3A_43 : i32
    %scan3A_45 = arith.constant 1 : i32
    scf.for %scan3A_54 = %scan3A_42 to %scan3A_44 step %scan3A_45  : i32 {
      %mul3A_55 = arith.constant 2 : i32
      %mul3A_56 = arith.muli %mul3A_55, %scan3A_54 : i32
      %mul3A_57 = arith.constant 2 : i32
      %mul3A_58 = arith.muli %mul3A_57, %scan3A_54 : i32
      %add3A_59 = arith.constant 1 : i32
      %add3A_60 = arith.addi %mul3A_58, %add3A_59 : i32
      %dma_start3A_61 = arith.constant 0 : i32
      %dma_start3A_62 = tpu.memref_slice %arg7[%add3A_60, %dma_start3A_61] : memref<80x128xi32, #tpu.memory_space<vmem>> -> memref<1x128xi32, #tpu.memory_space<vmem>>
      %dma_start3A_63 = tpu.memref_squeeze %dma_start3A_62 : memref<1x128xi32, #tpu.memory_space<vmem>> -> memref<128xi32, #tpu.memory_space<vmem>>
      %dma_start3A_64 = arith.constant 0 : i32
      %dma_start3A_65 = arith.constant 0 : i32
      %dma_start3A_66 = tpu.memref_slice %arg2[%dma_start3A_64, %dma_start3A_65] : memref<20480x128xf32, #tpu.memory_space<hbm>> -> memref<20480x128xf32, #tpu.memory_space<hbm>>
      tpu.enqueue_indirect_dma source(%dma_start3A_66 : memref<20480x128xf32, #tpu.memory_space<hbm>>) target(%arg10 : memref<128x128xf32, #tpu.memory_space<vmem>>) offsets(%dma_start3A_63 : memref<128xi32, #tpu.memory_space<vmem>>) semaphore(%arg13 : memref<!tpu.dma_semaphore, #tpu.memory_space<semaphore_mem>>)
      %dma_wait3A = arith.constant 0 : i32
      %dma_wait3A_67 = tpu.memref_slice %arg7[%mul3A_56, %dma_wait3A] : memref<80x128xi32, #tpu.memory_space<vmem>> -> memref<1x128xi32, #tpu.memory_space<vmem>>
      %dma_wait3A_68 = tpu.memref_squeeze %dma_wait3A_67 : memref<1x128xi32, #tpu.memory_space<vmem>> -> memref<128xi32, #tpu.memory_space<vmem>>
      %dma_wait3A_69 = arith.constant 0 : i32
      %dma_wait3A_70 = arith.constant 0 : i32
      %dma_wait3A_71 = tpu.memref_slice %arg2[%dma_wait3A_69, %dma_wait3A_70] : memref<20480x128xf32, #tpu.memory_space<hbm>> -> memref<20480x128xf32, #tpu.memory_space<hbm>>
      tpu.wait_indirect_dma semaphore(%arg12 : memref<!tpu.dma_semaphore, #tpu.memory_space<semaphore_mem>>) src(%dma_wait3A_71 : memref<20480x128xf32, #tpu.memory_space<hbm>>) dst(%arg9 : memref<128x128xf32, #tpu.memory_space<vmem>>)
      "tpu.region"() ({
        %run_scoped3A_82 = tpu.sem_alloc : memref<!tpu.dma_semaphore, #tpu.memory_space<semaphore_mem>>
        %dma_start3A_83 = arith.constant 0 : i32
        %dma_start3A_84 = arith.constant 0 : i32
        %dma_start3A_85 = tpu.memref_slice %arg8[%scan3A_41, %dma_start3A_83, %dma_start3A_84] : memref<2x80x128xi32, #tpu.memory_space<vmem>> -> memref<1x80x128xi32, #tpu.memory_space<vmem>>
        %dma_start3A_86 = tpu.memref_squeeze %dma_start3A_85 : memref<1x80x128xi32, #tpu.memory_space<vmem>> -> memref<80x128xi32, #tpu.memory_space<vmem>>
        %dma_start3A_87 = arith.constant 0 : i32
        %dma_start3A_88 = tpu.memref_slice %dma_start3A_86[%mul3A_56, %dma_start3A_87] : memref<80x128xi32, #tpu.memory_space<vmem>> -> memref<1x128xi32, #tpu.memory_space<vmem>>
        %dma_start3A_89 = tpu.memref_squeeze %dma_start3A_88 : memref<1x128xi32, #tpu.memory_space<vmem>> -> memref<128xi32, #tpu.memory_space<vmem>>
        %dma_start3A_90 = arith.constant 0 : i32
        %dma_start3A_91 = arith.constant 0 : i32
        %dma_start3A_92 = tpu.memref_slice %arg11[%dma_start3A_90, %dma_start3A_91] : memref<5248x128xf32, #tpu.memory_space<vmem_shared>> -> memref<5248x128xf32, #tpu.memory_space<vmem_shared>>
        tpu.enqueue_indirect_dma source(%arg9 : memref<128x128xf32, #tpu.memory_space<vmem>>) target(%dma_start3A_92 : memref<5248x128xf32, #tpu.memory_space<vmem_shared>>) offsets(%dma_start3A_89 : memref<128xi32, #tpu.memory_space<vmem>>) semaphore(%run_scoped3A_82 : memref<!tpu.dma_semaphore, #tpu.memory_space<semaphore_mem>>) {add = true}
        %dma_wait3A_93 = arith.constant 0 : i32
        %dma_wait3A_94 = arith.constant 0 : i32
        %dma_wait3A_95 = tpu.memref_slice %arg8[%scan3A_41, %dma_wait3A_93, %dma_wait3A_94] : memref<2x80x128xi32, #tpu.memory_space<vmem>> -> memref<1x80x128xi32, #tpu.memory_space<vmem>>
        %dma_wait3A_96 = tpu.memref_squeeze %dma_wait3A_95 : memref<1x80x128xi32, #tpu.memory_space<vmem>> -> memref<80x128xi32, #tpu.memory_space<vmem>>
        %dma_wait3A_97 = arith.constant 0 : i32
        %dma_wait3A_98 = tpu.memref_slice %dma_wait3A_96[%mul3A_56, %dma_wait3A_97] : memref<80x128xi32, #tpu.memory_space<vmem>> -> memref<1x128xi32, #tpu.memory_space<vmem>>
        %dma_wait3A_99 = tpu.memref_squeeze %dma_wait3A_98 : memref<1x128xi32, #tpu.memory_space<vmem>> -> memref<128xi32, #tpu.memory_space<vmem>>
        %dma_wait3A_100 = arith.constant 0 : i32
        %dma_wait3A_101 = arith.constant 0 : i32
        %dma_wait3A_102 = tpu.memref_slice %arg11[%dma_wait3A_100, %dma_wait3A_101] : memref<5248x128xf32, #tpu.memory_space<vmem_shared>> -> memref<5248x128xf32, #tpu.memory_space<vmem_shared>>
        tpu.wait_indirect_dma semaphore(%run_scoped3A_82 : memref<!tpu.dma_semaphore, #tpu.memory_space<semaphore_mem>>) src(%arg9 : memref<128x128xf32, #tpu.memory_space<vmem>>) dst(%dma_wait3A_102 : memref<5248x128xf32, #tpu.memory_space<vmem_shared>>)
        tpu.yield
      }) : () -> ()
      %add3A_72 = arith.constant 1 : i32
      %add3A_73 = arith.addi %add3A_60, %add3A_72 : i32
      %lt3A = arith.constant 80 : i32
      %lt3A_74 = arith.cmpi slt, %add3A_73, %lt3A : i32
      %convert_element_type3A = arith.extui %lt3A_74 : i1 to i32
      %cond3A = arith.constant 0 : i32
      %cond3A_75 = arith.cmpi ne, %convert_element_type3A, %cond3A : i32
      scf.if %cond3A_75 {
        %add3A_82 = arith.constant 1 : i32
        %add3A_83 = arith.addi %add3A_60, %add3A_82 : i32
        %dma_start3A_84 = arith.constant 0 : i32
        %dma_start3A_85 = tpu.memref_slice %arg7[%add3A_83, %dma_start3A_84] : memref<80x128xi32, #tpu.memory_space<vmem>> -> memref<1x128xi32, #tpu.memory_space<vmem>>
        %dma_start3A_86 = tpu.memref_squeeze %dma_start3A_85 : memref<1x128xi32, #tpu.memory_space<vmem>> -> memref<128xi32, #tpu.memory_space<vmem>>
        %dma_start3A_87 = arith.constant 0 : i32
        %dma_start3A_88 = arith.constant 0 : i32
        %dma_start3A_89 = tpu.memref_slice %arg2[%dma_start3A_87, %dma_start3A_88] : memref<20480x128xf32, #tpu.memory_space<hbm>> -> memref<20480x128xf32, #tpu.memory_space<hbm>>
        tpu.enqueue_indirect_dma source(%dma_start3A_89 : memref<20480x128xf32, #tpu.memory_space<hbm>>) target(%arg9 : memref<128x128xf32, #tpu.memory_space<vmem>>) offsets(%dma_start3A_86 : memref<128xi32, #tpu.memory_space<vmem>>) semaphore(%arg12 : memref<!tpu.dma_semaphore, #tpu.memory_space<semaphore_mem>>)
      } else {
      }
      %dma_wait3A_76 = arith.constant 0 : i32
      %dma_wait3A_77 = tpu.memref_slice %arg7[%add3A_60, %dma_wait3A_76] : memref<80x128xi32, #tpu.memory_space<vmem>> -> memref<1x128xi32, #tpu.memory_space<vmem>>
      %dma_wait3A_78 = tpu.memref_squeeze %dma_wait3A_77 : memref<1x128xi32, #tpu.memory_space<vmem>> -> memref<128xi32, #tpu.memory_space<vmem>>
      %dma_wait3A_79 = arith.constant 0 : i32
      %dma_wait3A_80 = arith.constant 0 : i32
      %dma_wait3A_81 = tpu.memref_slice %arg2[%dma_wait3A_79, %dma_wait3A_80] : memref<20480x128xf32, #tpu.memory_space<hbm>> -> memref<20480x128xf32, #tpu.memory_space<hbm>>
      tpu.wait_indirect_dma semaphore(%arg13 : memref<!tpu.dma_semaphore, #tpu.memory_space<semaphore_mem>>) src(%dma_wait3A_81 : memref<20480x128xf32, #tpu.memory_space<hbm>>) dst(%arg10 : memref<128x128xf32, #tpu.memory_space<vmem>>)
      "tpu.region"() ({
        %run_scoped3A_82 = tpu.sem_alloc : memref<!tpu.dma_semaphore, #tpu.memory_space<semaphore_mem>>
        %dma_start3A_83 = arith.constant 0 : i32
        %dma_start3A_84 = arith.constant 0 : i32
        %dma_start3A_85 = tpu.memref_slice %arg8[%scan3A_41, %dma_start3A_83, %dma_start3A_84] : memref<2x80x128xi32, #tpu.memory_space<vmem>> -> memref<1x80x128xi32, #tpu.memory_space<vmem>>
        %dma_start3A_86 = tpu.memref_squeeze %dma_start3A_85 : memref<1x80x128xi32, #tpu.memory_space<vmem>> -> memref<80x128xi32, #tpu.memory_space<vmem>>
        %dma_start3A_87 = arith.constant 0 : i32
        %dma_start3A_88 = tpu.memref_slice %dma_start3A_86[%add3A_60, %dma_start3A_87] : memref<80x128xi32, #tpu.memory_space<vmem>> -> memref<1x128xi32, #tpu.memory_space<vmem>>
        %dma_start3A_89 = tpu.memref_squeeze %dma_start3A_88 : memref<1x128xi32, #tpu.memory_space<vmem>> -> memref<128xi32, #tpu.memory_space<vmem>>
        %dma_start3A_90 = arith.constant 0 : i32
        %dma_start3A_91 = arith.constant 0 : i32
        %dma_start3A_92 = tpu.memref_slice %arg11[%dma_start3A_90, %dma_start3A_91] : memref<5248x128xf32, #tpu.memory_space<vmem_shared>> -> memref<5248x128xf32, #tpu.memory_space<vmem_shared>>
        tpu.enqueue_indirect_dma source(%arg10 : memref<128x128xf32, #tpu.memory_space<vmem>>) target(%dma_start3A_92 : memref<5248x128xf32, #tpu.memory_space<vmem_shared>>) offsets(%dma_start3A_89 : memref<128xi32, #tpu.memory_space<vmem>>) semaphore(%run_scoped3A_82 : memref<!tpu.dma_semaphore, #tpu.memory_space<semaphore_mem>>) {add = true}
        %dma_wait3A_93 = arith.constant 0 : i32
        %dma_wait3A_94 = arith.constant 0 : i32
        %dma_wait3A_95 = tpu.memref_slice %arg8[%scan3A_41, %dma_wait3A_93, %dma_wait3A_94] : memref<2x80x128xi32, #tpu.memory_space<vmem>> -> memref<1x80x128xi32, #tpu.memory_space<vmem>>
        %dma_wait3A_96 = tpu.memref_squeeze %dma_wait3A_95 : memref<1x80x128xi32, #tpu.memory_space<vmem>> -> memref<80x128xi32, #tpu.memory_space<vmem>>
        %dma_wait3A_97 = arith.constant 0 : i32
        %dma_wait3A_98 = tpu.memref_slice %dma_wait3A_96[%add3A_60, %dma_wait3A_97] : memref<80x128xi32, #tpu.memory_space<vmem>> -> memref<1x128xi32, #tpu.memory_space<vmem>>
        %dma_wait3A_99 = tpu.memref_squeeze %dma_wait3A_98 : memref<1x128xi32, #tpu.memory_space<vmem>> -> memref<128xi32, #tpu.memory_space<vmem>>
        %dma_wait3A_100 = arith.constant 0 : i32
        %dma_wait3A_101 = arith.constant 0 : i32
        %dma_wait3A_102 = tpu.memref_slice %arg11[%dma_wait3A_100, %dma_wait3A_101] : memref<5248x128xf32, #tpu.memory_space<vmem_shared>> -> memref<5248x128xf32, #tpu.memory_space<vmem_shared>>
        tpu.wait_indirect_dma semaphore(%run_scoped3A_82 : memref<!tpu.dma_semaphore, #tpu.memory_space<semaphore_mem>>) src(%arg10 : memref<128x128xf32, #tpu.memory_space<vmem>>) dst(%dma_wait3A_102 : memref<5248x128xf32, #tpu.memory_space<vmem_shared>>)
        tpu.yield
      }) : () -> ()
    }
    %scan3A_46 = arith.constant 40 : i32
    %barrier3A_47 = arith.constant 0 : index
    tpu.barrier barrier_id(%barrier3A_47)
    %mul3A_48 = arith.constant 320 : i32
    %mul3A_49 = arith.muli %arg1, %mul3A_48 : i32
    %mul3A_50 = arith.constant 320 : i32
    %mul3A_51 = arith.muli %arg1, %mul3A_50 : i32
    %add3A_52 = arith.constant 5120 : i32
    %add3A_53 = arith.addi %add3A_52, %mul3A_51 : i32
    "tpu.region"() ({
      %run_scoped3A_54 = tpu.sem_alloc : memref<!tpu.dma_semaphore, #tpu.memory_space<semaphore_mem>>
      %dma_start3A_55 = arith.constant 0 : i32
      %dma_start3A_56 = arith.constant 0 : i32
      %dma_start3A_57 = tpu.memref_slice %arg6[%arg0, %dma_start3A_55, %dma_start3A_56] : memref<2x10240x128xf32, #tpu.memory_space<hbm>> -> memref<1x10240x128xf32, #tpu.memory_space<hbm>>
      %dma_start3A_58 = tpu.memref_squeeze %dma_start3A_57 : memref<1x10240x128xf32, #tpu.memory_space<hbm>> -> memref<10240x128xf32, #tpu.memory_space<hbm>>
      %dma_start3A_59 = arith.constant 0 : i32
      %dma_start3A_60 = tpu.memref_slice %dma_start3A_58[%add3A_53, %dma_start3A_59] : memref<10240x128xf32, #tpu.memory_space<hbm>> -> memref<320x128xf32, #tpu.memory_space<hbm>>
      %dma_start3A_61 = arith.constant 0 : i32
      %dma_start3A_62 = tpu.memref_slice %arg11[%mul3A_49, %dma_start3A_61] : memref<5248x128xf32, #tpu.memory_space<vmem_shared>> -> memref<320x128xf32, #tpu.memory_space<vmem_shared>>
      tpu.enqueue_dma source(%dma_start3A_62 : memref<320x128xf32, #tpu.memory_space<vmem_shared>>) target(%dma_start3A_60 : memref<320x128xf32, #tpu.memory_space<hbm>>) target_semaphore(%run_scoped3A_54 : memref<!tpu.dma_semaphore, #tpu.memory_space<semaphore_mem>>)
      %dma_wait3A = arith.constant 0 : i32
      %dma_wait3A_63 = arith.constant 0 : i32
      %dma_wait3A_64 = tpu.memref_slice %arg6[%arg0, %dma_wait3A, %dma_wait3A_63] : memref<2x10240x128xf32, #tpu.memory_space<hbm>> -> memref<1x10240x128xf32, #tpu.memory_space<hbm>>
      %dma_wait3A_65 = tpu.memref_squeeze %dma_wait3A_64 : memref<1x10240x128xf32, #tpu.memory_space<hbm>> -> memref<10240x128xf32, #tpu.memory_space<hbm>>
      %dma_wait3A_66 = arith.constant 0 : i32
      %dma_wait3A_67 = tpu.memref_slice %dma_wait3A_65[%add3A_53, %dma_wait3A_66] : memref<10240x128xf32, #tpu.memory_space<hbm>> -> memref<320x128xf32, #tpu.memory_space<hbm>>
      %dma_wait3A_68 = arith.constant 0 : i32
      %dma_wait3A_69 = tpu.memref_slice %arg11[%mul3A_49, %dma_wait3A_68] : memref<5248x128xf32, #tpu.memory_space<vmem_shared>> -> memref<320x128xf32, #tpu.memory_space<vmem_shared>>
      tpu.wait_dma2 semaphore(%run_scoped3A_54 : memref<!tpu.dma_semaphore, #tpu.memory_space<semaphore_mem>>) src(%dma_wait3A_69 : memref<320x128xf32, #tpu.memory_space<vmem_shared>>) dst(%dma_wait3A_67 : memref<320x128xf32, #tpu.memory_space<hbm>>)
      tpu.yield
    }) : () -> ()
    return
  }
}

module attributes {stable_mosaic.version = 14 : i64} {
  func.func @_mm1_body(%arg0: i32, %arg1: i32, %arg2: memref<2x2048x128xf32, #tpu.memory_space<vmem>>, %arg3: memref<2x2048x128xf32, #tpu.memory_space<vmem>>, %arg4: memref<128x256xf32, #tpu.memory_space<vmem>>, %arg5: memref<128x256xf32, #tpu.memory_space<vmem>>, %arg6: memref<1x1x128xf32, #tpu.memory_space<vmem>>, %arg7: memref<2048x1xf32, #tpu.memory_space<vmem>>, %arg8: memref<1x2048x128xf32, #tpu.memory_space<vmem>>) attributes {dimension_semantics = [#tpu.dimension_semantics<arbitrary>, #tpu.dimension_semantics<arbitrary>], iteration_bounds = array<i64: 5, 2>, scalar_prefetch = 0 : i64, scratch_operands = 0 : i64, tpu.core_type = #tpu.core_type<tc>, window_params = [{transform_indices = @transform_0, window_bounds = array<i64: 2, 2048, 128>}, {transform_indices = @transform_1, window_bounds = array<i64: 2, 2048, 128>}, {transform_indices = @transform_2, window_bounds = array<i64: 128, 256>}, {transform_indices = @transform_3, window_bounds = array<i64: 128, 256>}, {transform_indices = @transform_4, window_bounds = array<i64: 1, 1, 128>}, {transform_indices = @transform_5, window_bounds = array<i64: 2048, 1>}, {transform_indices = @transform_6, window_bounds = array<i64: 1, 2048, 128>}]} {
    %get3A = arith.constant 0 : index
    %get3A_0 = arith.constant 0 : index
    %get3A_1 = vector.load %arg4[%get3A, %get3A_0] : memref<128x256xf32, #tpu.memory_space<vmem>>, vector<128x256xf32>
    %get3A_2 = arith.constant 0 : index
    %get3A_3 = arith.constant 0 : index
    %get3A_4 = vector.load %arg5[%get3A_2, %get3A_3] : memref<128x256xf32, #tpu.memory_space<vmem>>, vector<128x256xf32>
    %get3A_5 = arith.constant 0 : index
    %get3A_6 = arith.constant 0 : index
    %get3A_7 = vector.load %arg7[%get3A_5, %get3A_6] : memref<2048x1xf32, #tpu.memory_space<vmem>>, vector<2048x1xf32>
    %get3A_8 = arith.constant 0 : index
    %get3A_9 = arith.constant 0 : index
    %get3A_10 = arith.constant 0 : index
    %get3A_11 = vector.load %arg2[%get3A_8, %get3A_9, %get3A_10] : memref<2x2048x128xf32, #tpu.memory_space<vmem>>, vector<1x2048x128xf32>
    %get3A_12 = vector.shape_cast %get3A_11 : vector<1x2048x128xf32> to vector<2048x128xf32>
    %slice3A = vector.extract_strided_slice %get3A_1 {offsets = [0, 0], sizes = [128, 128], strides = [1, 1]} : vector<128x256xf32> to vector<128x128xf32>
    %dot_general3A = arith.constant dense<0.000000e+00> : vector<2048x128xf32>
    %dot_general3A_13 = tpu.matmul %get3A_12, %slice3A, %dot_general3A {dimension_numbers = #tpu.dot_dimension_numbers<[1], [1], [0], [0], [0, 0, 1, 0], [], []>, transpose_lhs_hint = false} : vector<2048x128xf32>, vector<128x128xf32>, vector<2048x128xf32> -> vector<2048x128xf32>
    %get3A_14 = arith.constant 1 : index
    %get3A_15 = arith.constant 0 : index
    %get3A_16 = arith.constant 0 : index
    %get3A_17 = vector.load %arg2[%get3A_14, %get3A_15, %get3A_16] : memref<2x2048x128xf32, #tpu.memory_space<vmem>>, vector<1x2048x128xf32>
    %get3A_18 = vector.shape_cast %get3A_17 : vector<1x2048x128xf32> to vector<2048x128xf32>
    %slice3A_19 = vector.extract_strided_slice %get3A_1 {offsets = [0, 128], sizes = [128, 128], strides = [1, 1]} : vector<128x256xf32> to vector<128x128xf32>
    %dot_general3A_20 = arith.constant dense<0.000000e+00> : vector<2048x128xf32>
    %dot_general3A_21 = tpu.matmul %get3A_18, %slice3A_19, %dot_general3A_20 {dimension_numbers = #tpu.dot_dimension_numbers<[1], [1], [0], [0], [0, 0, 1, 0], [], []>, transpose_lhs_hint = false} : vector<2048x128xf32>, vector<128x128xf32>, vector<2048x128xf32> -> vector<2048x128xf32>
    %add3A = arith.addf %dot_general3A_13, %dot_general3A_21 : vector<2048x128xf32>
    %get3A_22 = arith.constant 0 : index
    %get3A_23 = arith.constant 0 : index
    %get3A_24 = arith.constant 0 : index
    %get3A_25 = vector.load %arg3[%get3A_22, %get3A_23, %get3A_24] : memref<2x2048x128xf32, #tpu.memory_space<vmem>>, vector<1x2048x128xf32>
    %get3A_26 = vector.shape_cast %get3A_25 : vector<1x2048x128xf32> to vector<2048x128xf32>
    %mul3A = vector.broadcast %get3A_7 : vector<2048x1xf32> to vector<2048x128xf32>
    %mul3A_27 = arith.mulf %get3A_26, %mul3A : vector<2048x128xf32>
    %slice3A_28 = vector.extract_strided_slice %get3A_4 {offsets = [0, 0], sizes = [128, 128], strides = [1, 1]} : vector<128x256xf32> to vector<128x128xf32>
    %dot_general3A_29 = arith.constant dense<0.000000e+00> : vector<2048x128xf32>
    %dot_general3A_30 = tpu.matmul %mul3A_27, %slice3A_28, %dot_general3A_29 {dimension_numbers = #tpu.dot_dimension_numbers<[1], [1], [0], [0], [0, 0, 1, 0], [], []>, transpose_lhs_hint = false} : vector<2048x128xf32>, vector<128x128xf32>, vector<2048x128xf32> -> vector<2048x128xf32>
    %add3A_31 = arith.addf %add3A, %dot_general3A_30 : vector<2048x128xf32>
    %get3A_32 = arith.constant 1 : index
    %get3A_33 = arith.constant 0 : index
    %get3A_34 = arith.constant 0 : index
    %get3A_35 = vector.load %arg3[%get3A_32, %get3A_33, %get3A_34] : memref<2x2048x128xf32, #tpu.memory_space<vmem>>, vector<1x2048x128xf32>
    %get3A_36 = vector.shape_cast %get3A_35 : vector<1x2048x128xf32> to vector<2048x128xf32>
    %mul3A_37 = vector.broadcast %get3A_7 : vector<2048x1xf32> to vector<2048x128xf32>
    %mul3A_38 = arith.mulf %get3A_36, %mul3A_37 : vector<2048x128xf32>
    %slice3A_39 = vector.extract_strided_slice %get3A_4 {offsets = [0, 128], sizes = [128, 128], strides = [1, 1]} : vector<128x256xf32> to vector<128x128xf32>
    %dot_general3A_40 = arith.constant dense<0.000000e+00> : vector<2048x128xf32>
    %dot_general3A_41 = tpu.matmul %mul3A_38, %slice3A_39, %dot_general3A_40 {dimension_numbers = #tpu.dot_dimension_numbers<[1], [1], [0], [0], [0, 0, 1, 0], [], []>, transpose_lhs_hint = false} : vector<2048x128xf32>, vector<128x128xf32>, vector<2048x128xf32> -> vector<2048x128xf32>
    %add3A_42 = arith.addf %add3A_31, %dot_general3A_41 : vector<2048x128xf32>
    %get3A_43 = arith.constant 0 : index
    %get3A_44 = arith.constant 0 : index
    %get3A_45 = arith.constant 0 : index
    %get3A_46 = vector.load %arg6[%get3A_43, %get3A_44, %get3A_45] : memref<1x1x128xf32, #tpu.memory_space<vmem>>, vector<1x1x128xf32>
    %get3A_47 = vector.shape_cast %get3A_46 : vector<1x1x128xf32> to vector<1x128xf32>
    %add3A_48 = vector.broadcast %get3A_47 : vector<1x128xf32> to vector<2048x128xf32>
    %add3A_49 = arith.addf %add3A_42, %add3A_48 : vector<2048x128xf32>
    %max3A = arith.constant 0.000000e+00 : f32
    %max3A_50 = vector.broadcast %max3A : f32 to vector<2048x128xf32>
    %max3A_51 = arith.maximumf %add3A_49, %max3A_50 : vector<2048x128xf32>
    %swap3A = arith.constant 0 : index
    %swap3A_52 = arith.constant 0 : index
    %swap3A_53 = arith.constant 0 : index
    %swap3A_54 = vector.load %arg8[%swap3A, %swap3A_52, %swap3A_53] : memref<1x2048x128xf32, #tpu.memory_space<vmem>>, vector<1x2048x128xf32>
    %swap3A_55 = vector.shape_cast %swap3A_54 : vector<1x2048x128xf32> to vector<2048x128xf32>
    %swap3A_56 = vector.shape_cast %max3A_51 : vector<2048x128xf32> to vector<1x2048x128xf32>
    tpu.vector_store %arg8[%swap3A, %swap3A_52, %swap3A_53], %swap3A_56 {strides = array<i32>} : memref<1x2048x128xf32, #tpu.memory_space<vmem>>, vector<1x2048x128xf32>,
    return
  }
  func.func @transform_0(%arg0: i32, %arg1: i32) -> (i32, i32, i32) {
    %c0_i32 = arith.constant 0 : i32
    %c0_i32_0 = arith.constant 0 : i32
    %c0_i32_1 = arith.constant 0 : i32
    return %c0_i32, %arg0, %c0_i32_0 : i32, i32, i32
  }
  func.func @transform_1(%arg0: i32, %arg1: i32) -> (i32, i32, i32) {
    %c0_i32 = arith.constant 0 : i32
    %c0_i32_0 = arith.constant 0 : i32
    %c0_i32_1 = arith.constant 0 : i32
    return %c0_i32, %arg0, %c0_i32_0 : i32, i32, i32
  }
  func.func @transform_2(%arg0: i32, %arg1: i32) -> (i32, i32) {
    %c0_i32 = arith.constant 0 : i32
    %c0_i32_0 = arith.constant 0 : i32
    return %arg1, %c0_i32 : i32, i32
  }
  func.func @transform_3(%arg0: i32, %arg1: i32) -> (i32, i32) {
    %c0_i32 = arith.constant 0 : i32
    %c0_i32_0 = arith.constant 0 : i32
    return %arg1, %c0_i32 : i32, i32
  }
  func.func @transform_4(%arg0: i32, %arg1: i32) -> (i32, i32, i32) {
    %c0_i32 = arith.constant 0 : i32
    %c0_i32_0 = arith.constant 0 : i32
    %c0_i32_1 = arith.constant 0 : i32
    return %arg1, %c0_i32, %c0_i32_0 : i32, i32, i32
  }
  func.func @transform_5(%arg0: i32, %arg1: i32) -> (i32, i32) {
    %c0_i32 = arith.constant 0 : i32
    %c0_i32_0 = arith.constant 0 : i32
    return %arg0, %c0_i32 : i32, i32
  }
  func.func @transform_6(%arg0: i32, %arg1: i32) -> (i32, i32, i32) {
    %c0_i32 = arith.constant 0 : i32
    %c0_i32_0 = arith.constant 0 : i32
    return %arg1, %arg0, %c0_i32 : i32, i32, i32
  }
}

module attributes {stable_mosaic.version = 14 : i64} {
  func.func @_mm2_body(%arg0: i32, %arg1: i32, %arg2: memref<2x2048x128xf32, #tpu.memory_space<vmem>>, %arg3: memref<2x2048x128xf32, #tpu.memory_space<vmem>>, %arg4: memref<128x256xf32, #tpu.memory_space<vmem>>, %arg5: memref<128x256xf32, #tpu.memory_space<vmem>>, %arg6: memref<1x1x128xf32, #tpu.memory_space<vmem>>, %arg7: memref<128x128xf32, #tpu.memory_space<vmem>>, %arg8: memref<128x128xf32, #tpu.memory_space<vmem>>, %arg9: memref<2048x1xf32, #tpu.memory_space<vmem>>, %arg10: memref<1x2048x128xf32, #tpu.memory_space<vmem>>, %arg11: memref<1x2048x128xf32, #tpu.memory_space<vmem>>, %arg12: memref<2048x128xf32, #tpu.memory_space<vmem>>) attributes {dimension_semantics = [#tpu.dimension_semantics<arbitrary>, #tpu.dimension_semantics<arbitrary>], iteration_bounds = array<i64: 5, 2>, scalar_prefetch = 0 : i64, scratch_operands = 0 : i64, tpu.core_type = #tpu.core_type<tc>, window_params = [{transform_indices = @transform_0, window_bounds = array<i64: 2, 2048, 128>}, {transform_indices = @transform_1, window_bounds = array<i64: 2, 2048, 128>}, {transform_indices = @transform_2, window_bounds = array<i64: 128, 256>}, {transform_indices = @transform_3, window_bounds = array<i64: 128, 256>}, {transform_indices = @transform_4, window_bounds = array<i64: 1, 1, 128>}, {transform_indices = @transform_5, window_bounds = array<i64: 128, 128>}, {transform_indices = @transform_6, window_bounds = array<i64: 128, 128>}, {transform_indices = @transform_7, window_bounds = array<i64: 2048, 1>}, {transform_indices = @transform_8, window_bounds = array<i64: 1, 2048, 128>}, {transform_indices = @transform_9, window_bounds = array<i64: 1, 2048, 128>}, {transform_indices = @transform_10, window_bounds = array<i64: 2048, 128>}]} {
    %get3A = arith.constant 0 : index
    %get3A_0 = arith.constant 0 : index
    %get3A_1 = vector.load %arg4[%get3A, %get3A_0] : memref<128x256xf32, #tpu.memory_space<vmem>>, vector<128x256xf32>
    %get3A_2 = arith.constant 0 : index
    %get3A_3 = arith.constant 0 : index
    %get3A_4 = vector.load %arg5[%get3A_2, %get3A_3] : memref<128x256xf32, #tpu.memory_space<vmem>>, vector<128x256xf32>
    %get3A_5 = arith.constant 0 : index
    %get3A_6 = arith.constant 0 : index
    %get3A_7 = vector.load %arg9[%get3A_5, %get3A_6] : memref<2048x1xf32, #tpu.memory_space<vmem>>, vector<2048x1xf32>
    %get3A_8 = arith.constant 0 : index
    %get3A_9 = arith.constant 0 : index
    %get3A_10 = arith.constant 0 : index
    %get3A_11 = vector.load %arg2[%get3A_8, %get3A_9, %get3A_10] : memref<2x2048x128xf32, #tpu.memory_space<vmem>>, vector<1x2048x128xf32>
    %get3A_12 = vector.shape_cast %get3A_11 : vector<1x2048x128xf32> to vector<2048x128xf32>
    %slice3A = vector.extract_strided_slice %get3A_1 {offsets = [0, 0], sizes = [128, 128], strides = [1, 1]} : vector<128x256xf32> to vector<128x128xf32>
    %dot_general3A = arith.constant dense<0.000000e+00> : vector<2048x128xf32>
    %dot_general3A_13 = tpu.matmul %get3A_12, %slice3A, %dot_general3A {dimension_numbers = #tpu.dot_dimension_numbers<[1], [1], [0], [0], [0, 0, 1, 0], [], []>, transpose_lhs_hint = false} : vector<2048x128xf32>, vector<128x128xf32>, vector<2048x128xf32> -> vector<2048x128xf32>
    %get3A_14 = arith.constant 1 : index
    %get3A_15 = arith.constant 0 : index
    %get3A_16 = arith.constant 0 : index
    %get3A_17 = vector.load %arg2[%get3A_14, %get3A_15, %get3A_16] : memref<2x2048x128xf32, #tpu.memory_space<vmem>>, vector<1x2048x128xf32>
    %get3A_18 = vector.shape_cast %get3A_17 : vector<1x2048x128xf32> to vector<2048x128xf32>
    %slice3A_19 = vector.extract_strided_slice %get3A_1 {offsets = [0, 128], sizes = [128, 128], strides = [1, 1]} : vector<128x256xf32> to vector<128x128xf32>
    %dot_general3A_20 = arith.constant dense<0.000000e+00> : vector<2048x128xf32>
    %dot_general3A_21 = tpu.matmul %get3A_18, %slice3A_19, %dot_general3A_20 {dimension_numbers = #tpu.dot_dimension_numbers<[1], [1], [0], [0], [0, 0, 1, 0], [], []>, transpose_lhs_hint = false} : vector<2048x128xf32>, vector<128x128xf32>, vector<2048x128xf32> -> vector<2048x128xf32>
    %add3A = arith.addf %dot_general3A_13, %dot_general3A_21 : vector<2048x128xf32>
    %get3A_22 = arith.constant 0 : index
    %get3A_23 = arith.constant 0 : index
    %get3A_24 = arith.constant 0 : index
    %get3A_25 = vector.load %arg3[%get3A_22, %get3A_23, %get3A_24] : memref<2x2048x128xf32, #tpu.memory_space<vmem>>, vector<1x2048x128xf32>
    %get3A_26 = vector.shape_cast %get3A_25 : vector<1x2048x128xf32> to vector<2048x128xf32>
    %mul3A = vector.broadcast %get3A_7 : vector<2048x1xf32> to vector<2048x128xf32>
    %mul3A_27 = arith.mulf %get3A_26, %mul3A : vector<2048x128xf32>
    %slice3A_28 = vector.extract_strided_slice %get3A_4 {offsets = [0, 0], sizes = [128, 128], strides = [1, 1]} : vector<128x256xf32> to vector<128x128xf32>
    %dot_general3A_29 = arith.constant dense<0.000000e+00> : vector<2048x128xf32>
    %dot_general3A_30 = tpu.matmul %mul3A_27, %slice3A_28, %dot_general3A_29 {dimension_numbers = #tpu.dot_dimension_numbers<[1], [1], [0], [0], [0, 0, 1, 0], [], []>, transpose_lhs_hint = false} : vector<2048x128xf32>, vector<128x128xf32>, vector<2048x128xf32> -> vector<2048x128xf32>
    %add3A_31 = arith.addf %add3A, %dot_general3A_30 : vector<2048x128xf32>
    %get3A_32 = arith.constant 1 : index
    %get3A_33 = arith.constant 0 : index
    %get3A_34 = arith.constant 0 : index
    %get3A_35 = vector.load %arg3[%get3A_32, %get3A_33, %get3A_34] : memref<2x2048x128xf32, #tpu.memory_space<vmem>>, vector<1x2048x128xf32>
    %get3A_36 = vector.shape_cast %get3A_35 : vector<1x2048x128xf32> to vector<2048x128xf32>
    %mul3A_37 = vector.broadcast %get3A_7 : vector<2048x1xf32> to vector<2048x128xf32>
    %mul3A_38 = arith.mulf %get3A_36, %mul3A_37 : vector<2048x128xf32>
    %slice3A_39 = vector.extract_strided_slice %get3A_4 {offsets = [0, 128], sizes = [128, 128], strides = [1, 1]} : vector<128x256xf32> to vector<128x128xf32>
    %dot_general3A_40 = arith.constant dense<0.000000e+00> : vector<2048x128xf32>
    %dot_general3A_41 = tpu.matmul %mul3A_38, %slice3A_39, %dot_general3A_40 {dimension_numbers = #tpu.dot_dimension_numbers<[1], [1], [0], [0], [0, 0, 1, 0], [], []>, transpose_lhs_hint = false} : vector<2048x128xf32>, vector<128x128xf32>, vector<2048x128xf32> -> vector<2048x128xf32>
    %add3A_42 = arith.addf %add3A_31, %dot_general3A_41 : vector<2048x128xf32>
    %get3A_43 = arith.constant 0 : index
    %get3A_44 = arith.constant 0 : index
    %get3A_45 = arith.constant 0 : index
    %get3A_46 = vector.load %arg6[%get3A_43, %get3A_44, %get3A_45] : memref<1x1x128xf32, #tpu.memory_space<vmem>>, vector<1x1x128xf32>
    %get3A_47 = vector.shape_cast %get3A_46 : vector<1x1x128xf32> to vector<1x128xf32>
    %add3A_48 = vector.broadcast %get3A_47 : vector<1x128xf32> to vector<2048x128xf32>
    %add3A_49 = arith.addf %add3A_42, %add3A_48 : vector<2048x128xf32>
    %max3A = arith.constant 0.000000e+00 : f32
    %max3A_50 = vector.broadcast %max3A : f32 to vector<2048x128xf32>
    %max3A_51 = arith.maximumf %add3A_49, %max3A_50 : vector<2048x128xf32>
    %swap3A = arith.constant 0 : index
    %swap3A_52 = arith.constant 0 : index
    %swap3A_53 = arith.constant 0 : index
    %swap3A_54 = vector.load %arg10[%swap3A, %swap3A_52, %swap3A_53] : memref<1x2048x128xf32, #tpu.memory_space<vmem>>, vector<1x2048x128xf32>
    %swap3A_55 = vector.shape_cast %swap3A_54 : vector<1x2048x128xf32> to vector<2048x128xf32>
    %swap3A_56 = vector.shape_cast %add3A_49 : vector<2048x128xf32> to vector<1x2048x128xf32>
    tpu.vector_store %arg10[%swap3A, %swap3A_52, %swap3A_53], %swap3A_56 {strides = array<i32>} : memref<1x2048x128xf32, #tpu.memory_space<vmem>>, vector<1x2048x128xf32>,
    %swap3A_57 = arith.constant 0 : index
    %swap3A_58 = arith.constant 0 : index
    %swap3A_59 = arith.constant 0 : index
    %swap3A_60 = vector.load %arg11[%swap3A_57, %swap3A_58, %swap3A_59] : memref<1x2048x128xf32, #tpu.memory_space<vmem>>, vector<1x2048x128xf32>
    %swap3A_61 = vector.shape_cast %swap3A_60 : vector<1x2048x128xf32> to vector<2048x128xf32>
    %swap3A_62 = vector.shape_cast %max3A_51 : vector<2048x128xf32> to vector<1x2048x128xf32>
    tpu.vector_store %arg11[%swap3A_57, %swap3A_58, %swap3A_59], %swap3A_62 {strides = array<i32>} : memref<1x2048x128xf32, #tpu.memory_space<vmem>>, vector<1x2048x128xf32>,
    %get3A_63 = arith.constant 0 : index
    %get3A_64 = arith.constant 0 : index
    %get3A_65 = vector.load %arg7[%get3A_63, %get3A_64] : memref<128x128xf32, #tpu.memory_space<vmem>>, vector<128x128xf32>
    %dot_general3A_66 = arith.constant dense<0.000000e+00> : vector<2048x128xf32>
    %dot_general3A_67 = tpu.matmul %add3A_49, %get3A_65, %dot_general3A_66 {dimension_numbers = #tpu.dot_dimension_numbers<[1], [1], [0], [0], [0, 0, 1, 0], [], []>, transpose_lhs_hint = false} : vector<2048x128xf32>, vector<128x128xf32>, vector<2048x128xf32> -> vector<2048x128xf32>
    %get3A_68 = arith.constant 0 : index
    %get3A_69 = arith.constant 0 : index
    %get3A_70 = vector.load %arg8[%get3A_68, %get3A_69] : memref<128x128xf32, #tpu.memory_space<vmem>>, vector<128x128xf32>
    %dot_general3A_71 = arith.constant dense<0.000000e+00> : vector<2048x128xf32>
    %dot_general3A_72 = tpu.matmul %max3A_51, %get3A_70, %dot_general3A_71 {dimension_numbers = #tpu.dot_dimension_numbers<[1], [1], [0], [0], [0, 0, 1, 0], [], []>, transpose_lhs_hint = false} : vector<2048x128xf32>, vector<128x128xf32>, vector<2048x128xf32> -> vector<2048x128xf32>
    %add3A_73 = arith.addf %dot_general3A_67, %dot_general3A_72 : vector<2048x128xf32>
    %eq3A = arith.constant 0 : i32
    %eq3A_74 = arith.cmpi eq, %arg1, %eq3A : i32
    %convert_element_type3A = arith.extui %eq3A_74 : i1 to i32
    %cond3A = arith.constant 0 : i32
    %cond3A_75 = arith.cmpi ne, %convert_element_type3A, %cond3A : i32
    scf.if %cond3A_75 {
      %swap3A_80 = arith.constant 0 : index
      %swap3A_81 = arith.constant 0 : index
      %swap3A_82 = vector.load %arg12[%swap3A_80, %swap3A_81] : memref<2048x128xf32, #tpu.memory_space<vmem>>, vector<2048x128xf32>
      tpu.vector_store %arg12[%swap3A_80, %swap3A_81], %add3A_73 {strides = array<i32>} : memref<2048x128xf32, #tpu.memory_space<vmem>>, vector<2048x128xf32>,
    } else {
    }
    %ne3A = arith.constant 0 : i32
    %ne3A_76 = arith.cmpi ne, %arg1, %ne3A : i32
    %convert_element_type3A_77 = arith.extui %ne3A_76 : i1 to i32
    %cond3A_78 = arith.constant 0 : i32
    %cond3A_79 = arith.cmpi ne, %convert_element_type3A_77, %cond3A_78 : i32
    scf.if %cond3A_79 {
      %get3A_80 = arith.constant 0 : index
      %get3A_81 = arith.constant 0 : index
      %get3A_82 = vector.load %arg12[%get3A_80, %get3A_81] : memref<2048x128xf32, #tpu.memory_space<vmem>>, vector<2048x128xf32>
      %add3A_83 = arith.addf %get3A_82, %add3A_73 : vector<2048x128xf32>
      %swap3A_84 = arith.constant 0 : index
      %swap3A_85 = arith.constant 0 : index
      %swap3A_86 = vector.load %arg12[%swap3A_84, %swap3A_85] : memref<2048x128xf32, #tpu.memory_space<vmem>>, vector<2048x128xf32>
      tpu.vector_store %arg12[%swap3A_84, %swap3A_85], %add3A_83 {strides = array<i32>} : memref<2048x128xf32, #tpu.memory_space<vmem>>, vector<2048x128xf32>,
    } else {
    }
    return
  }
  func.func @transform_0(%arg0: i32, %arg1: i32) -> (i32, i32, i32) {
    %c0_i32 = arith.constant 0 : i32
    %c0_i32_0 = arith.constant 0 : i32
    %c0_i32_1 = arith.constant 0 : i32
    return %c0_i32, %arg0, %c0_i32_0 : i32, i32, i32
  }
  func.func @transform_1(%arg0: i32, %arg1: i32) -> (i32, i32, i32) {
    %c0_i32 = arith.constant 0 : i32
    %c0_i32_0 = arith.constant 0 : i32
    %c0_i32_1 = arith.constant 0 : i32
    return %c0_i32, %arg0, %c0_i32_0 : i32, i32, i32
  }
  func.func @transform_2(%arg0: i32, %arg1: i32) -> (i32, i32) {
    %c0_i32 = arith.constant 0 : i32
    %c0_i32_0 = arith.constant 0 : i32
    return %arg1, %c0_i32 : i32, i32
  }
  func.func @transform_3(%arg0: i32, %arg1: i32) -> (i32, i32) {
    %c0_i32 = arith.constant 0 : i32
    %c0_i32_0 = arith.constant 0 : i32
    return %arg1, %c0_i32 : i32, i32
  }
  func.func @transform_4(%arg0: i32, %arg1: i32) -> (i32, i32, i32) {
    %c0_i32 = arith.constant 0 : i32
    %c0_i32_0 = arith.constant 0 : i32
    %c0_i32_1 = arith.constant 0 : i32
    return %arg1, %c0_i32, %c0_i32_0 : i32, i32, i32
  }
  func.func @transform_5(%arg0: i32, %arg1: i32) -> (i32, i32) {
    %c0_i32 = arith.constant 0 : i32
    %c0_i32_0 = arith.constant 0 : i32
    return %c0_i32, %arg1 : i32, i32
  }
  func.func @transform_6(%arg0: i32, %arg1: i32) -> (i32, i32) {
    %add3A = arith.constant 2 : i32
    %add3A_0 = arith.addi %add3A, %arg1 : i32
    %c0_i32 = arith.constant 0 : i32
    %c0_i32_1 = arith.constant 0 : i32
    return %c0_i32, %add3A_0 : i32, i32
  }
  func.func @transform_7(%arg0: i32, %arg1: i32) -> (i32, i32) {
    %c0_i32 = arith.constant 0 : i32
    %c0_i32_0 = arith.constant 0 : i32
    return %arg0, %c0_i32 : i32, i32
  }
  func.func @transform_8(%arg0: i32, %arg1: i32) -> (i32, i32, i32) {
    %c0_i32 = arith.constant 0 : i32
    %c0_i32_0 = arith.constant 0 : i32
    return %arg1, %arg0, %c0_i32 : i32, i32, i32
  }
  func.func @transform_9(%arg0: i32, %arg1: i32) -> (i32, i32, i32) {
    %c0_i32 = arith.constant 0 : i32
    %c0_i32_0 = arith.constant 0 : i32
    return %arg1, %arg0, %c0_i32 : i32, i32, i32
  }
  func.func @transform_10(%arg0: i32, %arg1: i32) -> (i32, i32) {
    %c0_i32 = arith.constant 0 : i32
    %c0_i32_0 = arith.constant 0 : i32
    return %arg0, %c0_i32 : i32, i32
  }
}

module attributes {stable_mosaic.version = 14 : i64} {
  func.func @_mm3_body(%arg0: i32, %arg1: memref<2x2048x128xf32, #tpu.memory_space<vmem>>, %arg2: memref<2x2048x128xf32, #tpu.memory_space<vmem>>, %arg3: memref<1x2048x128xf32, #tpu.memory_space<vmem>>, %arg4: memref<128x512xf32, #tpu.memory_space<vmem>>, %arg5: memref<1x1x128xf32, #tpu.memory_space<vmem>>, %arg6: memref<2048x1xf32, #tpu.memory_space<vmem>>, %arg7: memref<2048x128xf32, #tpu.memory_space<vmem>>) attributes {dimension_semantics = [#tpu.dimension_semantics<arbitrary>], iteration_bounds = array<i64: 5>, scalar_prefetch = 0 : i64, scratch_operands = 0 : i64, tpu.core_type = #tpu.core_type<tc>, window_params = [{transform_indices = @transform_0, window_bounds = array<i64: 2, 2048, 128>}, {transform_indices = @transform_1, window_bounds = array<i64: 2, 2048, 128>}, {transform_indices = @transform_2, window_bounds = array<i64: 1, 2048, 128>}, {pipeline_mode = #tpu.pipeline_mode<synchronous>, transform_indices = @transform_3, window_bounds = array<i64: 128, 512>}, {pipeline_mode = #tpu.pipeline_mode<synchronous>, transform_indices = @transform_4, window_bounds = array<i64: 1, 1, 128>}, {transform_indices = @transform_5, window_bounds = array<i64: 2048, 1>}, {transform_indices = @transform_6, window_bounds = array<i64: 2048, 128>}]} {
    %get3A = arith.constant 0 : index
    %get3A_0 = arith.constant 0 : index
    %get3A_1 = vector.load %arg4[%get3A, %get3A_0] : memref<128x512xf32, #tpu.memory_space<vmem>>, vector<128x512xf32>
    %get3A_2 = arith.constant 0 : index
    %get3A_3 = arith.constant 0 : index
    %get3A_4 = vector.load %arg6[%get3A_2, %get3A_3] : memref<2048x1xf32, #tpu.memory_space<vmem>>, vector<2048x1xf32>
    %get3A_5 = arith.constant 0 : index
    %get3A_6 = arith.constant 0 : index
    %get3A_7 = arith.constant 0 : index
    %get3A_8 = vector.load %arg1[%get3A_5, %get3A_6, %get3A_7] : memref<2x2048x128xf32, #tpu.memory_space<vmem>>, vector<1x2048x128xf32>
    %get3A_9 = vector.shape_cast %get3A_8 : vector<1x2048x128xf32> to vector<2048x128xf32>
    %slice3A = vector.extract_strided_slice %get3A_1 {offsets = [0, 0], sizes = [128, 128], strides = [1, 1]} : vector<128x512xf32> to vector<128x128xf32>
    %dot_general3A = arith.constant dense<0.000000e+00> : vector<2048x128xf32>
    %dot_general3A_10 = tpu.matmul %get3A_9, %slice3A, %dot_general3A {dimension_numbers = #tpu.dot_dimension_numbers<[1], [1], [0], [0], [0, 0, 1, 0], [], []>, transpose_lhs_hint = false} : vector<2048x128xf32>, vector<128x128xf32>, vector<2048x128xf32> -> vector<2048x128xf32>
    %get3A_11 = arith.constant 1 : index
    %get3A_12 = arith.constant 0 : index
    %get3A_13 = arith.constant 0 : index
    %get3A_14 = vector.load %arg1[%get3A_11, %get3A_12, %get3A_13] : memref<2x2048x128xf32, #tpu.memory_space<vmem>>, vector<1x2048x128xf32>
    %get3A_15 = vector.shape_cast %get3A_14 : vector<1x2048x128xf32> to vector<2048x128xf32>
    %slice3A_16 = vector.extract_strided_slice %get3A_1 {offsets = [0, 128], sizes = [128, 128], strides = [1, 1]} : vector<128x512xf32> to vector<128x128xf32>
    %dot_general3A_17 = arith.constant dense<0.000000e+00> : vector<2048x128xf32>
    %dot_general3A_18 = tpu.matmul %get3A_15, %slice3A_16, %dot_general3A_17 {dimension_numbers = #tpu.dot_dimension_numbers<[1], [1], [0], [0], [0, 0, 1, 0], [], []>, transpose_lhs_hint = false} : vector<2048x128xf32>, vector<128x128xf32>, vector<2048x128xf32> -> vector<2048x128xf32>
    %add3A = arith.addf %dot_general3A_10, %dot_general3A_18 : vector<2048x128xf32>
    %get3A_19 = arith.constant 0 : index
    %get3A_20 = arith.constant 0 : index
    %get3A_21 = arith.constant 0 : index
    %get3A_22 = vector.load %arg2[%get3A_19, %get3A_20, %get3A_21] : memref<2x2048x128xf32, #tpu.memory_space<vmem>>, vector<1x2048x128xf32>
    %get3A_23 = vector.shape_cast %get3A_22 : vector<1x2048x128xf32> to vector<2048x128xf32>
    %slice3A_24 = vector.extract_strided_slice %get3A_1 {offsets = [0, 256], sizes = [128, 128], strides = [1, 1]} : vector<128x512xf32> to vector<128x128xf32>
    %dot_general3A_25 = arith.constant dense<0.000000e+00> : vector<2048x128xf32>
    %dot_general3A_26 = tpu.matmul %get3A_23, %slice3A_24, %dot_general3A_25 {dimension_numbers = #tpu.dot_dimension_numbers<[1], [1], [0], [0], [0, 0, 1, 0], [], []>, transpose_lhs_hint = false} : vector<2048x128xf32>, vector<128x128xf32>, vector<2048x128xf32> -> vector<2048x128xf32>
    %add3A_27 = arith.addf %add3A, %dot_general3A_26 : vector<2048x128xf32>
    %get3A_28 = arith.constant 1 : index
    %get3A_29 = arith.constant 0 : index
    %get3A_30 = arith.constant 0 : index
    %get3A_31 = vector.load %arg2[%get3A_28, %get3A_29, %get3A_30] : memref<2x2048x128xf32, #tpu.memory_space<vmem>>, vector<1x2048x128xf32>
    %get3A_32 = vector.shape_cast %get3A_31 : vector<1x2048x128xf32> to vector<2048x128xf32>
    %slice3A_33 = vector.extract_strided_slice %get3A_1 {offsets = [0, 384], sizes = [128, 128], strides = [1, 1]} : vector<128x512xf32> to vector<128x128xf32>
    %dot_general3A_34 = arith.constant dense<0.000000e+00> : vector<2048x128xf32>
    %dot_general3A_35 = tpu.matmul %get3A_32, %slice3A_33, %dot_general3A_34 {dimension_numbers = #tpu.dot_dimension_numbers<[1], [1], [0], [0], [0, 0, 1, 0], [], []>, transpose_lhs_hint = false} : vector<2048x128xf32>, vector<128x128xf32>, vector<2048x128xf32> -> vector<2048x128xf32>
    %add3A_36 = arith.addf %add3A_27, %dot_general3A_35 : vector<2048x128xf32>
    %get3A_37 = arith.constant 0 : index
    %get3A_38 = arith.constant 0 : index
    %get3A_39 = arith.constant 0 : index
    %get3A_40 = vector.load %arg3[%get3A_37, %get3A_38, %get3A_39] : memref<1x2048x128xf32, #tpu.memory_space<vmem>>, vector<1x2048x128xf32>
    %get3A_41 = vector.shape_cast %get3A_40 : vector<1x2048x128xf32> to vector<2048x128xf32>
    %mul3A = vector.broadcast %get3A_4 : vector<2048x1xf32> to vector<2048x128xf32>
    %mul3A_42 = arith.mulf %get3A_41, %mul3A : vector<2048x128xf32>
    %add3A_43 = arith.addf %add3A_36, %mul3A_42 : vector<2048x128xf32>
    %get3A_44 = arith.constant 0 : index
    %get3A_45 = arith.constant 0 : index
    %get3A_46 = arith.constant 0 : index
    %get3A_47 = vector.load %arg5[%get3A_44, %get3A_45, %get3A_46] : memref<1x1x128xf32, #tpu.memory_space<vmem>>, vector<1x1x128xf32>
    %get3A_48 = vector.shape_cast %get3A_47 : vector<1x1x128xf32> to vector<1x128xf32>
    %add3A_49 = vector.broadcast %get3A_48 : vector<1x128xf32> to vector<2048x128xf32>
    %add3A_50 = arith.addf %add3A_43, %add3A_49 : vector<2048x128xf32>
    %swap3A = arith.constant 0 : index
    %swap3A_51 = arith.constant 0 : index
    %swap3A_52 = vector.load %arg7[%swap3A, %swap3A_51] : memref<2048x128xf32, #tpu.memory_space<vmem>>, vector<2048x128xf32>
    tpu.vector_store %arg7[%swap3A, %swap3A_51], %add3A_50 {strides = array<i32>} : memref<2048x128xf32, #tpu.memory_space<vmem>>, vector<2048x128xf32>,
    return
  }
  func.func @transform_0(%arg0: i32) -> (i32, i32, i32) {
    %c0_i32 = arith.constant 0 : i32
    %c0_i32_0 = arith.constant 0 : i32
    %c0_i32_1 = arith.constant 0 : i32
    return %c0_i32, %arg0, %c0_i32_0 : i32, i32, i32
  }
  func.func @transform_1(%arg0: i32) -> (i32, i32, i32) {
    %c0_i32 = arith.constant 0 : i32
    %c0_i32_0 = arith.constant 0 : i32
    %c0_i32_1 = arith.constant 0 : i32
    return %c0_i32, %arg0, %c0_i32_0 : i32, i32, i32
  }
  func.func @transform_2(%arg0: i32) -> (i32, i32, i32) {
    %c0_i32 = arith.constant 0 : i32
    %c0_i32_0 = arith.constant 0 : i32
    %c0_i32_1 = arith.constant 0 : i32
    return %c0_i32, %arg0, %c0_i32_0 : i32, i32, i32
  }
  func.func @transform_3(%arg0: i32) -> (i32, i32) {
    %c0_i32 = arith.constant 0 : i32
    %c0_i32_0 = arith.constant 0 : i32
    %c0_i32_1 = arith.constant 0 : i32
    return %c0_i32, %c0_i32_0 : i32, i32
  }
  func.func @transform_4(%arg0: i32) -> (i32, i32, i32) {
    %c0_i32 = arith.constant 0 : i32
    %c0_i32_0 = arith.constant 0 : i32
    %c0_i32_1 = arith.constant 0 : i32
    %c0_i32_2 = arith.constant 0 : i32
    return %c0_i32, %c0_i32_0, %c0_i32_1 : i32, i32, i32
  }
  func.func @transform_5(%arg0: i32) -> (i32, i32) {
    %c0_i32 = arith.constant 0 : i32
    %c0_i32_0 = arith.constant 0 : i32
    return %arg0, %c0_i32 : i32, i32
  }
  func.func @transform_6(%arg0: i32) -> (i32, i32) {
    %c0_i32 = arith.constant 0 : i32
    %c0_i32_0 = arith.constant 0 : i32
    return %arg0, %c0_i32 : i32, i32
  }
}

</mosaic_0001>

<sc_bundles>
// kernel: kernel.12.cloned.1.call-start
scs
__scs_entry_jumppad:
0x0: {  	(pc) =	sbr.rel $0x88, $3  }
0x1: {  	(tag) =	ssettag $0x0;
	lr =	simm.s32 $0x1  }
0x2: {  	[smem:$0x3F93] =	sst lr;
	_ =	strace $0xD0000000  }
0x3: {  	_ = 	snop  }
0x4: {  	_ = 	snop  }
0x5: {  	_ = 	snop  }
0x6: {  	_ = 	snop  }
0x7: {  	_ = 	snop  }
__scs_overlays_trampoline_lowered:
0x8: {  	[smem:$0x3FA2] =	sst s0  }
0x9: {  	[smem:$0x3FA3] =	sst s1  }
0xa: {  	[smem:$0x3FA4] =	sst s2  }
0xb: {  	[smem:$0x3FA5] =	sst s3  }
0xc: {  	[smem:$0x3FA6] =	sst s4  }
0xd: {  	[smem:$0x3FA7] =	sst s5  }
0xe: {  	[smem:$0x3FA8] =	sst s6  }
0xf: {  	[smem:$0x3FA9] =	sst s7  }
0x10: {  	[smem:$0x3FAA] =	sst s8  }
0x11: {  	[smem:$0x3FAB] =	sst s9;
	s0 =	simm.s32 @!p0 $0x0  }
0x12: {  	s1 =	sld [smem:$0x3F91];
	s0 =	simm.s32 @p0 $0x1  }
0x13: {  	[smem:$0x3FAC] =	sst s0;
	s0 =	simm.s32 @!p1 $0x0  }
0x14: {  	s2 =	sld [smem:$0x3F90];
	s0 =	simm.s32 @p1 $0x1  }
0x15: {  	[smem:$0x3FAD] =	sst s0;
	s0 =	simm.s32 @!p2 $0x0  }
0x16: {  	s3 =	sld [smem:$0x3FDB];
	s0 =	simm.s32 @p2 $0x1  }
0x17: {  	s4 =	simm.s32 $0x1BF5;
	[smem:$0x3FAF] =	sst s0  }
0x18: {  	s0 =	sld [smem:$0x3F92];
	_ =	swait.ge [sflag:s4], $0x0  }
0x19: {  	s7 =	sld [smem:$0x3F93]  }
0x1a: {  	s8 =	sadd.s32 $0xFFFFE003, lr  }
0x1b: {  	s9 =	sadd.s32 $0xFFFFFEF7, lr;
	s5 =	simm.s32 $0xFFFFFFFF;
	p2 =	slt.u32 s8, $0xFFFFF086  }
0x1c: {  	p1 =	slt.u32 s9, $0xF7A;
	s5 =	simm.s32 @!p2 $0x0  }
0x1d: {  	s5 =	simm.s32 @p1 $0x1;
	p0 =	seq.s32 s7, s2  }
0x1e: {  	s7 =	smul.u32 @!p0 $0xF7A, s2;
	p2 =	seq.s32 @!p0 s5, $0x0  }
0x1f: {  	s9 =	smul.u32 $0xF7A, s1;
	s8 =	simm.s32 @!p0 $0x1BF5;
	p2 =	por !p2, p0  }
0x20: {  	[sflag:s8] =	ssyncset.s32 @!p0 $0xFFFFF086;
	s6 =	sadd.s32 @!p0 s3, s7;
	s7 =	simm.s32 @!p0 $0x108  }
0x21: {  	s3 =	sadd.s32 s3, s9;
	s6 =	sadd.s32 @!p0 $0x88, s6;
	s7 =	simm.s32 @p2 $0x1082  }
0x22: {  	[simem:s7], [sflag:s8] =	dma.local @!p0 [hbm:s6], $0xF7A  }
0x23: {  	s9 =	sor.u32 $0xD0000000, s2;
	s6 =	simm.s32 $0x108;
	_ =	swait.ge @!p0 [sflag:s8], $0x0  }
0x24: {  	s3 =	sadd.s32 $0x88, s3;
	s6 =	simm.s32 @!p1 $0x1082;
	[sflag:s4] =	ssyncset.s32 $0xFFFFF086  }
0x25: {  	[simem:s6], [sflag:s4] =	dma.local [hbm:s3], $0xF7A  }
0x26: {  	[smem:$0x3F93] =	sst s1;
	(tag) =	ssettag s2;
	_ =	strace s9  }
0x27: {  	s1 =	sld [smem:$0x3FA3]  }
0x28: {  	s2 =	sld [smem:$0x3FA4]  }
0x29: {  	s4 =	sld [smem:$0x3FA6]  }
0x2a: {  	p0 =	seq.s32 s5, $0x0;
	s5 =	sld [smem:$0x3FA7]  }
0x2b: {  	s6 =	sld [smem:$0x3FA8]  }
0x2c: {  	s7 =	sld [smem:$0x3FA9]  }
0x2d: {  	s3 =	simm.s32 $0x108;
	s8 =	sld [smem:$0x3FAA]  }
0x2e: {  	s3 =	simm.s32 @!p0 $0x1082;
	s9 =	sld [smem:$0x3FAB]  }
0x2f: {  	lr =	sadd.s32 s0, s3;
	s0 =	sld [smem:$0x3FA2]  }
0x30: {  	s3 =	sld [smem:$0x3FA5]  }
0x31: {  	[smem:$0x3FAE] =	sst s10  }
0x32: {  	s10 =	sld [smem:$0x3FAC];
	_ =	sdelay $0x3  }
0x33: {  	p0 =	seq.s32 s10, $0x1;
	s10 =	sld [smem:$0x3FAE];
	_ =	sdelay $0x3  }
0x34: {  	[smem:$0x3FAE] =	sst s10  }
0x35: {  	s10 =	sld [smem:$0x3FAD];
	_ =	sdelay $0x3  }
0x36: {  	p1 =	seq.s32 s10, $0x1;
	s10 =	sld [smem:$0x3FAE];
	_ =	sdelay $0x3  }
0x37: {  	[smem:$0x3FAE] =	sst s10  }
0x38: {  	s10 =	sld [smem:$0x3FAF]  }
0x39: {  	_ = 	snop;
	(pc) =	sbr.ind lr, $3  }
0x3a: {  	_ = 	snop  }
0x3b: {  	_ = 	snop  }
0x3c: {  	p2 =	seq.s32 s10, $0x1;
	s10 =	sld [smem:$0x3FAE]  }
0x3d: {  	_ =	shalt  }
0x3e: {  	_ =	shalt  }
0x3f: {  	_ =	shalt  }
0x40: {  	_ =	shalt  }
0x41: {  	_ =	shalt  }
0x42: {  	_ =	shalt  }
0x43: {  	_ =	shalt  }
0x44: {  	_ =	shalt  }
0x45: {  	_ =	shalt  }
0x46: {  	_ =	shalt  }
0x47: {  	_ =	shalt  }
0x48: {  	_ =	shalt  }
0x49: {  	_ =	shalt  }
0x4a: {  	_ =	shalt  }
0x4b: {  	_ =	shalt  }
0x4c: {  	_ =	shalt  }
0x4d: {  	_ =	shalt  }
0x4e: {  	_ =	shalt  }
0x4f: {  	_ =	shalt  }
0x50: {  	_ =	shalt  }
0x51: {  	_ =	shalt  }
0x52: {  	_ =	shalt  }
0x53: {  	_ =	shalt  }
0x54: {  	_ =	shalt  }
0x55: {  	_ =	shalt  }
0x56: {  	_ =	shalt  }
0x57: {  	_ =	shalt  }
0x58: {  	_ =	shalt  }
0x59: {  	_ =	shalt  }
0x5a: {  	_ =	shalt  }
0x5b: {  	_ =	shalt  }
0x5c: {  	_ =	shalt  }
0x5d: {  	_ =	shalt  }
0x5e: {  	_ =	shalt  }
0x5f: {  	_ =	shalt  }
0x60: {  	_ =	shalt  }
0x61: {  	_ =	shalt  }
0x62: {  	_ =	shalt  }
0x63: {  	_ =	shalt  }
0x64: {  	_ =	shalt  }
0x65: {  	_ =	shalt  }
0x66: {  	_ =	shalt  }
0x67: {  	_ =	shalt  }
0x68: {  	_ =	shalt  }
0x69: {  	_ =	shalt  }
0x6a: {  	_ =	shalt  }
0x6b: {  	_ =	shalt  }
0x6c: {  	_ =	shalt  }
0x6d: {  	_ =	shalt  }
0x6e: {  	_ =	shalt  }
0x6f: {  	_ =	shalt  }
0x70: {  	_ =	shalt  }
0x71: {  	_ =	shalt  }
0x72: {  	_ =	shalt  }
0x73: {  	_ =	shalt  }
0x74: {  	_ =	shalt  }
0x75: {  	_ =	shalt  }
0x76: {  	_ =	shalt  }
0x77: {  	_ =	shalt  }
0x78: {  	_ =	shalt  }
0x79: {  	_ =	shalt  }
0x7a: {  	_ =	shalt  }
0x7b: {  	_ =	shalt  }
0x7c: {  	_ =	shalt  }
0x7d: {  	_ =	shalt  }
0x7e: {  	_ =	shalt  }
0x7f: {  	_ =	shalt  }
0x80: {  	_ =	shalt  }
0x81: {  	_ =	shalt  }
0x82: {  	_ =	shalt  }
0x83: {  	_ =	shalt  }
0x84: {  	_ =	shalt  }
0x85: {  	_ =	shalt  }
0x86: {  	_ =	shalt  }
0x87: {  	_ =	shalt  }
.Lfunc_end0:
.L_simem_size_0:
called_computation.1_lowered:
.L_overlay_start_0:
0x88: {  	s2 =	sld [smem:$0x3FD9]  }
0x89: {  	s3 =	sld [smem:$0x3FFE];
	_ =	sdelay $0x1  }
0x8a: {  	s1 =	srdreg.scid  }
0x8b: {  	s0 =	sand.u32 $0x1, s1  }
0x8c: {  	s17 =	sshll.u32 s0, $0xA;
	s2 =	sadd.s32 s3, s2  }
0x8d: {  	s2 =	sadd.s32 s2, s17  }
0x8e: {  	[smem:$0x3FBA] =	sst s2  }
0x8f: {  	_ = 	snop  }
0x90: {  	s18 =	sld [smem:$0x3FD0];
	(tm) =	ssettm $0x1  }
0x91: {  	s19 =	sld [smem:$0x3FFB];
	_ =	sdelay $0x3  }
0x92: {  	_ =	strace s19  }
0x93: {  	s2 =	sld [smem:$0x3FFC];
	_ =	sdelay $0x3  }
0x94: {  	_ =	strace s2  }
0x95: {  	s2 =	sld [smem:$0x3FFD];
	_ =	sdelay $0x3  }
0x96: {  	_ =	strace s2  }
0x97: {  	_ =	strace $0x8FFFFFFF  }
0x98: {  	s20 =	sld [smem:$0x3FDB];
	_ =	sdelay $0x1  }
0x99: {  	s4 =	simm.s32 $_scs_section_size  }
0x9a: {  	s5 =	simm.s32 $_size__tile_overlayer_lowered;
	s6 =	simm.s32 $_tile_overlayer_lowered  }
0x9b: {  	s7 =	simm.s32 $0x1BFF;
	s21 =	sshll.u32 s6, $0x1;
	s4 =	sadd.s32 s4, s20  }
0x9c: {  	s22 =	simm.s32 $0x0;
	s5 =	sshll.u32 s5, $0x1;
	s6 =	sadd.s32 s21, s4  }
0x9d: {  	[timem:s22], [sflag:s7] =	dma.local [hbm:s6], s5  }
0x9e: {  	_ =	swait.ge [sflag:s7], s5  }
0x9f: {  	s5 =	ssub.s32 $0x0, s5;
	[sflag:s7] =	ssyncset.done $0x0  }
0xa0: {  	[sflag:s7] =	ssyncadd.s32 s5;
	_ =	sdelay $0x1  }
0xa1: {  	s23 =	simm.s32 $0x1B8B  }
0xa2: {  	_ =	swait.ge [sflag:s23], $0x1  }
0xa3: {  	[sflag:s23] =	ssyncset.done $0x0  }
0xa4: {  	[sflag:s23] =	ssyncadd.s32 $0xFFFFFFFF  }
0xa5: {  	s5 =	sld [smem:$0x0]  }
0xa6: {  	s6 =	sand.u32 $0xFFFFFFFE, s1  }
0xa7: {  	p0 =	sne.s32 s1, s6  }
0xa8: {  	s6 =	sshll.u32 @p0 s6, $0xE  }
0xa9: {  	s6 =	sadd.s32 @p0 $0x11B8D, s6;
	s7 =	sshll.u32 @p0 s5, $0x11  }
0xaa: {  	s6 =	sor.u32 @p0 s7, s6  }
0xab: {  	[sflag:s6] =	ssyncadd.remote.s32 @p0 $0x1;
	_ =	sdelay $0x1  }
0xac: {  	s6 =	simm.s32 @p0 $0x1B8D  }
0xad: {  	_ =	swait.eq @p0 [sflag:s6], $0x1  }
0xae: {  	[sflag:s6] =	ssyncadd.s32 @p0 $0xFFFFFFFF  }
0xaf: {  	s7 =	sshll.u32 @!p0 s1, $0xE  }
0xb0: {  	s7 =	sor.u32 @!p0 $0x4000, s7;
	s6 =	simm.s32 @!p0 $0x1B8D  }
0xb1: {  	s5 =	sshll.u32 @!p0 s5, $0x11;
	s7 =	sadd.s32 @!p0 $0x11B8D, s7;
	_ =	swait.eq @!p0 [sflag:s6], $0x1  }
0xb2: {  	s5 =	sor.u32 @!p0 s5, s7;
	[sflag:s6] =	ssyncadd.s32 @!p0 $0xFFFFFFFF  }
0xb3: {  	s25 =	simm.s32 $0x1B8E;
	s24 =	sld [smem:$0x3FFE];
	[sflag:s5] =	ssyncadd.remote.s32 @!p0 $0x1  }
0xb4: {  	s26 =	simm.s32 $execute0_lowered;
	[smem:$0x3FD2] =	sst s25  }
0xb5: {  	s6 =	sshll.u32 s26, $0x1;
	_ =	strace $0x80000049;
	[dreg:$0x1] =	wrdreg $0xFFFFFFFF  }
0xb6: {  	s28 =	simm.s32 $_size_execute0_lowered;
	s4 =	sadd.s32 s4, s6;
	[dreg:$0x0] =	wrdreg $0x0  }
0xb7: {  	s6 =	sshll.u32 s28, $0x1;
	[dreg:$0x2] =	wrdreg s4  }
0xb8: {  	[dreg:$0x3] =	wrdreg s6  }
0xb9: {  	[dreg:$0x4] =	wrdreg $0xC0  }
0xba: {  	_ =	task [dreg:s22], $0x5FFFF  }
0xbb: {  	[dreg:$0x1] =	wrdreg $0xFFFFFFFF  }
0xbc: {  	[dreg:$0x0] =	wrdreg $0x60  }
0xbd: {  	[dreg:$0x2] =	wrdreg s24  }
0xbe: {  	[dreg:$0x3] =	wrdreg s18  }
0xbf: {  	[dreg:$0x4] =	wrdreg $0xF8000  }
0xc0: {  	[dreg:$0x5] =	wrdreg $0xA  }
0xc1: {  	_ =	task.clear_ibuf [dreg:s22], $0x6FFFF;
	_ =	strace $0x90000049  }
0xc2: {  	s29 =	simm.s32 $0xA;
	_ =	strace $0x8000004B  }
0xc3: {  	_ =	swait.ge [sflag:s29], $0x1  }
0xc4: {  	[sflag:s29] =	ssyncadd.s32 $0xFFFFFFFF  }
0xc5: {  	_ =	strace $0x9000004B  }
0xc6: {  	_ =	sfence  }
0xc7: {  	s30 =	sld [smem:$0x0];
	_ =	sdelay $0x2  }
0xc8: {  	s31 =	sshll.u32 s1, $0xD;
	s1 =	sshrl.u32 s1, $0x2  }
0xc9: {  	s4 =	sand.u32 $0x4000, s31;
	s1 =	sadd.s32 s1, s30  }
0xca: {  	s0 =	sor.u32 s4, s0;
	s1 =	sshll.u32 s1, $0x11  }
0xcb: {  	s0 =	sor.u32 s1, s0  }
0xcc: {  	s0 =	sadd.s32 $0x8F2B, s0  }
0xcd: {  	[sflag:s0] =	ssyncadd.remote.s32 $0x1  }
0xce: {  	_ =	sfence.sel $0xFFFF  }
0xcf: {  	[dreg:$0x0] =	wrdreg $0xFFFFFFFF;
	(pc) =	sbr.abs _section_cstart, $3  }
0xd0: {  	[dreg:$0x1] =	wrdreg $0xFFFFFFFF  }
0xd1: {  	_ =	task.clear_ibuf [dreg:s22], $0x2FFFF;
	_ =	strace $0x9FFFFFFF  }
0xd2: {  	(tm) =	ssettm $0x7FFFFFFF  }
0xd3: {  	_ =	shalt  }
tec
execute0_lowered:
.L_overlay_start_1:
0x0: {  	(tag) =	ssettag $0x1  }
0x1: {  	s0 =	rddreg [dreg:$0x0]  }
0x2: {  	s1 =	srdreg.scid;
	s7 =	rddreg [dreg:$0x1]  }
0x3: {  	s2 =	rddreg [dreg:$0x2];
	s22 =	stileid.u32  }
0x4: {  	s3 =	simm.s32 $0x0;
	s16 =	simm.s32 $0x80;
	s12 =	smul.u32 $0x500, s22  }
0x5: {  	s17 =	simm.s32 $0x7800;
	s18 =	simm.s32 $0xB800;
	s10 =	smul.u32 $0x29000, s22  }
0x6: {  	s19 =	simm.s32 $0x1;
	s20 =	simm.s32 $0x2;
	s13 =	smul.u32 $0x1480, s22  }
0x7: {  	s21 =	simm.s32 $0x2780;
	s28 =	simm.s32 $0x7780;
	s14 =	smul.u32 $0x28000, s22  }
0x8: {  	s29 =	simm.s32 $0x0;
	s5 =	sand.u32 $0x1, s1;
	s25 =	smul.u32 $0xA000, s22  }
0x9: {  	[smem:$0x7FF] =	sst s3;
	s23 =	smul.u32 $0x1400, s22;
	s31 =	sshll.u32 s22, $0x6  }
0xa: {  	s4 =	sshll.u32 s5, $0x4;
	_ =	strace $0x8000004A;
	s8 =	smul.u32 $0x28000, s5  }
0xb: {  	s5 =	ssub.s32 $0x2, s5;
	s4 =	sor.u32 s22, s4;
	s9 =	sadd.s32 s12, s0  }
0xc: {  	s11 =	sshrl.u32 s5, $0x1;
	s24 =	sshrl.u32 s10, $0x2;
	s7 =	sadd.s32 s7, s13  }
0xd: {  	s26 =	sshrl.u32 s14, $0x2;
	s30 =	sshrl.u32 s25, $0x3;
	s10 =	simm.s32 $0x3  }
0xe: {  	s14 =	sor.u32 $0x1C03, s31;
	s22 =	simm.s32 $0x4F00;
	s6 =	smul.u32 $0x500, s4  }
0xf: {  	s4 =	sadd.s32 $0x3B200, s0;
	s8 =	sadd.s32 s8, s0;
	s11 =	ssub.s32 s5, s11  }
0x10: {  	s15 =	sadd.s32 s24, s2;
	s25 =	sadd.s32 $0x14000, s30;
	s24 =	sadd.s32 $0x95200, s8  }
0x11: {  	s8 =	sadd.s32 s26, s2;
	s15 =	sshrl.u32 s15, $0x3;
	s26 =	simm.s32 $0x7700  }
0x12: {  	s6 =	sadd.s32 s6, s0;
	s0 =	sadd.s32 $0xDA00, s0;
	s23 =	sadd.s32 s23, s24  }
0x13: {  	s24 =	sadd.s32 s25, s24;
	s25 =	simm.s32 $0x4F80;
	s5 =	sadd.s32 $0x8B200, s6  }
0x14: {  	s6 =	sadd.s32 $0x8A00, s9;
	s9 =	smax.u32 s11, $0x1;
	s12 =	sadd.s32 s12, s0  }
.LBB2_1:
0x15: {  	[tilespmem:s3], [sflag:$0x3] =	stream.linear.gather [hbm4b:s5+s3], $0x2800, $0x38;
	[tilespmem:$0x19C00] =	vst v63  }
0x16: {  	_ =	swait.ge [sflag:s10], $0x2800  }
0x17: {  	[sflag:s10] =	ssyncset.done $0x0  }
0x18: {  	s0 =	simm.s32 $0x2800;
	[sflag:s10] =	ssyncadd.s32 $0xFFFFD800  }
0x19: {  	[tilespmem:s0], [sflag:$0x3] =	stream.linear.gather [hbm4b:s6+s3], $0x2800, $0x38;
	[tilespmem:$0x19C00] =	vst v63  }
0x1a: {  	_ =	swait.ge [sflag:s10], $0x2800  }
0x1b: {  	[sflag:s10] =	ssyncset.done $0x0  }
0x1c: {  	s11 =	simm.s32 $0x5000;
	[sflag:s10] =	ssyncadd.s32 $0xFFFFD800  }
0x1d: {  	[tilespmem:s11], [sflag:$0x3] =	stream.linear.gather [hbm4b:s12+s3], $0x2800, $0x38;
	[tilespmem:$0x19C00] =	vst v63  }
0x1e: {  	_ =	swait.ge [sflag:s10], $0x2800  }
0x1f: {  	[sflag:s10] =	ssyncset.done $0x0  }
0x20: {  	[sflag:s10] =	ssyncadd.s32 $0xFFFFD800  }
0x21: {  	[spmem:s15], [sflag:s14] =	dma.local [hbm:s7], $0x1480  }
0x22: {  	_ =	swait.ge [sflag:s10], $0x1480  }
0x23: {  	[sflag:s10] =	ssyncset.done $0x0  }
0x24: {  	[sflag:s10] =	ssyncadd.s32 $0xFFFFEB80  }
0x25: {  	[bflag:$0x0] =	sbarrier.arrive $0xFFFF  }
0x26: {  	[tilespmem:s17], [sflag:$0x1] =	stream.indirect.gather [hbm4b:s4+s16], $0x80, s3, s16, $0xb8;
	[tilespmem:$0x19C00] =	vst v63  }
0x27: {  	s13 =	simm.s32 $0x80  }
0x28: {  	[tilespmem:s18], [sflag:$0x2] =	stream.indirect.gather [hbm4b:s4+s16], $0x80, s13, s16, $0xb8;
	[tilespmem:$0x19C00] =	vst v63  }
0x29: {  	_ =	swait.ge [sflag:s19], $0x4000  }
0x2a: {  	[sflag:s19] =	ssyncset.done $0x0  }
0x2b: {  	s1 =	simm.s32 $0x2800;
	[sflag:s19] =	ssyncadd.s32 $0xFFFFC000  }
0x2c: {  	[spmem:s2] =	stream.indirect.scatter.add.f32 [tilespmem:s17], [sflag:$0x3], $0x80, s1, s16, $0xb8;
	[tilespmem:$0x19C00] =	vst v63  }
0x2d: {  	_ =	swait.ge [sflag:s10], $0x4000  }
0x2e: {  	[sflag:s10] =	ssyncset.done $0x0  }
0x2f: {  	s11 =	simm.s32 $0x100;
	[sflag:s10] =	ssyncadd.s32 $0xFFFFC000  }
0x30: {  	[tilespmem:s17], [sflag:$0x1] =	stream.indirect.gather [hbm4b:s4+s16], $0x80, s11, s16, $0xb8;
	[tilespmem:$0x19C00] =	vst v63  }
0x31: {  	_ =	swait.ge [sflag:s20], $0x4000  }
0x32: {  	[sflag:s20] =	ssyncset.done $0x0  }
0x33: {  	s13 =	simm.s32 $0x2880;
	[sflag:s20] =	ssyncadd.s32 $0xFFFFC000  }
0x34: {  	[spmem:s2] =	stream.indirect.scatter.add.f32 [tilespmem:s18], [sflag:$0x3], $0x80, s13, s16, $0xb8;
	[tilespmem:$0x19C00] =	vst v63  }
0x35: {  	_ =	swait.ge [sflag:s10], $0x4000  }
0x36: {  	s31 =	simm.s32 $0x800;
	s30 =	simm.s32 $0x100;
	[sflag:s10] =	ssyncset.done $0x0  }
.LBB2_2:
0x37: {  	s0 =	sadd.s32 $0x80, s30  }
0x38: {  	[sflag:s10] =	ssyncadd.s32 $0xFFFFC000;
	s1 =	smov.u32 s31;
	s11 =	sadd.s32 $0x400, s31  }
0x39: {  	[tilespmem:s18], [sflag:$0x2] =	stream.indirect.gather [hbm4b:s4+s16], $0x80, s0, s16, $0xb8;
	[tilespmem:$0x19C00] =	vst v63  }
0x3a: {  	p0 =	sne.s32 s31, $0x9800;
	_ =	swait.ge [sflag:s19], $0x4000  }
0x3b: {  	[sflag:s19] =	ssyncset.done $0x0  }
0x3c: {  	s0 =	sadd.s32 $0x2800, s30;
	[sflag:s19] =	ssyncadd.s32 $0xFFFFC000  }
0x3d: {  	[spmem:s2] =	stream.indirect.scatter.add.f32 [tilespmem:s17], [sflag:$0x3], $0x80, s0, s16, $0xb8;
	[tilespmem:$0x19C00] =	vst v63  }
0x3e: {  	_ =	swait.ge [sflag:s10], $0x4000  }
0x3f: {  	[sflag:s10] =	ssyncset.done $0x0  }
0x40: {  	s0 =	sadd.s32 $0x100, s30;
	[sflag:s10] =	ssyncadd.s32 $0xFFFFC000  }
0x41: {  	[tilespmem:s17], [sflag:$0x1] =	stream.indirect.gather [hbm4b:s4+s16], $0x80, s0, s16, $0xb8;
	[tilespmem:$0x19C00] =	vst v63  }
0x42: {  	_ =	swait.ge [sflag:s20], $0x4000  }
.Ltmp0:
0x43: {  	[sflag:s20] =	ssyncset.done $0x0;
	(pc) =	sbr.rel @p0 .LBB2_2-.Ltmp0, $4  }
0x44: {  	s0 =	sadd.s32 $0x2880, s30;
	[sflag:s20] =	ssyncadd.s32 $0xFFFFC000  }
0x45: {  	[spmem:s2] =	stream.indirect.scatter.add.f32 [tilespmem:s18], [sflag:$0x3], $0x80, s0, s16, $0xb8;
	[tilespmem:$0x19C00] =	vst v63  }
0x46: {  	_ =	swait.ge [sflag:s10], $0x4000  }
0x47: {  	s31 =	smov.u32 s11;
	s30 =	sshra.s32 s1, $0x2;
	[sflag:s10] =	ssyncset.done $0x0  }
0x48: {  	s0 =	sadd.s32 $0x80, s30;
	[sflag:s10] =	ssyncadd.s32 $0xFFFFC000  }
0x49: {  	[tilespmem:s18], [sflag:$0x2] =	stream.indirect.gather [hbm4b:s4+s16], $0x80, s0, s16, $0xb8;
	[tilespmem:$0x19C00] =	vst v63  }
0x4a: {  	_ =	swait.ge [sflag:s19], $0x4000  }
0x4b: {  	[sflag:s19] =	ssyncset.done $0x0  }
0x4c: {  	s13 =	sadd.s32 $0x2800, s30;
	[sflag:s19] =	ssyncadd.s32 $0xFFFFC000  }
0x4d: {  	[spmem:s2] =	stream.indirect.scatter.add.f32 [tilespmem:s17], [sflag:$0x3], $0x80, s13, s16, $0xb8;
	[tilespmem:$0x19C00] =	vst v63  }
0x4e: {  	_ =	swait.ge [sflag:s10], $0x4000  }
0x4f: {  	[sflag:s10] =	ssyncset.done $0x0  }
0x50: {  	s1 =	sadd.s32 $0x100, s30;
	[sflag:s10] =	ssyncadd.s32 $0xFFFFC000  }
0x51: {  	[tilespmem:s17], [sflag:$0x1] =	stream.indirect.gather [hbm4b:s4+s16], $0x80, s1, s16, $0xb8;
	[tilespmem:$0x19C00] =	vst v63  }
0x52: {  	_ =	swait.ge [sflag:s20], $0x4000  }
0x53: {  	[sflag:s20] =	ssyncset.done $0x0  }
0x54: {  	s11 =	sadd.s32 $0x2880, s30;
	[sflag:s20] =	ssyncadd.s32 $0xFFFFC000  }
0x55: {  	[spmem:s2] =	stream.indirect.scatter.add.f32 [tilespmem:s18], [sflag:$0x3], $0x80, s11, s16, $0xb8;
	[tilespmem:$0x19C00] =	vst v63  }
0x56: {  	_ =	swait.ge [sflag:s10], $0x4000  }
0x57: {  	[sflag:s10] =	ssyncset.done $0x0  }
0x58: {  	[sflag:s10] =	ssyncadd.s32 $0xFFFFC000  }
0x59: {  	[tilespmem:s18], [sflag:$0x2] =	stream.indirect.gather [hbm4b:s4+s16], $0x80, s21, s16, $0xb8;
	[tilespmem:$0x19C00] =	vst v63  }
0x5a: {  	_ =	swait.ge [sflag:s19], $0x4000  }
0x5b: {  	[sflag:s19] =	ssyncset.done $0x0  }
0x5c: {  	[sflag:s19] =	ssyncadd.s32 $0xFFFFC000  }
0x5d: {  	[spmem:s2] =	stream.indirect.scatter.add.f32 [tilespmem:s17], [sflag:$0x3], $0x80, s22, s16, $0xb8;
	[tilespmem:$0x19C00] =	vst v63  }
0x5e: {  	_ =	swait.ge [sflag:s10], $0x4000  }
0x5f: {  	[sflag:s10] =	ssyncset.done $0x0  }
0x60: {  	[sflag:s10] =	ssyncadd.s32 $0xFFFFC000  }
0x61: {  	_ =	swait.ge [sflag:s20], $0x4000  }
0x62: {  	[sflag:s20] =	ssyncset.done $0x0  }
0x63: {  	[sflag:s20] =	ssyncadd.s32 $0xFFFFC000  }
0x64: {  	[spmem:s2] =	stream.indirect.scatter.add.f32 [tilespmem:s18], [sflag:$0x3], $0x80, s25, s16, $0xb8;
	[tilespmem:$0x19C00] =	vst v63  }
0x65: {  	_ =	swait.ge [sflag:s10], $0x4000  }
0x66: {  	[sflag:s10] =	ssyncset.done $0x0  }
0x67: {  	[sflag:s10] =	ssyncadd.s32 $0xFFFFC000  }
0x68: {  	s30 =	sshrl.u32 s8, $0x3;
	[bflag:$0x0] =	sbarrier.arrive $0xFFFF  }
0x69: {  	[hbm:s23], [sflag:s14] =	dma.local [spmem:s30], $0x1400  }
0x6a: {  	_ =	swait.ge [sflag:s10], $0x1400  }
0x6b: {  	[sflag:s10] =	ssyncset.done $0x0  }
0x6c: {  	[sflag:s10] =	ssyncadd.s32 $0xFFFFEC00  }
0x6d: {  	[bflag:$0x0] =	sbarrier.arrive $0xFFFF  }
0x6e: {  	[spmem:s15], [sflag:s14] =	dma.local [hbm:s7], $0x1480  }
0x6f: {  	_ =	swait.ge [sflag:s10], $0x1480  }
0x70: {  	[sflag:s10] =	ssyncset.done $0x0  }
0x71: {  	[sflag:s10] =	ssyncadd.s32 $0xFFFFEB80  }
0x72: {  	[bflag:$0x0] =	sbarrier.arrive $0xFFFF  }
0x73: {  	[tilespmem:s17], [sflag:$0x1] =	stream.indirect.gather [hbm4b:s4+s16], $0x80, s3, s16, $0xb8;
	[tilespmem:$0x19C00] =	vst v63  }
0x74: {  	s13 =	simm.s32 $0x80  }
0x75: {  	[tilespmem:s18], [sflag:$0x2] =	stream.indirect.gather [hbm4b:s4+s16], $0x80, s13, s16, $0xb8;
	[tilespmem:$0x19C00] =	vst v63  }
0x76: {  	_ =	swait.ge [sflag:s19], $0x4000  }
0x77: {  	[sflag:s19] =	ssyncset.done $0x0  }
0x78: {  	s1 =	simm.s32 $0x5000;
	[sflag:s19] =	ssyncadd.s32 $0xFFFFC000  }
0x79: {  	[spmem:s2] =	stream.indirect.scatter.add.f32 [tilespmem:s17], [sflag:$0x3], $0x80, s1, s16, $0xb8;
	[tilespmem:$0x19C00] =	vst v63  }
0x7a: {  	_ =	swait.ge [sflag:s10], $0x4000  }
0x7b: {  	[sflag:s10] =	ssyncset.done $0x0  }
0x7c: {  	s11 =	simm.s32 $0x100;
	[sflag:s10] =	ssyncadd.s32 $0xFFFFC000  }
0x7d: {  	[tilespmem:s17], [sflag:$0x1] =	stream.indirect.gather [hbm4b:s4+s16], $0x80, s11, s16, $0xb8;
	[tilespmem:$0x19C00] =	vst v63  }
0x7e: {  	_ =	swait.ge [sflag:s20], $0x4000  }
0x7f: {  	[sflag:s20] =	ssyncset.done $0x0  }
0x80: {  	s13 =	simm.s32 $0x5080;
	[sflag:s20] =	ssyncadd.s32 $0xFFFFC000  }
0x81: {  	[spmem:s2] =	stream.indirect.scatter.add.f32 [tilespmem:s18], [sflag:$0x3], $0x80, s13, s16, $0xb8;
	[tilespmem:$0x19C00] =	vst v63  }
0x82: {  	_ =	swait.ge [sflag:s10], $0x4000  }
0x83: {  	s31 =	simm.s32 $0xFFFFDA00;
	s0 =	simm.s32 $0xFFFF6C00;
	[sflag:s10] =	ssyncset.done $0x0  }
.LBB2_4:
0x84: {  	s1 =	sadd.s32 $0x2780, s31  }
0x85: {  	[sflag:s10] =	ssyncadd.s32 $0xFFFFC000;
	s11 =	smov.u32 s0;
	s13 =	sadd.s32 $0x400, s0  }
0x86: {  	[tilespmem:s18], [sflag:$0x2] =	stream.indirect.gather [hbm4b:s4+s16], $0x80, s1, s16, $0xb8;
	[tilespmem:$0x19C00] =	vst v63  }
0x87: {  	p0 =	sne.s32 s0, $0xFFFFFC00;
	_ =	swait.ge [sflag:s19], $0x4000  }
0x88: {  	[sflag:s19] =	ssyncset.done $0x0  }
0x89: {  	s0 =	sadd.s32 $0x7700, s31;
	[sflag:s19] =	ssyncadd.s32 $0xFFFFC000  }
0x8a: {  	[spmem:s2] =	stream.indirect.scatter.add.f32 [tilespmem:s17], [sflag:$0x3], $0x80, s0, s16, $0xb8;
	[tilespmem:$0x19C00] =	vst v63  }
0x8b: {  	_ =	swait.ge [sflag:s10], $0x4000  }
0x8c: {  	[sflag:s10] =	ssyncset.done $0x0  }
0x8d: {  	s0 =	sadd.s32 $0x2800, s31;
	[sflag:s10] =	ssyncadd.s32 $0xFFFFC000  }
0x8e: {  	[tilespmem:s17], [sflag:$0x1] =	stream.indirect.gather [hbm4b:s4+s16], $0x80, s0, s16, $0xb8;
	[tilespmem:$0x19C00] =	vst v63  }
0x8f: {  	_ =	swait.ge [sflag:s20], $0x4000  }
.Ltmp1:
0x90: {  	[sflag:s20] =	ssyncset.done $0x0;
	(pc) =	sbr.rel @p0 .LBB2_4-.Ltmp1, $4  }
0x91: {  	s0 =	sadd.s32 $0x7780, s31;
	[sflag:s20] =	ssyncadd.s32 $0xFFFFC000  }
0x92: {  	[spmem:s2] =	stream.indirect.scatter.add.f32 [tilespmem:s18], [sflag:$0x3], $0x80, s0, s16, $0xb8;
	[tilespmem:$0x19C00] =	vst v63  }
0x93: {  	_ =	swait.ge [sflag:s10], $0x4000  }
0x94: {  	s31 =	sshra.s32 s11, $0x2;
	s0 =	smov.u32 s13;
	[sflag:s10] =	ssyncset.done $0x0  }
0x95: {  	s0 =	sadd.s32 $0x2780, s31;
	[sflag:s10] =	ssyncadd.s32 $0xFFFFC000  }
0x96: {  	[tilespmem:s18], [sflag:$0x2] =	stream.indirect.gather [hbm4b:s4+s16], $0x80, s0, s16, $0xb8;
	[tilespmem:$0x19C00] =	vst v63  }
0x97: {  	_ =	swait.ge [sflag:s19], $0x4000  }
0x98: {  	[sflag:s19] =	ssyncset.done $0x0  }
0x99: {  	s11 =	sadd.s32 $0x7700, s31;
	[sflag:s19] =	ssyncadd.s32 $0xFFFFC000  }
0x9a: {  	[spmem:s2] =	stream.indirect.scatter.add.f32 [tilespmem:s17], [sflag:$0x3], $0x80, s11, s16, $0xb8;
	[tilespmem:$0x19C00] =	vst v63  }
0x9b: {  	_ =	swait.ge [sflag:s10], $0x4000  }
0x9c: {  	[sflag:s10] =	ssyncset.done $0x0  }
0x9d: {  	s13 =	sadd.s32 $0x2800, s31;
	[sflag:s10] =	ssyncadd.s32 $0xFFFFC000  }
0x9e: {  	[tilespmem:s17], [sflag:$0x1] =	stream.indirect.gather [hbm4b:s4+s16], $0x80, s13, s16, $0xb8;
	[tilespmem:$0x19C00] =	vst v63  }
0x9f: {  	_ =	swait.ge [sflag:s20], $0x4000  }
0xa0: {  	[sflag:s20] =	ssyncset.done $0x0  }
0xa1: {  	s31 =	sadd.s32 $0x7780, s31;
	[sflag:s20] =	ssyncadd.s32 $0xFFFFC000  }
0xa2: {  	[spmem:s2] =	stream.indirect.scatter.add.f32 [tilespmem:s18], [sflag:$0x3], $0x80, s31, s16, $0xb8;
	[tilespmem:$0x19C00] =	vst v63  }
0xa3: {  	_ =	swait.ge [sflag:s10], $0x4000  }
0xa4: {  	[sflag:s10] =	ssyncset.done $0x0  }
0xa5: {  	[sflag:s10] =	ssyncadd.s32 $0xFFFFC000  }
0xa6: {  	[tilespmem:s18], [sflag:$0x2] =	stream.indirect.gather [hbm4b:s4+s16], $0x80, s21, s16, $0xb8;
	[tilespmem:$0x19C00] =	vst v63  }
0xa7: {  	_ =	swait.ge [sflag:s19], $0x4000  }
0xa8: {  	[sflag:s19] =	ssyncset.done $0x0  }
0xa9: {  	[sflag:s19] =	ssyncadd.s32 $0xFFFFC000  }
0xaa: {  	[spmem:s2] =	stream.indirect.scatter.add.f32 [tilespmem:s17], [sflag:$0x3], $0x80, s26, s16, $0xb8;
	[tilespmem:$0x19C00] =	vst v63  }
0xab: {  	_ =	swait.ge [sflag:s10], $0x4000  }
0xac: {  	[sflag:s10] =	ssyncset.done $0x0  }
0xad: {  	[sflag:s10] =	ssyncadd.s32 $0xFFFFC000  }
0xae: {  	_ =	swait.ge [sflag:s20], $0x4000  }
0xaf: {  	[sflag:s20] =	ssyncset.done $0x0  }
0xb0: {  	[sflag:s20] =	ssyncadd.s32 $0xFFFFC000  }
0xb1: {  	[spmem:s2] =	stream.indirect.scatter.add.f32 [tilespmem:s18], [sflag:$0x3], $0x80, s28, s16, $0xb8;
	[tilespmem:$0x19C00] =	vst v63  }
0xb2: {  	_ =	swait.ge [sflag:s10], $0x4000  }
0xb3: {  	s29 =	sadd.s32 $0x1, s29;
	[sflag:s10] =	ssyncset.done $0x0  }
0xb4: {  	p0 =	sne.s32 s29, s9;
	[sflag:s10] =	ssyncadd.s32 $0xFFFFC000  }
.Ltmp2:
0xb5: {  	[bflag:$0x0] =	sbarrier.arrive $0xFFFF;
	(pc) =	sbr.rel @p0 .LBB2_1-.Ltmp2, $4  }
0xb6: {  	[hbm:s24], [sflag:s14] =	dma.local [spmem:s30], $0x1400  }
0xb7: {  	_ =	swait.ge [sflag:s10], $0x1400  }
0xb8: {  	[sflag:s10] =	ssyncset.done $0x0  }
0xb9: {  	[sflag:s10] =	ssyncadd.s32 $0xFFFFEC00  }
0xba: {  	_ =	sfence.sel $0x180000  }
0xbb: {  	[bflag:$0x0] =	sbarrier.arrive $0xFFFF  }
0xbc: {  	_ =	strace $0x9000004A  }
0xbd: {  	s0 =	stileid.u32;
	[bflag:$0x2] =	sbarrier.arrive $0xFFFF  }
0xbe: {  	p0 =	sne.s32 s0, $0x0;
	s0 =	rddreg [dreg:$0x3]  }
0xbf: {  	s0 =	sadd.s32 @!p0 $0x100000, s0  }
0xc0: {  	[sflag:s0] =	ssyncadd.tile.s32 @!p0 $0x1;
	_ =	shalt  }
.Lfunc_end2:
_tile_overlayer_lowered:
.L_overlay_start_2:
0xc1: {  	(tag) =	ssettag $0x2  }
0xc2: {  	s0 =	rddreg [dreg:$0x0];
	s2 =	stileid.u32  }
0xc3: {  	s1 =	rddreg [dreg:$0x1];
	p0 =	sne.s32 s2, $0x0  }
0xc4: {  	s3 =	rddreg [dreg:$0x2];
	[bflag:$0x3] =	sbarrier.arrive $0xFFFF;
	s2 =	simm.s32 @!p0 $0x1C03  }
0xc5: {  	[timem:s3], [sflag:s2] =	dma.local @!p0 [hbm:s0], s1  }
0xc6: {  	s0 =	simm.s32 @!p0 $0x3  }
0xc7: {  	_ =	swait.ge @!p0 [sflag:s0], s1  }
0xc8: {  	s1 =	ssub.s32 @!p0 $0x0, s1;
	[sflag:s0] =	ssyncset.done @!p0 $0x0  }
0xc9: {  	[sflag:s0] =	ssyncadd.s32 @!p0 s1  }
0xca: {  	[bflag:$0x3] =	sbarrier.arrive $0xFFFF  }
0xcb: {  	_ =	shalt  }

// kernel: kernel.15.cloned.1.call-start
scs
__scs_entry_jumppad:
0x0: {  	(pc) =	sbr.rel $0x88, $3  }
0x1: {  	(tag) =	ssettag $0x0;
	lr =	simm.s32 $0x1  }
0x2: {  	[smem:$0x3F93] =	sst lr;
	_ =	strace $0xD0000000  }
0x3: {  	_ = 	snop  }
0x4: {  	_ = 	snop  }
0x5: {  	_ = 	snop  }
0x6: {  	_ = 	snop  }
0x7: {  	_ = 	snop  }
__scs_overlays_trampoline_lowered:
0x8: {  	[smem:$0x3FA2] =	sst s0  }
0x9: {  	[smem:$0x3FA3] =	sst s1  }
0xa: {  	[smem:$0x3FA4] =	sst s2  }
0xb: {  	[smem:$0x3FA5] =	sst s3  }
0xc: {  	[smem:$0x3FA6] =	sst s4  }
0xd: {  	[smem:$0x3FA7] =	sst s5  }
0xe: {  	[smem:$0x3FA8] =	sst s6  }
0xf: {  	[smem:$0x3FA9] =	sst s7  }
0x10: {  	[smem:$0x3FAA] =	sst s8  }
0x11: {  	[smem:$0x3FAB] =	sst s9;
	s0 =	simm.s32 @!p0 $0x0  }
0x12: {  	s1 =	sld [smem:$0x3F91];
	s0 =	simm.s32 @p0 $0x1  }
0x13: {  	[smem:$0x3FAC] =	sst s0;
	s0 =	simm.s32 @!p1 $0x0  }
0x14: {  	s2 =	sld [smem:$0x3F90];
	s0 =	simm.s32 @p1 $0x1  }
0x15: {  	[smem:$0x3FAD] =	sst s0;
	s0 =	simm.s32 @!p2 $0x0  }
0x16: {  	s3 =	sld [smem:$0x3FDB];
	s0 =	simm.s32 @p2 $0x1  }
0x17: {  	s4 =	simm.s32 $0x1BF5;
	[smem:$0x3FAF] =	sst s0  }
0x18: {  	s0 =	sld [smem:$0x3F92];
	_ =	swait.ge [sflag:s4], $0x0  }
0x19: {  	s7 =	sld [smem:$0x3F93]  }
0x1a: {  	s8 =	sadd.s32 $0xFFFFE003, lr  }
0x1b: {  	s9 =	sadd.s32 $0xFFFFFEF7, lr;
	s5 =	simm.s32 $0xFFFFFFFF;
	p2 =	slt.u32 s8, $0xFFFFF086  }
0x1c: {  	p1 =	slt.u32 s9, $0xF7A;
	s5 =	simm.s32 @!p2 $0x0  }
0x1d: {  	s5 =	simm.s32 @p1 $0x1;
	p0 =	seq.s32 s7, s2  }
0x1e: {  	s7 =	smul.u32 @!p0 $0xF7A, s2;
	p2 =	seq.s32 @!p0 s5, $0x0  }
0x1f: {  	s9 =	smul.u32 $0xF7A, s1;
	s8 =	simm.s32 @!p0 $0x1BF5;
	p2 =	por !p2, p0  }
0x20: {  	[sflag:s8] =	ssyncset.s32 @!p0 $0xFFFFF086;
	s6 =	sadd.s32 @!p0 s3, s7;
	s7 =	simm.s32 @!p0 $0x108  }
0x21: {  	s3 =	sadd.s32 s3, s9;
	s6 =	sadd.s32 @!p0 $0x88, s6;
	s7 =	simm.s32 @p2 $0x1082  }
0x22: {  	[simem:s7], [sflag:s8] =	dma.local @!p0 [hbm:s6], $0xF7A  }
0x23: {  	s9 =	sor.u32 $0xD0000000, s2;
	s6 =	simm.s32 $0x108;
	_ =	swait.ge @!p0 [sflag:s8], $0x0  }
0x24: {  	s3 =	sadd.s32 $0x88, s3;
	s6 =	simm.s32 @!p1 $0x1082;
	[sflag:s4] =	ssyncset.s32 $0xFFFFF086  }
0x25: {  	[simem:s6], [sflag:s4] =	dma.local [hbm:s3], $0xF7A  }
0x26: {  	[smem:$0x3F93] =	sst s1;
	(tag) =	ssettag s2;
	_ =	strace s9  }
0x27: {  	s1 =	sld [smem:$0x3FA3]  }
0x28: {  	s2 =	sld [smem:$0x3FA4]  }
0x29: {  	s4 =	sld [smem:$0x3FA6]  }
0x2a: {  	p0 =	seq.s32 s5, $0x0;
	s5 =	sld [smem:$0x3FA7]  }
0x2b: {  	s6 =	sld [smem:$0x3FA8]  }
0x2c: {  	s7 =	sld [smem:$0x3FA9]  }
0x2d: {  	s3 =	simm.s32 $0x108;
	s8 =	sld [smem:$0x3FAA]  }
0x2e: {  	s3 =	simm.s32 @!p0 $0x1082;
	s9 =	sld [smem:$0x3FAB]  }
0x2f: {  	lr =	sadd.s32 s0, s3;
	s0 =	sld [smem:$0x3FA2]  }
0x30: {  	s3 =	sld [smem:$0x3FA5]  }
0x31: {  	[smem:$0x3FAE] =	sst s10  }
0x32: {  	s10 =	sld [smem:$0x3FAC];
	_ =	sdelay $0x3  }
0x33: {  	p0 =	seq.s32 s10, $0x1;
	s10 =	sld [smem:$0x3FAE];
	_ =	sdelay $0x3  }
0x34: {  	[smem:$0x3FAE] =	sst s10  }
0x35: {  	s10 =	sld [smem:$0x3FAD];
	_ =	sdelay $0x3  }
0x36: {  	p1 =	seq.s32 s10, $0x1;
	s10 =	sld [smem:$0x3FAE];
	_ =	sdelay $0x3  }
0x37: {  	[smem:$0x3FAE] =	sst s10  }
0x38: {  	s10 =	sld [smem:$0x3FAF]  }
0x39: {  	_ = 	snop;
	(pc) =	sbr.ind lr, $3  }
0x3a: {  	_ = 	snop  }
0x3b: {  	_ = 	snop  }
0x3c: {  	p2 =	seq.s32 s10, $0x1;
	s10 =	sld [smem:$0x3FAE]  }
0x3d: {  	_ =	shalt  }
0x3e: {  	_ =	shalt  }
0x3f: {  	_ =	shalt  }
0x40: {  	_ =	shalt  }
0x41: {  	_ =	shalt  }
0x42: {  	_ =	shalt  }
0x43: {  	_ =	shalt  }
0x44: {  	_ =	shalt  }
0x45: {  	_ =	shalt  }
0x46: {  	_ =	shalt  }
0x47: {  	_ =	shalt  }
0x48: {  	_ =	shalt  }
0x49: {  	_ =	shalt  }
0x4a: {  	_ =	shalt  }
0x4b: {  	_ =	shalt  }
0x4c: {  	_ =	shalt  }
0x4d: {  	_ =	shalt  }
0x4e: {  	_ =	shalt  }
0x4f: {  	_ =	shalt  }
0x50: {  	_ =	shalt  }
0x51: {  	_ =	shalt  }
0x52: {  	_ =	shalt  }
0x53: {  	_ =	shalt  }
0x54: {  	_ =	shalt  }
0x55: {  	_ =	shalt  }
0x56: {  	_ =	shalt  }
0x57: {  	_ =	shalt  }
0x58: {  	_ =	shalt  }
0x59: {  	_ =	shalt  }
0x5a: {  	_ =	shalt  }
0x5b: {  	_ =	shalt  }
0x5c: {  	_ =	shalt  }
0x5d: {  	_ =	shalt  }
0x5e: {  	_ =	shalt  }
0x5f: {  	_ =	shalt  }
0x60: {  	_ =	shalt  }
0x61: {  	_ =	shalt  }
0x62: {  	_ =	shalt  }
0x63: {  	_ =	shalt  }
0x64: {  	_ =	shalt  }
0x65: {  	_ =	shalt  }
0x66: {  	_ =	shalt  }
0x67: {  	_ =	shalt  }
0x68: {  	_ =	shalt  }
0x69: {  	_ =	shalt  }
0x6a: {  	_ =	shalt  }
0x6b: {  	_ =	shalt  }
0x6c: {  	_ =	shalt  }
0x6d: {  	_ =	shalt  }
0x6e: {  	_ =	shalt  }
0x6f: {  	_ =	shalt  }
0x70: {  	_ =	shalt  }
0x71: {  	_ =	shalt  }
0x72: {  	_ =	shalt  }
0x73: {  	_ =	shalt  }
0x74: {  	_ =	shalt  }
0x75: {  	_ =	shalt  }
0x76: {  	_ =	shalt  }
0x77: {  	_ =	shalt  }
0x78: {  	_ =	shalt  }
0x79: {  	_ =	shalt  }
0x7a: {  	_ =	shalt  }
0x7b: {  	_ =	shalt  }
0x7c: {  	_ =	shalt  }
0x7d: {  	_ =	shalt  }
0x7e: {  	_ =	shalt  }
0x7f: {  	_ =	shalt  }
0x80: {  	_ =	shalt  }
0x81: {  	_ =	shalt  }
0x82: {  	_ =	shalt  }
0x83: {  	_ =	shalt  }
0x84: {  	_ =	shalt  }
0x85: {  	_ =	shalt  }
0x86: {  	_ =	shalt  }
0x87: {  	_ =	shalt  }
.Lfunc_end0:
.L_simem_size_0:
called_computation.2_lowered:
.L_overlay_start_0:
0x88: {  	s2 =	sld [smem:$0x3FD9]  }
0x89: {  	s3 =	sld [smem:$0x3FFE];
	_ =	sdelay $0x1  }
0x8a: {  	s1 =	srdreg.scid  }
0x8b: {  	s0 =	sand.u32 $0x1, s1  }
0x8c: {  	s17 =	sshll.u32 s0, $0xA;
	s2 =	sadd.s32 s3, s2  }
0x8d: {  	s2 =	sadd.s32 s2, s17  }
0x8e: {  	[smem:$0x3FBA] =	sst s2  }
0x8f: {  	_ = 	snop  }
0x90: {  	s2 =	sld [smem:$0x3FD0];
	(tm) =	ssettm $0x1  }
0x91: {  	s18 =	sld [smem:$0x3FFB];
	_ =	sdelay $0x3  }
0x92: {  	_ =	strace s18  }
0x93: {  	s3 =	sld [smem:$0x3FFC];
	_ =	sdelay $0x3  }
0x94: {  	_ =	strace s3  }
0x95: {  	s3 =	sld [smem:$0x3FFD];
	_ =	sdelay $0x3  }
0x96: {  	_ =	strace s3  }
0x97: {  	_ =	strace $0x8FFFFFFF  }
0x98: {  	s19 =	sld [smem:$0x3FDB];
	_ =	sdelay $0x1  }
0x99: {  	s4 =	simm.s32 $_scs_section_size  }
0x9a: {  	s5 =	simm.s32 $_size__tile_overlayer_lowered;
	s6 =	simm.s32 $_tile_overlayer_lowered  }
0x9b: {  	s22 =	simm.s32 $0x1BFF;
	s21 =	sshll.u32 s6, $0x1;
	s3 =	sadd.s32 s4, s19  }
0x9c: {  	s7 =	simm.s32 $0x0;
	s20 =	sshll.u32 s5, $0x1;
	s5 =	sadd.s32 s21, s3  }
0x9d: {  	[timem:s7], [sflag:s22] =	dma.local [hbm:s5], s20  }
0x9e: {  	_ =	swait.ge [sflag:s22], s20  }
0x9f: {  	s4 =	ssub.s32 $0x0, s20;
	[sflag:s22] =	ssyncset.done $0x0  }
0xa0: {  	[sflag:s22] =	ssyncadd.s32 s4;
	_ =	sdelay $0x1  }
0xa1: {  	s23 =	simm.s32 $0x1B8B  }
0xa2: {  	_ =	swait.ge [sflag:s23], $0x1  }
0xa3: {  	[sflag:s23] =	ssyncset.done $0x0  }
0xa4: {  	s25 =	simm.s32 $0x1B8E;
	s24 =	sld [smem:$0x3FFE];
	[sflag:s23] =	ssyncadd.s32 $0xFFFFFFFF  }
0xa5: {  	s26 =	simm.s32 $execute0_lowered;
	[smem:$0x3FD2] =	sst s25  }
0xa6: {  	s5 =	sshll.u32 s26, $0x1;
	_ =	strace $0x8000004C;
	[dreg:$0x1] =	wrdreg $0xFFFFFFFF  }
0xa7: {  	s28 =	simm.s32 $_size_execute0_lowered;
	s3 =	sadd.s32 s3, s5;
	[dreg:$0x0] =	wrdreg $0x0  }
0xa8: {  	s5 =	sshll.u32 s28, $0x1;
	[dreg:$0x2] =	wrdreg s3  }
0xa9: {  	[dreg:$0x3] =	wrdreg s5  }
0xaa: {  	[dreg:$0x4] =	wrdreg $0xC0  }
0xab: {  	_ =	task [dreg:s7], $0x5FFFF  }
0xac: {  	[dreg:$0x1] =	wrdreg $0xFFFFFFFF  }
0xad: {  	[dreg:$0x0] =	wrdreg $0x60  }
0xae: {  	[dreg:$0x2] =	wrdreg s24  }
0xaf: {  	[dreg:$0x3] =	wrdreg s2  }
0xb0: {  	[dreg:$0x4] =	wrdreg $0xF8000  }
0xb1: {  	[dreg:$0x5] =	wrdreg $0x9  }
0xb2: {  	_ =	task.clear_ibuf [dreg:s7], $0x6FFFF;
	_ =	strace $0x9000004C  }
0xb3: {  	s29 =	simm.s32 $0x9;
	_ =	strace $0x8000004E  }
0xb4: {  	_ =	swait.ge [sflag:s29], $0x1  }
0xb5: {  	[sflag:s29] =	ssyncadd.s32 $0xFFFFFFFF  }
0xb6: {  	_ =	strace $0x9000004E  }
0xb7: {  	_ =	sfence  }
0xb8: {  	s30 =	sld [smem:$0x0];
	_ =	sdelay $0x2  }
0xb9: {  	s31 =	sshll.u32 s1, $0xD;
	s1 =	sshrl.u32 s1, $0x2  }
0xba: {  	s3 =	sand.u32 $0x4000, s31;
	s1 =	sadd.s32 s1, s30  }
0xbb: {  	s0 =	sor.u32 s3, s0;
	s1 =	sshll.u32 s1, $0x11  }
0xbc: {  	s0 =	sor.u32 s1, s0  }
0xbd: {  	s0 =	sadd.s32 $0x8F2B, s0  }
0xbe: {  	[sflag:s0] =	ssyncadd.remote.s32 $0x1  }
0xbf: {  	_ =	sfence.sel $0xFFFF  }
0xc0: {  	[dreg:$0x0] =	wrdreg $0xFFFFFFFF;
	(pc) =	sbr.abs _section_cstart, $3  }
0xc1: {  	[dreg:$0x1] =	wrdreg $0xFFFFFFFF  }
0xc2: {  	_ =	task.clear_ibuf [dreg:s7], $0x2FFFF;
	_ =	strace $0x9FFFFFFF  }
0xc3: {  	(tm) =	ssettm $0x7FFFFFFF  }
tec
execute0_lowered:
.L_overlay_start_1:
0x0: {  	(tag) =	ssettag $0x1  }
0x1: {  	s0 =	rddreg [dreg:$0x0]  }
0x2: {  	s1 =	srdreg.scid;
	s7 =	rddreg [dreg:$0x1]  }
0x3: {  	s2 =	rddreg [dreg:$0x2];
	s22 =	stileid.u32  }
0x4: {  	s3 =	simm.s32 $0x0;
	s16 =	simm.s32 $0x80;
	s12 =	smul.u32 $0x500, s22  }
0x5: {  	s17 =	simm.s32 $0x7800;
	s18 =	simm.s32 $0xB800;
	s10 =	smul.u32 $0x29000, s22  }
0x6: {  	s19 =	simm.s32 $0x1;
	s20 =	simm.s32 $0x2;
	s13 =	smul.u32 $0x1480, s22  }
0x7: {  	s21 =	simm.s32 $0x2780;
	s28 =	simm.s32 $0x7780;
	s14 =	smul.u32 $0x28000, s22  }
0x8: {  	s29 =	simm.s32 $0x0;
	s5 =	sand.u32 $0x1, s1;
	s25 =	smul.u32 $0xA000, s22  }
0x9: {  	[smem:$0x7FF] =	sst s3;
	s23 =	smul.u32 $0x1400, s22;
	s31 =	sshll.u32 s22, $0x6  }
0xa: {  	s4 =	sshll.u32 s5, $0x4;
	_ =	strace $0x8000004D;
	s8 =	smul.u32 $0x28000, s5  }
0xb: {  	s5 =	ssub.s32 $0x2, s5;
	s4 =	sor.u32 s22, s4;
	s9 =	sadd.s32 s12, s0  }
0xc: {  	s11 =	sshrl.u32 s5, $0x1;
	s24 =	sshrl.u32 s10, $0x2;
	s7 =	sadd.s32 s7, s13  }
0xd: {  	s26 =	sshrl.u32 s14, $0x2;
	s30 =	sshrl.u32 s25, $0x3;
	s10 =	simm.s32 $0x3  }
0xe: {  	s14 =	sor.u32 $0x1C03, s31;
	s22 =	simm.s32 $0x4F00;
	s6 =	smul.u32 $0x500, s4  }
0xf: {  	s4 =	sadd.s32 $0x12A00, s0;
	s8 =	sadd.s32 s8, s0;
	s11 =	ssub.s32 s5, s11  }
0x10: {  	s15 =	sadd.s32 s24, s2;
	s25 =	sadd.s32 $0x14000, s30;
	s24 =	sadd.s32 $0x95200, s8  }
0x11: {  	s8 =	sadd.s32 s26, s2;
	s15 =	sshrl.u32 s15, $0x3;
	s26 =	simm.s32 $0x7700  }
0x12: {  	s6 =	sadd.s32 s6, s0;
	s0 =	sadd.s32 $0xDA00, s0;
	s23 =	sadd.s32 s23, s24  }
0x13: {  	s24 =	sadd.s32 s25, s24;
	s25 =	simm.s32 $0x4F80;
	s5 =	sadd.s32 $0x8B200, s6  }
0x14: {  	s6 =	sadd.s32 $0x8A00, s9;
	s9 =	smax.u32 s11, $0x1;
	s12 =	sadd.s32 s12, s0  }
.LBB2_1:
0x15: {  	[tilespmem:s3], [sflag:$0x3] =	stream.linear.gather [hbm4b:s5+s3], $0x2800, $0x38;
	[tilespmem:$0x19C00] =	vst v63  }
0x16: {  	_ =	swait.ge [sflag:s10], $0x2800  }
0x17: {  	[sflag:s10] =	ssyncset.done $0x0  }
0x18: {  	s0 =	simm.s32 $0x2800;
	[sflag:s10] =	ssyncadd.s32 $0xFFFFD800  }
0x19: {  	[tilespmem:s0], [sflag:$0x3] =	stream.linear.gather [hbm4b:s6+s3], $0x2800, $0x38;
	[tilespmem:$0x19C00] =	vst v63  }
0x1a: {  	_ =	swait.ge [sflag:s10], $0x2800  }
0x1b: {  	[sflag:s10] =	ssyncset.done $0x0  }
0x1c: {  	s11 =	simm.s32 $0x5000;
	[sflag:s10] =	ssyncadd.s32 $0xFFFFD800  }
0x1d: {  	[tilespmem:s11], [sflag:$0x3] =	stream.linear.gather [hbm4b:s12+s3], $0x2800, $0x38;
	[tilespmem:$0x19C00] =	vst v63  }
0x1e: {  	_ =	swait.ge [sflag:s10], $0x2800  }
0x1f: {  	[sflag:s10] =	ssyncset.done $0x0  }
0x20: {  	[sflag:s10] =	ssyncadd.s32 $0xFFFFD800  }
0x21: {  	[spmem:s15], [sflag:s14] =	dma.local [hbm:s7], $0x1480  }
0x22: {  	_ =	swait.ge [sflag:s10], $0x1480  }
0x23: {  	[sflag:s10] =	ssyncset.done $0x0  }
0x24: {  	[sflag:s10] =	ssyncadd.s32 $0xFFFFEB80  }
0x25: {  	[bflag:$0x0] =	sbarrier.arrive $0xFFFF  }
0x26: {  	[tilespmem:s17], [sflag:$0x1] =	stream.indirect.gather [hbm4b:s4+s16], $0x80, s3, s16, $0xb8;
	[tilespmem:$0x19C00] =	vst v63  }
0x27: {  	s13 =	simm.s32 $0x80  }
0x28: {  	[tilespmem:s18], [sflag:$0x2] =	stream.indirect.gather [hbm4b:s4+s16], $0x80, s13, s16, $0xb8;
	[tilespmem:$0x19C00] =	vst v63  }
0x29: {  	_ =	swait.ge [sflag:s19], $0x4000  }
0x2a: {  	[sflag:s19] =	ssyncset.done $0x0  }
0x2b: {  	s1 =	simm.s32 $0x2800;
	[sflag:s19] =	ssyncadd.s32 $0xFFFFC000  }
0x2c: {  	[spmem:s2] =	stream.indirect.scatter.add.f32 [tilespmem:s17], [sflag:$0x3], $0x80, s1, s16, $0xb8;
	[tilespmem:$0x19C00] =	vst v63  }
0x2d: {  	_ =	swait.ge [sflag:s10], $0x4000  }
0x2e: {  	[sflag:s10] =	ssyncset.done $0x0  }
0x2f: {  	s11 =	simm.s32 $0x100;
	[sflag:s10] =	ssyncadd.s32 $0xFFFFC000  }
0x30: {  	[tilespmem:s17], [sflag:$0x1] =	stream.indirect.gather [hbm4b:s4+s16], $0x80, s11, s16, $0xb8;
	[tilespmem:$0x19C00] =	vst v63  }
0x31: {  	_ =	swait.ge [sflag:s20], $0x4000  }
0x32: {  	[sflag:s20] =	ssyncset.done $0x0  }
0x33: {  	s13 =	simm.s32 $0x2880;
	[sflag:s20] =	ssyncadd.s32 $0xFFFFC000  }
0x34: {  	[spmem:s2] =	stream.indirect.scatter.add.f32 [tilespmem:s18], [sflag:$0x3], $0x80, s13, s16, $0xb8;
	[tilespmem:$0x19C00] =	vst v63  }
0x35: {  	_ =	swait.ge [sflag:s10], $0x4000  }
0x36: {  	s31 =	simm.s32 $0x800;
	s30 =	simm.s32 $0x100;
	[sflag:s10] =	ssyncset.done $0x0  }
.LBB2_2:
0x37: {  	s0 =	sadd.s32 $0x80, s30  }
0x38: {  	[sflag:s10] =	ssyncadd.s32 $0xFFFFC000;
	s1 =	smov.u32 s31;
	s11 =	sadd.s32 $0x400, s31  }
0x39: {  	[tilespmem:s18], [sflag:$0x2] =	stream.indirect.gather [hbm4b:s4+s16], $0x80, s0, s16, $0xb8;
	[tilespmem:$0x19C00] =	vst v63  }
0x3a: {  	p0 =	sne.s32 s31, $0x9800;
	_ =	swait.ge [sflag:s19], $0x4000  }
0x3b: {  	[sflag:s19] =	ssyncset.done $0x0  }
0x3c: {  	s0 =	sadd.s32 $0x2800, s30;
	[sflag:s19] =	ssyncadd.s32 $0xFFFFC000  }
0x3d: {  	[spmem:s2] =	stream.indirect.scatter.add.f32 [tilespmem:s17], [sflag:$0x3], $0x80, s0, s16, $0xb8;
	[tilespmem:$0x19C00] =	vst v63  }
0x3e: {  	_ =	swait.ge [sflag:s10], $0x4000  }
0x3f: {  	[sflag:s10] =	ssyncset.done $0x0  }
0x40: {  	s0 =	sadd.s32 $0x100, s30;
	[sflag:s10] =	ssyncadd.s32 $0xFFFFC000  }
0x41: {  	[tilespmem:s17], [sflag:$0x1] =	stream.indirect.gather [hbm4b:s4+s16], $0x80, s0, s16, $0xb8;
	[tilespmem:$0x19C00] =	vst v63  }
0x42: {  	_ =	swait.ge [sflag:s20], $0x4000  }
.Ltmp0:
0x43: {  	[sflag:s20] =	ssyncset.done $0x0;
	(pc) =	sbr.rel @p0 .LBB2_2-.Ltmp0, $4  }
0x44: {  	s0 =	sadd.s32 $0x2880, s30;
	[sflag:s20] =	ssyncadd.s32 $0xFFFFC000  }
0x45: {  	[spmem:s2] =	stream.indirect.scatter.add.f32 [tilespmem:s18], [sflag:$0x3], $0x80, s0, s16, $0xb8;
	[tilespmem:$0x19C00] =	vst v63  }
0x46: {  	_ =	swait.ge [sflag:s10], $0x4000  }
0x47: {  	s31 =	smov.u32 s11;
	s30 =	sshra.s32 s1, $0x2;
	[sflag:s10] =	ssyncset.done $0x0  }
0x48: {  	s0 =	sadd.s32 $0x80, s30;
	[sflag:s10] =	ssyncadd.s32 $0xFFFFC000  }
0x49: {  	[tilespmem:s18], [sflag:$0x2] =	stream.indirect.gather [hbm4b:s4+s16], $0x80, s0, s16, $0xb8;
	[tilespmem:$0x19C00] =	vst v63  }
0x4a: {  	_ =	swait.ge [sflag:s19], $0x4000  }
0x4b: {  	[sflag:s19] =	ssyncset.done $0x0  }
0x4c: {  	s13 =	sadd.s32 $0x2800, s30;
	[sflag:s19] =	ssyncadd.s32 $0xFFFFC000  }
0x4d: {  	[spmem:s2] =	stream.indirect.scatter.add.f32 [tilespmem:s17], [sflag:$0x3], $0x80, s13, s16, $0xb8;
	[tilespmem:$0x19C00] =	vst v63  }
0x4e: {  	_ =	swait.ge [sflag:s10], $0x4000  }
0x4f: {  	[sflag:s10] =	ssyncset.done $0x0  }
0x50: {  	s1 =	sadd.s32 $0x100, s30;
	[sflag:s10] =	ssyncadd.s32 $0xFFFFC000  }
0x51: {  	[tilespmem:s17], [sflag:$0x1] =	stream.indirect.gather [hbm4b:s4+s16], $0x80, s1, s16, $0xb8;
	[tilespmem:$0x19C00] =	vst v63  }
0x52: {  	_ =	swait.ge [sflag:s20], $0x4000  }
0x53: {  	[sflag:s20] =	ssyncset.done $0x0  }
0x54: {  	s11 =	sadd.s32 $0x2880, s30;
	[sflag:s20] =	ssyncadd.s32 $0xFFFFC000  }
0x55: {  	[spmem:s2] =	stream.indirect.scatter.add.f32 [tilespmem:s18], [sflag:$0x3], $0x80, s11, s16, $0xb8;
	[tilespmem:$0x19C00] =	vst v63  }
0x56: {  	_ =	swait.ge [sflag:s10], $0x4000  }
0x57: {  	[sflag:s10] =	ssyncset.done $0x0  }
0x58: {  	[sflag:s10] =	ssyncadd.s32 $0xFFFFC000  }
0x59: {  	[tilespmem:s18], [sflag:$0x2] =	stream.indirect.gather [hbm4b:s4+s16], $0x80, s21, s16, $0xb8;
	[tilespmem:$0x19C00] =	vst v63  }
0x5a: {  	_ =	swait.ge [sflag:s19], $0x4000  }
0x5b: {  	[sflag:s19] =	ssyncset.done $0x0  }
0x5c: {  	[sflag:s19] =	ssyncadd.s32 $0xFFFFC000  }
0x5d: {  	[spmem:s2] =	stream.indirect.scatter.add.f32 [tilespmem:s17], [sflag:$0x3], $0x80, s22, s16, $0xb8;
	[tilespmem:$0x19C00] =	vst v63  }
0x5e: {  	_ =	swait.ge [sflag:s10], $0x4000  }
0x5f: {  	[sflag:s10] =	ssyncset.done $0x0  }
0x60: {  	[sflag:s10] =	ssyncadd.s32 $0xFFFFC000  }
0x61: {  	_ =	swait.ge [sflag:s20], $0x4000  }
0x62: {  	[sflag:s20] =	ssyncset.done $0x0  }
0x63: {  	[sflag:s20] =	ssyncadd.s32 $0xFFFFC000  }
0x64: {  	[spmem:s2] =	stream.indirect.scatter.add.f32 [tilespmem:s18], [sflag:$0x3], $0x80, s25, s16, $0xb8;
	[tilespmem:$0x19C00] =	vst v63  }
0x65: {  	_ =	swait.ge [sflag:s10], $0x4000  }
0x66: {  	[sflag:s10] =	ssyncset.done $0x0  }
0x67: {  	[sflag:s10] =	ssyncadd.s32 $0xFFFFC000  }
0x68: {  	s30 =	sshrl.u32 s8, $0x3;
	[bflag:$0x0] =	sbarrier.arrive $0xFFFF  }
0x69: {  	[hbm:s23], [sflag:s14] =	dma.local [spmem:s30], $0x1400  }
0x6a: {  	_ =	swait.ge [sflag:s10], $0x1400  }
0x6b: {  	[sflag:s10] =	ssyncset.done $0x0  }
0x6c: {  	[sflag:s10] =	ssyncadd.s32 $0xFFFFEC00  }
0x6d: {  	[bflag:$0x0] =	sbarrier.arrive $0xFFFF  }
0x6e: {  	[spmem:s15], [sflag:s14] =	dma.local [hbm:s7], $0x1480  }
0x6f: {  	_ =	swait.ge [sflag:s10], $0x1480  }
0x70: {  	[sflag:s10] =	ssyncset.done $0x0  }
0x71: {  	[sflag:s10] =	ssyncadd.s32 $0xFFFFEB80  }
0x72: {  	[bflag:$0x0] =	sbarrier.arrive $0xFFFF  }
0x73: {  	[tilespmem:s17], [sflag:$0x1] =	stream.indirect.gather [hbm4b:s4+s16], $0x80, s3, s16, $0xb8;
	[tilespmem:$0x19C00] =	vst v63  }
0x74: {  	s13 =	simm.s32 $0x80  }
0x75: {  	[tilespmem:s18], [sflag:$0x2] =	stream.indirect.gather [hbm4b:s4+s16], $0x80, s13, s16, $0xb8;
	[tilespmem:$0x19C00] =	vst v63  }
0x76: {  	_ =	swait.ge [sflag:s19], $0x4000  }
0x77: {  	[sflag:s19] =	ssyncset.done $0x0  }
0x78: {  	s1 =	simm.s32 $0x5000;
	[sflag:s19] =	ssyncadd.s32 $0xFFFFC000  }
0x79: {  	[spmem:s2] =	stream.indirect.scatter.add.f32 [tilespmem:s17], [sflag:$0x3], $0x80, s1, s16, $0xb8;
	[tilespmem:$0x19C00] =	vst v63  }
0x7a: {  	_ =	swait.ge [sflag:s10], $0x4000  }
0x7b: {  	[sflag:s10] =	ssyncset.done $0x0  }
0x7c: {  	s11 =	simm.s32 $0x100;
	[sflag:s10] =	ssyncadd.s32 $0xFFFFC000  }
0x7d: {  	[tilespmem:s17], [sflag:$0x1] =	stream.indirect.gather [hbm4b:s4+s16], $0x80, s11, s16, $0xb8;
	[tilespmem:$0x19C00] =	vst v63  }
0x7e: {  	_ =	swait.ge [sflag:s20], $0x4000  }
0x7f: {  	[sflag:s20] =	ssyncset.done $0x0  }
0x80: {  	s13 =	simm.s32 $0x5080;
	[sflag:s20] =	ssyncadd.s32 $0xFFFFC000  }
0x81: {  	[spmem:s2] =	stream.indirect.scatter.add.f32 [tilespmem:s18], [sflag:$0x3], $0x80, s13, s16, $0xb8;
	[tilespmem:$0x19C00] =	vst v63  }
0x82: {  	_ =	swait.ge [sflag:s10], $0x4000  }
0x83: {  	s31 =	simm.s32 $0xFFFFDA00;
	s0 =	simm.s32 $0xFFFF6C00;
	[sflag:s10] =	ssyncset.done $0x0  }
.LBB2_4:
0x84: {  	s1 =	sadd.s32 $0x2780, s31  }
0x85: {  	[sflag:s10] =	ssyncadd.s32 $0xFFFFC000;
	s11 =	smov.u32 s0;
	s13 =	sadd.s32 $0x400, s0  }
0x86: {  	[tilespmem:s18], [sflag:$0x2] =	stream.indirect.gather [hbm4b:s4+s16], $0x80, s1, s16, $0xb8;
	[tilespmem:$0x19C00] =	vst v63  }
0x87: {  	p0 =	sne.s32 s0, $0xFFFFFC00;
	_ =	swait.ge [sflag:s19], $0x4000  }
0x88: {  	[sflag:s19] =	ssyncset.done $0x0  }
0x89: {  	s0 =	sadd.s32 $0x7700, s31;
	[sflag:s19] =	ssyncadd.s32 $0xFFFFC000  }
0x8a: {  	[spmem:s2] =	stream.indirect.scatter.add.f32 [tilespmem:s17], [sflag:$0x3], $0x80, s0, s16, $0xb8;
	[tilespmem:$0x19C00] =	vst v63  }
0x8b: {  	_ =	swait.ge [sflag:s10], $0x4000  }
0x8c: {  	[sflag:s10] =	ssyncset.done $0x0  }
0x8d: {  	s0 =	sadd.s32 $0x2800, s31;
	[sflag:s10] =	ssyncadd.s32 $0xFFFFC000  }
0x8e: {  	[tilespmem:s17], [sflag:$0x1] =	stream.indirect.gather [hbm4b:s4+s16], $0x80, s0, s16, $0xb8;
	[tilespmem:$0x19C00] =	vst v63  }
0x8f: {  	_ =	swait.ge [sflag:s20], $0x4000  }
.Ltmp1:
0x90: {  	[sflag:s20] =	ssyncset.done $0x0;
	(pc) =	sbr.rel @p0 .LBB2_4-.Ltmp1, $4  }
0x91: {  	s0 =	sadd.s32 $0x7780, s31;
	[sflag:s20] =	ssyncadd.s32 $0xFFFFC000  }
0x92: {  	[spmem:s2] =	stream.indirect.scatter.add.f32 [tilespmem:s18], [sflag:$0x3], $0x80, s0, s16, $0xb8;
	[tilespmem:$0x19C00] =	vst v63  }
0x93: {  	_ =	swait.ge [sflag:s10], $0x4000  }
0x94: {  	s31 =	sshra.s32 s11, $0x2;
	s0 =	smov.u32 s13;
	[sflag:s10] =	ssyncset.done $0x0  }
0x95: {  	s0 =	sadd.s32 $0x2780, s31;
	[sflag:s10] =	ssyncadd.s32 $0xFFFFC000  }
0x96: {  	[tilespmem:s18], [sflag:$0x2] =	stream.indirect.gather [hbm4b:s4+s16], $0x80, s0, s16, $0xb8;
	[tilespmem:$0x19C00] =	vst v63  }
0x97: {  	_ =	swait.ge [sflag:s19], $0x4000  }
0x98: {  	[sflag:s19] =	ssyncset.done $0x0  }
0x99: {  	s11 =	sadd.s32 $0x7700, s31;
	[sflag:s19] =	ssyncadd.s32 $0xFFFFC000  }
0x9a: {  	[spmem:s2] =	stream.indirect.scatter.add.f32 [tilespmem:s17], [sflag:$0x3], $0x80, s11, s16, $0xb8;
	[tilespmem:$0x19C00] =	vst v63  }
0x9b: {  	_ =	swait.ge [sflag:s10], $0x4000  }
0x9c: {  	[sflag:s10] =	ssyncset.done $0x0  }
0x9d: {  	s13 =	sadd.s32 $0x2800, s31;
	[sflag:s10] =	ssyncadd.s32 $0xFFFFC000  }
0x9e: {  	[tilespmem:s17], [sflag:$0x1] =	stream.indirect.gather [hbm4b:s4+s16], $0x80, s13, s16, $0xb8;
	[tilespmem:$0x19C00] =	vst v63  }
0x9f: {  	_ =	swait.ge [sflag:s20], $0x4000  }
0xa0: {  	[sflag:s20] =	ssyncset.done $0x0  }
0xa1: {  	s31 =	sadd.s32 $0x7780, s31;
	[sflag:s20] =	ssyncadd.s32 $0xFFFFC000  }
0xa2: {  	[spmem:s2] =	stream.indirect.scatter.add.f32 [tilespmem:s18], [sflag:$0x3], $0x80, s31, s16, $0xb8;
	[tilespmem:$0x19C00] =	vst v63  }
0xa3: {  	_ =	swait.ge [sflag:s10], $0x4000  }
0xa4: {  	[sflag:s10] =	ssyncset.done $0x0  }
0xa5: {  	[sflag:s10] =	ssyncadd.s32 $0xFFFFC000  }
0xa6: {  	[tilespmem:s18], [sflag:$0x2] =	stream.indirect.gather [hbm4b:s4+s16], $0x80, s21, s16, $0xb8;
	[tilespmem:$0x19C00] =	vst v63  }
0xa7: {  	_ =	swait.ge [sflag:s19], $0x4000  }
0xa8: {  	[sflag:s19] =	ssyncset.done $0x0  }
0xa9: {  	[sflag:s19] =	ssyncadd.s32 $0xFFFFC000  }
0xaa: {  	[spmem:s2] =	stream.indirect.scatter.add.f32 [tilespmem:s17], [sflag:$0x3], $0x80, s26, s16, $0xb8;
	[tilespmem:$0x19C00] =	vst v63  }
0xab: {  	_ =	swait.ge [sflag:s10], $0x4000  }
0xac: {  	[sflag:s10] =	ssyncset.done $0x0  }
0xad: {  	[sflag:s10] =	ssyncadd.s32 $0xFFFFC000  }
0xae: {  	_ =	swait.ge [sflag:s20], $0x4000  }
0xaf: {  	[sflag:s20] =	ssyncset.done $0x0  }
0xb0: {  	[sflag:s20] =	ssyncadd.s32 $0xFFFFC000  }
0xb1: {  	[spmem:s2] =	stream.indirect.scatter.add.f32 [tilespmem:s18], [sflag:$0x3], $0x80, s28, s16, $0xb8;
	[tilespmem:$0x19C00] =	vst v63  }
0xb2: {  	_ =	swait.ge [sflag:s10], $0x4000  }
0xb3: {  	s29 =	sadd.s32 $0x1, s29;
	[sflag:s10] =	ssyncset.done $0x0  }
0xb4: {  	p0 =	sne.s32 s29, s9;
	[sflag:s10] =	ssyncadd.s32 $0xFFFFC000  }
.Ltmp2:
0xb5: {  	[bflag:$0x0] =	sbarrier.arrive $0xFFFF;
	(pc) =	sbr.rel @p0 .LBB2_1-.Ltmp2, $4  }
0xb6: {  	[hbm:s24], [sflag:s14] =	dma.local [spmem:s30], $0x1400  }
0xb7: {  	_ =	swait.ge [sflag:s10], $0x1400  }
0xb8: {  	[sflag:s10] =	ssyncset.done $0x0  }
0xb9: {  	[sflag:s10] =	ssyncadd.s32 $0xFFFFEC00  }
0xba: {  	_ =	sfence.sel $0x180000  }
0xbb: {  	[bflag:$0x0] =	sbarrier.arrive $0xFFFF  }
0xbc: {  	_ =	strace $0x9000004D  }
0xbd: {  	s0 =	stileid.u32;
	[bflag:$0x2] =	sbarrier.arrive $0xFFFF  }
0xbe: {  	p0 =	sne.s32 s0, $0x0;
	s0 =	rddreg [dreg:$0x3]  }
0xbf: {  	s0 =	sadd.s32 @!p0 $0x100000, s0  }
0xc0: {  	[sflag:s0] =	ssyncadd.tile.s32 @!p0 $0x1;
	_ =	shalt  }
.Lfunc_end2:
_tile_overlayer_lowered:
.L_overlay_start_2:
0xc1: {  	(tag) =	ssettag $0x2  }
0xc2: {  	s0 =	rddreg [dreg:$0x0];
	s2 =	stileid.u32  }
0xc3: {  	s1 =	rddreg [dreg:$0x1];
	p0 =	sne.s32 s2, $0x0  }
0xc4: {  	s3 =	rddreg [dreg:$0x2];
	[bflag:$0x3] =	sbarrier.arrive $0xFFFF;
	s2 =	simm.s32 @!p0 $0x1C03  }
0xc5: {  	[timem:s3], [sflag:s2] =	dma.local @!p0 [hbm:s0], s1  }
0xc6: {  	s0 =	simm.s32 @!p0 $0x3  }
0xc7: {  	_ =	swait.ge @!p0 [sflag:s0], s1  }
0xc8: {  	s1 =	ssub.s32 @!p0 $0x0, s1;
	[sflag:s0] =	ssyncset.done @!p0 $0x0  }
0xc9: {  	[sflag:s0] =	ssyncadd.s32 @!p0 s1  }
0xca: {  	[bflag:$0x3] =	sbarrier.arrive $0xFFFF  }
0xcb: {  	_ =	shalt  }

// kernel: kernel.18.cloned.1.call-start
scs
__scs_entry_jumppad:
0x0: {  	(pc) =	sbr.rel $0x88, $3  }
0x1: {  	(tag) =	ssettag $0x0;
	lr =	simm.s32 $0x1  }
0x2: {  	[smem:$0x3F93] =	sst lr;
	_ =	strace $0xD0000000  }
0x3: {  	_ = 	snop  }
0x4: {  	_ = 	snop  }
0x5: {  	_ = 	snop  }
0x6: {  	_ = 	snop  }
0x7: {  	_ = 	snop  }
__scs_overlays_trampoline_lowered:
0x8: {  	[smem:$0x3FA2] =	sst s0  }
0x9: {  	[smem:$0x3FA3] =	sst s1  }
0xa: {  	[smem:$0x3FA4] =	sst s2  }
0xb: {  	[smem:$0x3FA5] =	sst s3  }
0xc: {  	[smem:$0x3FA6] =	sst s4  }
0xd: {  	[smem:$0x3FA7] =	sst s5  }
0xe: {  	[smem:$0x3FA8] =	sst s6  }
0xf: {  	[smem:$0x3FA9] =	sst s7  }
0x10: {  	[smem:$0x3FAA] =	sst s8  }
0x11: {  	[smem:$0x3FAB] =	sst s9;
	s0 =	simm.s32 @!p0 $0x0  }
0x12: {  	s1 =	sld [smem:$0x3F91];
	s0 =	simm.s32 @p0 $0x1  }
0x13: {  	[smem:$0x3FAC] =	sst s0;
	s0 =	simm.s32 @!p1 $0x0  }
0x14: {  	s2 =	sld [smem:$0x3F90];
	s0 =	simm.s32 @p1 $0x1  }
0x15: {  	[smem:$0x3FAD] =	sst s0;
	s0 =	simm.s32 @!p2 $0x0  }
0x16: {  	s3 =	sld [smem:$0x3FDB];
	s0 =	simm.s32 @p2 $0x1  }
0x17: {  	s4 =	simm.s32 $0x1BF5;
	[smem:$0x3FAF] =	sst s0  }
0x18: {  	s0 =	sld [smem:$0x3F92];
	_ =	swait.ge [sflag:s4], $0x0  }
0x19: {  	s7 =	sld [smem:$0x3F93]  }
0x1a: {  	s8 =	sadd.s32 $0xFFFFE003, lr  }
0x1b: {  	s9 =	sadd.s32 $0xFFFFFEF7, lr;
	s5 =	simm.s32 $0xFFFFFFFF;
	p2 =	slt.u32 s8, $0xFFFFF086  }
0x1c: {  	p1 =	slt.u32 s9, $0xF7A;
	s5 =	simm.s32 @!p2 $0x0  }
0x1d: {  	s5 =	simm.s32 @p1 $0x1;
	p0 =	seq.s32 s7, s2  }
0x1e: {  	s7 =	smul.u32 @!p0 $0xF7A, s2;
	p2 =	seq.s32 @!p0 s5, $0x0  }
0x1f: {  	s9 =	smul.u32 $0xF7A, s1;
	s8 =	simm.s32 @!p0 $0x1BF5;
	p2 =	por !p2, p0  }
0x20: {  	[sflag:s8] =	ssyncset.s32 @!p0 $0xFFFFF086;
	s6 =	sadd.s32 @!p0 s3, s7;
	s7 =	simm.s32 @!p0 $0x108  }
0x21: {  	s3 =	sadd.s32 s3, s9;
	s6 =	sadd.s32 @!p0 $0x88, s6;
	s7 =	simm.s32 @p2 $0x1082  }
0x22: {  	[simem:s7], [sflag:s8] =	dma.local @!p0 [hbm:s6], $0xF7A  }
0x23: {  	s9 =	sor.u32 $0xD0000000, s2;
	s6 =	simm.s32 $0x108;
	_ =	swait.ge @!p0 [sflag:s8], $0x0  }
0x24: {  	s3 =	sadd.s32 $0x88, s3;
	s6 =	simm.s32 @!p1 $0x1082;
	[sflag:s4] =	ssyncset.s32 $0xFFFFF086  }
0x25: {  	[simem:s6], [sflag:s4] =	dma.local [hbm:s3], $0xF7A  }
0x26: {  	[smem:$0x3F93] =	sst s1;
	(tag) =	ssettag s2;
	_ =	strace s9  }
0x27: {  	s1 =	sld [smem:$0x3FA3]  }
0x28: {  	s2 =	sld [smem:$0x3FA4]  }
0x29: {  	s4 =	sld [smem:$0x3FA6]  }
0x2a: {  	p0 =	seq.s32 s5, $0x0;
	s5 =	sld [smem:$0x3FA7]  }
0x2b: {  	s6 =	sld [smem:$0x3FA8]  }
0x2c: {  	s7 =	sld [smem:$0x3FA9]  }
0x2d: {  	s3 =	simm.s32 $0x108;
	s8 =	sld [smem:$0x3FAA]  }
0x2e: {  	s3 =	simm.s32 @!p0 $0x1082;
	s9 =	sld [smem:$0x3FAB]  }
0x2f: {  	lr =	sadd.s32 s0, s3;
	s0 =	sld [smem:$0x3FA2]  }
0x30: {  	s3 =	sld [smem:$0x3FA5]  }
0x31: {  	[smem:$0x3FAE] =	sst s10  }
0x32: {  	s10 =	sld [smem:$0x3FAC];
	_ =	sdelay $0x3  }
0x33: {  	p0 =	seq.s32 s10, $0x1;
	s10 =	sld [smem:$0x3FAE];
	_ =	sdelay $0x3  }
0x34: {  	[smem:$0x3FAE] =	sst s10  }
0x35: {  	s10 =	sld [smem:$0x3FAD];
	_ =	sdelay $0x3  }
0x36: {  	p1 =	seq.s32 s10, $0x1;
	s10 =	sld [smem:$0x3FAE];
	_ =	sdelay $0x3  }
0x37: {  	[smem:$0x3FAE] =	sst s10  }
0x38: {  	s10 =	sld [smem:$0x3FAF]  }
0x39: {  	_ = 	snop;
	(pc) =	sbr.ind lr, $3  }
0x3a: {  	_ = 	snop  }
0x3b: {  	_ = 	snop  }
0x3c: {  	p2 =	seq.s32 s10, $0x1;
	s10 =	sld [smem:$0x3FAE]  }
0x3d: {  	_ =	shalt  }
0x3e: {  	_ =	shalt  }
0x3f: {  	_ =	shalt  }
0x40: {  	_ =	shalt  }
0x41: {  	_ =	shalt  }
0x42: {  	_ =	shalt  }
0x43: {  	_ =	shalt  }
0x44: {  	_ =	shalt  }
0x45: {  	_ =	shalt  }
0x46: {  	_ =	shalt  }
0x47: {  	_ =	shalt  }
0x48: {  	_ =	shalt  }
0x49: {  	_ =	shalt  }
0x4a: {  	_ =	shalt  }
0x4b: {  	_ =	shalt  }
0x4c: {  	_ =	shalt  }
0x4d: {  	_ =	shalt  }
0x4e: {  	_ =	shalt  }
0x4f: {  	_ =	shalt  }
0x50: {  	_ =	shalt  }
0x51: {  	_ =	shalt  }
0x52: {  	_ =	shalt  }
0x53: {  	_ =	shalt  }
0x54: {  	_ =	shalt  }
0x55: {  	_ =	shalt  }
0x56: {  	_ =	shalt  }
0x57: {  	_ =	shalt  }
0x58: {  	_ =	shalt  }
0x59: {  	_ =	shalt  }
0x5a: {  	_ =	shalt  }
0x5b: {  	_ =	shalt  }
0x5c: {  	_ =	shalt  }
0x5d: {  	_ =	shalt  }
0x5e: {  	_ =	shalt  }
0x5f: {  	_ =	shalt  }
0x60: {  	_ =	shalt  }
0x61: {  	_ =	shalt  }
0x62: {  	_ =	shalt  }
0x63: {  	_ =	shalt  }
0x64: {  	_ =	shalt  }
0x65: {  	_ =	shalt  }
0x66: {  	_ =	shalt  }
0x67: {  	_ =	shalt  }
0x68: {  	_ =	shalt  }
0x69: {  	_ =	shalt  }
0x6a: {  	_ =	shalt  }
0x6b: {  	_ =	shalt  }
0x6c: {  	_ =	shalt  }
0x6d: {  	_ =	shalt  }
0x6e: {  	_ =	shalt  }
0x6f: {  	_ =	shalt  }
0x70: {  	_ =	shalt  }
0x71: {  	_ =	shalt  }
0x72: {  	_ =	shalt  }
0x73: {  	_ =	shalt  }
0x74: {  	_ =	shalt  }
0x75: {  	_ =	shalt  }
0x76: {  	_ =	shalt  }
0x77: {  	_ =	shalt  }
0x78: {  	_ =	shalt  }
0x79: {  	_ =	shalt  }
0x7a: {  	_ =	shalt  }
0x7b: {  	_ =	shalt  }
0x7c: {  	_ =	shalt  }
0x7d: {  	_ =	shalt  }
0x7e: {  	_ =	shalt  }
0x7f: {  	_ =	shalt  }
0x80: {  	_ =	shalt  }
0x81: {  	_ =	shalt  }
0x82: {  	_ =	shalt  }
0x83: {  	_ =	shalt  }
0x84: {  	_ =	shalt  }
0x85: {  	_ =	shalt  }
0x86: {  	_ =	shalt  }
0x87: {  	_ =	shalt  }
.Lfunc_end0:
.L_simem_size_0:
called_computation.3_lowered:
.L_overlay_start_0:
0x88: {  	s2 =	sld [smem:$0x3FD9]  }
0x89: {  	s3 =	sld [smem:$0x3FFE];
	_ =	sdelay $0x1  }
0x8a: {  	s1 =	srdreg.scid  }
0x8b: {  	s0 =	sand.u32 $0x1, s1  }
0x8c: {  	s17 =	sshll.u32 s0, $0xA;
	s2 =	sadd.s32 s3, s2  }
0x8d: {  	s2 =	sadd.s32 s2, s17  }
0x8e: {  	[smem:$0x3FBA] =	sst s2  }
0x8f: {  	_ = 	snop  }
0x90: {  	s2 =	sld [smem:$0x3FD0];
	(tm) =	ssettm $0x1  }
0x91: {  	s18 =	sld [smem:$0x3FFB];
	_ =	sdelay $0x3  }
0x92: {  	_ =	strace s18  }
0x93: {  	s3 =	sld [smem:$0x3FFC];
	_ =	sdelay $0x3  }
0x94: {  	_ =	strace s3  }
0x95: {  	s3 =	sld [smem:$0x3FFD];
	_ =	sdelay $0x3  }
0x96: {  	_ =	strace s3  }
0x97: {  	_ =	strace $0x8FFFFFFF  }
0x98: {  	s19 =	sld [smem:$0x3FDB];
	_ =	sdelay $0x1  }
0x99: {  	s4 =	simm.s32 $_scs_section_size  }
0x9a: {  	s5 =	simm.s32 $_size__tile_overlayer_lowered;
	s6 =	simm.s32 $_tile_overlayer_lowered  }
0x9b: {  	s22 =	simm.s32 $0x1BFF;
	s21 =	sshll.u32 s6, $0x1;
	s3 =	sadd.s32 s4, s19  }
0x9c: {  	s7 =	simm.s32 $0x0;
	s20 =	sshll.u32 s5, $0x1;
	s5 =	sadd.s32 s21, s3  }
0x9d: {  	[timem:s7], [sflag:s22] =	dma.local [hbm:s5], s20  }
0x9e: {  	_ =	swait.ge [sflag:s22], s20  }
0x9f: {  	s4 =	ssub.s32 $0x0, s20;
	[sflag:s22] =	ssyncset.done $0x0  }
0xa0: {  	[sflag:s22] =	ssyncadd.s32 s4;
	_ =	sdelay $0x1  }
0xa1: {  	s23 =	simm.s32 $0x1B8B  }
0xa2: {  	_ =	swait.ge [sflag:s23], $0x1  }
0xa3: {  	[sflag:s23] =	ssyncset.done $0x0  }
0xa4: {  	s25 =	simm.s32 $0x1B8E;
	s24 =	sld [smem:$0x3FFE];
	[sflag:s23] =	ssyncadd.s32 $0xFFFFFFFF  }
0xa5: {  	s26 =	simm.s32 $execute0_lowered;
	[smem:$0x3FD2] =	sst s25  }
0xa6: {  	s5 =	sshll.u32 s26, $0x1;
	_ =	strace $0x8000004F;
	[dreg:$0x1] =	wrdreg $0xFFFFFFFF  }
0xa7: {  	s28 =	simm.s32 $_size_execute0_lowered;
	s3 =	sadd.s32 s3, s5;
	[dreg:$0x0] =	wrdreg $0x0  }
0xa8: {  	s5 =	sshll.u32 s28, $0x1;
	[dreg:$0x2] =	wrdreg s3  }
0xa9: {  	[dreg:$0x3] =	wrdreg s5  }
0xaa: {  	[dreg:$0x4] =	wrdreg $0xC0  }
0xab: {  	_ =	task [dreg:s7], $0x5FFFF  }
0xac: {  	[dreg:$0x1] =	wrdreg $0xFFFFFFFF  }
0xad: {  	[dreg:$0x0] =	wrdreg $0x60  }
0xae: {  	[dreg:$0x2] =	wrdreg s24  }
0xaf: {  	[dreg:$0x3] =	wrdreg s2  }
0xb0: {  	[dreg:$0x4] =	wrdreg $0xF8000  }
0xb1: {  	[dreg:$0x5] =	wrdreg $0x9  }
0xb2: {  	_ =	task.clear_ibuf [dreg:s7], $0x6FFFF;
	_ =	strace $0x9000004F  }
0xb3: {  	s29 =	simm.s32 $0x9;
	_ =	strace $0x80000051  }
0xb4: {  	_ =	swait.ge [sflag:s29], $0x1  }
0xb5: {  	[sflag:s29] =	ssyncadd.s32 $0xFFFFFFFF  }
0xb6: {  	_ =	strace $0x90000051  }
0xb7: {  	_ =	sfence  }
0xb8: {  	s30 =	sld [smem:$0x0];
	_ =	sdelay $0x2  }
0xb9: {  	s31 =	sshll.u32 s1, $0xD;
	s1 =	sshrl.u32 s1, $0x2  }
0xba: {  	s3 =	sand.u32 $0x4000, s31;
	s1 =	sadd.s32 s1, s30  }
0xbb: {  	s0 =	sor.u32 s3, s0;
	s1 =	sshll.u32 s1, $0x11  }
0xbc: {  	s0 =	sor.u32 s1, s0  }
0xbd: {  	s0 =	sadd.s32 $0x8F2B, s0  }
0xbe: {  	[sflag:s0] =	ssyncadd.remote.s32 $0x1  }
0xbf: {  	_ =	sfence.sel $0xFFFF  }
0xc0: {  	[dreg:$0x0] =	wrdreg $0xFFFFFFFF;
	(pc) =	sbr.abs _section_cstart, $3  }
0xc1: {  	[dreg:$0x1] =	wrdreg $0xFFFFFFFF  }
0xc2: {  	_ =	task.clear_ibuf [dreg:s7], $0x2FFFF;
	_ =	strace $0x9FFFFFFF  }
0xc3: {  	(tm) =	ssettm $0x7FFFFFFF  }
tec
execute0_lowered:
.L_overlay_start_1:
0x0: {  	(tag) =	ssettag $0x1  }
0x1: {  	s5 =	rddreg [dreg:$0x0]  }
0x2: {  	s6 =	rddreg [dreg:$0x1];
	s0 =	stileid.u32  }
0x3: {  	s1 =	srdreg.scid;
	s2 =	rddreg [dreg:$0x2]  }
0x4: {  	s3 =	simm.s32 $0x0;
	s15 =	simm.s32 $0x7800;
	s10 =	smul.u32 $0x500, s0  }
0x5: {  	s16 =	simm.s32 $0xB800;
	s17 =	simm.s32 $0x1;
	s11 =	smul.u32 $0x1400, s0  }
0x6: {  	s18 =	simm.s32 $0x2;
	s19 =	simm.s32 $0x2780;
	s23 =	smul.u32 $0x29000, s0  }
0x7: {  	s20 =	simm.s32 $0x4F00;
	s21 =	simm.s32 $0x4F80;
	s13 =	smul.u32 $0x28000, s0  }
0x8: {  	s7 =	sand.u32 $0x1, s1;
	s1 =	rddreg [dreg:$0x3];
	s25 =	smul.u32 $0x1480, s0  }
0x9: {  	[smem:$0x7FF] =	sst s3;
	s4 =	sadd.s32 $0x12A00, s5;
	s8 =	smul.u32 $0x5000, s7  }
0xa: {  	s31 =	sshll.u32 s0, $0x6;
	s9 =	smul.u32 $0x14000, s7;
	s7 =	ssub.s32 $0x2, s7  }
0xb: {  	_ =	strace $0x80000050;
	s12 =	sadd.s32 s10, s5;
	s24 =	sshrl.u32 s7, $0x1  }
0xc: {  	s28 =	sshrl.u32 s23, $0x2;
	s29 =	sshrl.u32 s13, $0x2;
	s6 =	sadd.s32 s6, s25  }
0xd: {  	s23 =	simm.s32 $0x0;
	s8 =	sadd.s32 s8, s5;
	s9 =	sadd.s32 s11, s9  }
0xe: {  	s14 =	ssub.s32 s7, s24;
	s30 =	sadd.s32 s28, s2;
	s22 =	sadd.s32 s29, s2  }
0xf: {  	s11 =	simm.s32 $0x2800;
	s9 =	sadd.s32 s9, s5;
	s5 =	sadd.s32 $0x3A00, s12  }
0x10: {  	s26 =	sadd.s32 $0x8A00, s8;
	s8 =	smax.u32 s14, $0x1;
	s12 =	sor.u32 $0x1C03, s31  }
0x11: {  	s13 =	sshrl.u32 s30, $0x3;
	s14 =	simm.s32 $0x80;
	s22 =	sshrl.u32 s22, $0x3  }
0x12: {  	s7 =	sadd.s32 $0x8AA00, s9;
	s9 =	simm.s32 $0x3;
	s10 =	sadd.s32 s10, s26  }
.LBB2_1:
0x13: {  	[tilespmem:s3], [sflag:$0x3] =	stream.linear.gather [hbm4b:s5+s3], $0x2800, $0x38;
	[tilespmem:$0x19C00] =	vst v63  }
0x14: {  	_ =	swait.ge [sflag:s9], $0x2800  }
0x15: {  	[sflag:s9] =	ssyncset.done $0x0  }
0x16: {  	[sflag:s9] =	ssyncadd.s32 $0xFFFFD800  }
0x17: {  	[tilespmem:s11], [sflag:$0x3] =	stream.linear.gather [hbm4b:s10+s3], $0x2800, $0x38;
	[tilespmem:$0x19C00] =	vst v63  }
0x18: {  	_ =	swait.ge [sflag:s9], $0x2800  }
0x19: {  	[sflag:s9] =	ssyncset.done $0x0  }
0x1a: {  	[sflag:s9] =	ssyncadd.s32 $0xFFFFD800  }
0x1b: {  	[spmem:s13], [sflag:s12] =	dma.local [hbm:s6], $0x1480  }
0x1c: {  	_ =	swait.ge [sflag:s9], $0x1480  }
0x1d: {  	[sflag:s9] =	ssyncset.done $0x0  }
0x1e: {  	[sflag:s9] =	ssyncadd.s32 $0xFFFFEB80  }
0x1f: {  	[bflag:$0x0] =	sbarrier.arrive $0xFFFF  }
0x20: {  	[tilespmem:s15], [sflag:$0x1] =	stream.indirect.gather [hbm4b:s4+s14], $0x80, s3, s14, $0xb8;
	[tilespmem:$0x19C00] =	vst v63  }
0x21: {  	s24 =	simm.s32 $0x80  }
0x22: {  	[tilespmem:s16], [sflag:$0x2] =	stream.indirect.gather [hbm4b:s4+s14], $0x80, s24, s14, $0xb8;
	[tilespmem:$0x19C00] =	vst v63  }
0x23: {  	_ =	swait.ge [sflag:s17], $0x4000  }
0x24: {  	[sflag:s17] =	ssyncset.done $0x0  }
0x25: {  	s29 =	simm.s32 $0x2800;
	[sflag:s17] =	ssyncadd.s32 $0xFFFFC000  }
0x26: {  	[spmem:s2] =	stream.indirect.scatter.add.f32 [tilespmem:s15], [sflag:$0x3], $0x80, s29, s14, $0xb8;
	[tilespmem:$0x19C00] =	vst v63  }
0x27: {  	_ =	swait.ge [sflag:s9], $0x4000  }
0x28: {  	[sflag:s9] =	ssyncset.done $0x0  }
0x29: {  	s30 =	simm.s32 $0x100;
	[sflag:s9] =	ssyncadd.s32 $0xFFFFC000  }
0x2a: {  	[tilespmem:s15], [sflag:$0x1] =	stream.indirect.gather [hbm4b:s4+s14], $0x80, s30, s14, $0xb8;
	[tilespmem:$0x19C00] =	vst v63  }
0x2b: {  	_ =	swait.ge [sflag:s18], $0x4000  }
0x2c: {  	[sflag:s18] =	ssyncset.done $0x0  }
0x2d: {  	s31 =	simm.s32 $0x2880;
	[sflag:s18] =	ssyncadd.s32 $0xFFFFC000  }
0x2e: {  	[spmem:s2] =	stream.indirect.scatter.add.f32 [tilespmem:s16], [sflag:$0x3], $0x80, s31, s14, $0xb8;
	[tilespmem:$0x19C00] =	vst v63  }
0x2f: {  	_ =	swait.ge [sflag:s9], $0x4000  }
0x30: {  	s25 =	simm.s32 $0x800;
	s24 =	simm.s32 $0x100;
	[sflag:s9] =	ssyncset.done $0x0  }
.LBB2_2:
0x31: {  	s26 =	sadd.s32 $0x80, s24  }
0x32: {  	[sflag:s9] =	ssyncadd.s32 $0xFFFFC000;
	s28 =	smov.u32 s25;
	s29 =	sadd.s32 $0x400, s25  }
0x33: {  	[tilespmem:s16], [sflag:$0x2] =	stream.indirect.gather [hbm4b:s4+s14], $0x80, s26, s14, $0xb8;
	[tilespmem:$0x19C00] =	vst v63  }
0x34: {  	p0 =	sne.s32 s25, $0x9800;
	_ =	swait.ge [sflag:s17], $0x4000  }
0x35: {  	[sflag:s17] =	ssyncset.done $0x0  }
0x36: {  	s25 =	sadd.s32 $0x2800, s24;
	[sflag:s17] =	ssyncadd.s32 $0xFFFFC000  }
0x37: {  	[spmem:s2] =	stream.indirect.scatter.add.f32 [tilespmem:s15], [sflag:$0x3], $0x80, s25, s14, $0xb8;
	[tilespmem:$0x19C00] =	vst v63  }
0x38: {  	_ =	swait.ge [sflag:s9], $0x4000  }
0x39: {  	[sflag:s9] =	ssyncset.done $0x0  }
0x3a: {  	s25 =	sadd.s32 $0x100, s24;
	[sflag:s9] =	ssyncadd.s32 $0xFFFFC000  }
0x3b: {  	[tilespmem:s15], [sflag:$0x1] =	stream.indirect.gather [hbm4b:s4+s14], $0x80, s25, s14, $0xb8;
	[tilespmem:$0x19C00] =	vst v63  }
0x3c: {  	_ =	swait.ge [sflag:s18], $0x4000  }
.Ltmp0:
0x3d: {  	[sflag:s18] =	ssyncset.done $0x0;
	(pc) =	sbr.rel @p0 .LBB2_2-.Ltmp0, $4  }
0x3e: {  	s24 =	sadd.s32 $0x2880, s24;
	[sflag:s18] =	ssyncadd.s32 $0xFFFFC000  }
0x3f: {  	[spmem:s2] =	stream.indirect.scatter.add.f32 [tilespmem:s16], [sflag:$0x3], $0x80, s24, s14, $0xb8;
	[tilespmem:$0x19C00] =	vst v63  }
0x40: {  	_ =	swait.ge [sflag:s9], $0x4000  }
0x41: {  	s25 =	smov.u32 s29;
	s24 =	sshra.s32 s28, $0x2;
	[sflag:s9] =	ssyncset.done $0x0  }
0x42: {  	s25 =	sadd.s32 $0x80, s24;
	[sflag:s9] =	ssyncadd.s32 $0xFFFFC000  }
0x43: {  	[tilespmem:s16], [sflag:$0x2] =	stream.indirect.gather [hbm4b:s4+s14], $0x80, s25, s14, $0xb8;
	[tilespmem:$0x19C00] =	vst v63  }
0x44: {  	_ =	swait.ge [sflag:s17], $0x4000  }
0x45: {  	[sflag:s17] =	ssyncset.done $0x0  }
0x46: {  	s29 =	sadd.s32 $0x2800, s24;
	[sflag:s17] =	ssyncadd.s32 $0xFFFFC000  }
0x47: {  	[spmem:s2] =	stream.indirect.scatter.add.f32 [tilespmem:s15], [sflag:$0x3], $0x80, s29, s14, $0xb8;
	[tilespmem:$0x19C00] =	vst v63  }
0x48: {  	_ =	swait.ge [sflag:s9], $0x4000  }
0x49: {  	[sflag:s9] =	ssyncset.done $0x0  }
0x4a: {  	s30 =	sadd.s32 $0x100, s24;
	[sflag:s9] =	ssyncadd.s32 $0xFFFFC000  }
0x4b: {  	[tilespmem:s15], [sflag:$0x1] =	stream.indirect.gather [hbm4b:s4+s14], $0x80, s30, s14, $0xb8;
	[tilespmem:$0x19C00] =	vst v63  }
0x4c: {  	_ =	swait.ge [sflag:s18], $0x4000  }
0x4d: {  	[sflag:s18] =	ssyncset.done $0x0  }
0x4e: {  	s31 =	sadd.s32 $0x2880, s24;
	[sflag:s18] =	ssyncadd.s32 $0xFFFFC000  }
0x4f: {  	[spmem:s2] =	stream.indirect.scatter.add.f32 [tilespmem:s16], [sflag:$0x3], $0x80, s31, s14, $0xb8;
	[tilespmem:$0x19C00] =	vst v63  }
0x50: {  	_ =	swait.ge [sflag:s9], $0x4000  }
0x51: {  	[sflag:s9] =	ssyncset.done $0x0  }
0x52: {  	[sflag:s9] =	ssyncadd.s32 $0xFFFFC000  }
0x53: {  	[tilespmem:s16], [sflag:$0x2] =	stream.indirect.gather [hbm4b:s4+s14], $0x80, s19, s14, $0xb8;
	[tilespmem:$0x19C00] =	vst v63  }
0x54: {  	_ =	swait.ge [sflag:s17], $0x4000  }
0x55: {  	[sflag:s17] =	ssyncset.done $0x0  }
0x56: {  	[sflag:s17] =	ssyncadd.s32 $0xFFFFC000  }
0x57: {  	[spmem:s2] =	stream.indirect.scatter.add.f32 [tilespmem:s15], [sflag:$0x3], $0x80, s20, s14, $0xb8;
	[tilespmem:$0x19C00] =	vst v63  }
0x58: {  	_ =	swait.ge [sflag:s9], $0x4000  }
0x59: {  	[sflag:s9] =	ssyncset.done $0x0  }
0x5a: {  	[sflag:s9] =	ssyncadd.s32 $0xFFFFC000  }
0x5b: {  	_ =	swait.ge [sflag:s18], $0x4000  }
0x5c: {  	[sflag:s18] =	ssyncset.done $0x0  }
0x5d: {  	[sflag:s18] =	ssyncadd.s32 $0xFFFFC000  }
0x5e: {  	[spmem:s2] =	stream.indirect.scatter.add.f32 [tilespmem:s16], [sflag:$0x3], $0x80, s21, s14, $0xb8;
	[tilespmem:$0x19C00] =	vst v63  }
0x5f: {  	_ =	swait.ge [sflag:s9], $0x4000  }
0x60: {  	s23 =	sadd.s32 $0x1, s23;
	[sflag:s9] =	ssyncset.done $0x0  }
0x61: {  	p0 =	sne.s32 s23, s8;
	[sflag:s9] =	ssyncadd.s32 $0xFFFFC000  }
.Ltmp1:
0x62: {  	[bflag:$0x0] =	sbarrier.arrive $0xFFFF;
	(pc) =	sbr.rel @p0 .LBB2_1-.Ltmp1, $4  }
0x63: {  	[hbm:s7], [sflag:s12] =	dma.local [spmem:s22], $0x1400  }
0x64: {  	_ =	swait.ge [sflag:s9], $0x1400  }
0x65: {  	[sflag:s9] =	ssyncset.done $0x0  }
0x66: {  	[sflag:s9] =	ssyncadd.s32 $0xFFFFEC00  }
0x67: {  	_ =	sfence.sel $0x180000  }
0x68: {  	[bflag:$0x0] =	sbarrier.arrive $0xFFFF  }
0x69: {  	p0 =	sne.s32 s0, $0x0;
	_ =	strace $0x90000050  }
0x6a: {  	s0 =	sadd.s32 @!p0 $0x100000, s1;
	[bflag:$0x2] =	sbarrier.arrive $0xFFFF  }
0x6b: {  	[sflag:s0] =	ssyncadd.tile.s32 @!p0 $0x1;
	_ =	shalt  }
.Lfunc_end2:
_tile_overlayer_lowered:
.L_overlay_start_2:
0x6c: {  	(tag) =	ssettag $0x2  }
0x6d: {  	s0 =	rddreg [dreg:$0x0];
	s2 =	stileid.u32  }
0x6e: {  	s1 =	rddreg [dreg:$0x1];
	p0 =	sne.s32 s2, $0x0  }
0x6f: {  	s3 =	rddreg [dreg:$0x2];
	[bflag:$0x3] =	sbarrier.arrive $0xFFFF;
	s2 =	simm.s32 @!p0 $0x1C03  }
0x70: {  	[timem:s3], [sflag:s2] =	dma.local @!p0 [hbm:s0], s1  }
0x71: {  	s0 =	simm.s32 @!p0 $0x3  }
0x72: {  	_ =	swait.ge @!p0 [sflag:s0], s1  }
0x73: {  	s1 =	ssub.s32 @!p0 $0x0, s1;
	[sflag:s0] =	ssyncset.done @!p0 $0x0  }
0x74: {  	[sflag:s0] =	ssyncadd.s32 @!p0 s1  }
0x75: {  	[bflag:$0x3] =	sbarrier.arrive $0xFFFF  }
0x76: {  	_ =	shalt  }

// kernel: kernel.9.cloned.1.call-start
scs
__scs_entry_jumppad:
0x0: {  	(pc) =	sbr.rel $0x88, $3  }
0x1: {  	(tag) =	ssettag $0x0;
	lr =	simm.s32 $0x1  }
0x2: {  	[smem:$0x3F93] =	sst lr;
	_ =	strace $0xD0000000  }
0x3: {  	_ = 	snop  }
0x4: {  	_ = 	snop  }
0x5: {  	_ = 	snop  }
0x6: {  	_ = 	snop  }
0x7: {  	_ = 	snop  }
__scs_overlays_trampoline_lowered:
0x8: {  	[smem:$0x3FA2] =	sst s0  }
0x9: {  	[smem:$0x3FA3] =	sst s1  }
0xa: {  	[smem:$0x3FA4] =	sst s2  }
0xb: {  	[smem:$0x3FA5] =	sst s3  }
0xc: {  	[smem:$0x3FA6] =	sst s4  }
0xd: {  	[smem:$0x3FA7] =	sst s5  }
0xe: {  	[smem:$0x3FA8] =	sst s6  }
0xf: {  	[smem:$0x3FA9] =	sst s7  }
0x10: {  	[smem:$0x3FAA] =	sst s8  }
0x11: {  	[smem:$0x3FAB] =	sst s9;
	s0 =	simm.s32 @!p0 $0x0  }
0x12: {  	s1 =	sld [smem:$0x3F91];
	s0 =	simm.s32 @p0 $0x1  }
0x13: {  	[smem:$0x3FAC] =	sst s0;
	s0 =	simm.s32 @!p1 $0x0  }
0x14: {  	s2 =	sld [smem:$0x3F90];
	s0 =	simm.s32 @p1 $0x1  }
0x15: {  	[smem:$0x3FAD] =	sst s0;
	s0 =	simm.s32 @!p2 $0x0  }
0x16: {  	s3 =	sld [smem:$0x3FDB];
	s0 =	simm.s32 @p2 $0x1  }
0x17: {  	s4 =	simm.s32 $0x1BF5;
	[smem:$0x3FAF] =	sst s0  }
0x18: {  	s0 =	sld [smem:$0x3F92];
	_ =	swait.ge [sflag:s4], $0x0  }
0x19: {  	s7 =	sld [smem:$0x3F93]  }
0x1a: {  	s8 =	sadd.s32 $0xFFFFE003, lr  }
0x1b: {  	s9 =	sadd.s32 $0xFFFFFEF7, lr;
	s5 =	simm.s32 $0xFFFFFFFF;
	p2 =	slt.u32 s8, $0xFFFFF086  }
0x1c: {  	p1 =	slt.u32 s9, $0xF7A;
	s5 =	simm.s32 @!p2 $0x0  }
0x1d: {  	s5 =	simm.s32 @p1 $0x1;
	p0 =	seq.s32 s7, s2  }
0x1e: {  	s7 =	smul.u32 @!p0 $0xF7A, s2;
	p2 =	seq.s32 @!p0 s5, $0x0  }
0x1f: {  	s9 =	smul.u32 $0xF7A, s1;
	s8 =	simm.s32 @!p0 $0x1BF5;
	p2 =	por !p2, p0  }
0x20: {  	[sflag:s8] =	ssyncset.s32 @!p0 $0xFFFFF086;
	s6 =	sadd.s32 @!p0 s3, s7;
	s7 =	simm.s32 @!p0 $0x108  }
0x21: {  	s3 =	sadd.s32 s3, s9;
	s6 =	sadd.s32 @!p0 $0x88, s6;
	s7 =	simm.s32 @p2 $0x1082  }
0x22: {  	[simem:s7], [sflag:s8] =	dma.local @!p0 [hbm:s6], $0xF7A  }
0x23: {  	s9 =	sor.u32 $0xD0000000, s2;
	s6 =	simm.s32 $0x108;
	_ =	swait.ge @!p0 [sflag:s8], $0x0  }
0x24: {  	s3 =	sadd.s32 $0x88, s3;
	s6 =	simm.s32 @!p1 $0x1082;
	[sflag:s4] =	ssyncset.s32 $0xFFFFF086  }
0x25: {  	[simem:s6], [sflag:s4] =	dma.local [hbm:s3], $0xF7A  }
0x26: {  	[smem:$0x3F93] =	sst s1;
	(tag) =	ssettag s2;
	_ =	strace s9  }
0x27: {  	s1 =	sld [smem:$0x3FA3]  }
0x28: {  	s2 =	sld [smem:$0x3FA4]  }
0x29: {  	s4 =	sld [smem:$0x3FA6]  }
0x2a: {  	p0 =	seq.s32 s5, $0x0;
	s5 =	sld [smem:$0x3FA7]  }
0x2b: {  	s6 =	sld [smem:$0x3FA8]  }
0x2c: {  	s7 =	sld [smem:$0x3FA9]  }
0x2d: {  	s3 =	simm.s32 $0x108;
	s8 =	sld [smem:$0x3FAA]  }
0x2e: {  	s3 =	simm.s32 @!p0 $0x1082;
	s9 =	sld [smem:$0x3FAB]  }
0x2f: {  	lr =	sadd.s32 s0, s3;
	s0 =	sld [smem:$0x3FA2]  }
0x30: {  	s3 =	sld [smem:$0x3FA5]  }
0x31: {  	[smem:$0x3FAE] =	sst s10  }
0x32: {  	s10 =	sld [smem:$0x3FAC];
	_ =	sdelay $0x3  }
0x33: {  	p0 =	seq.s32 s10, $0x1;
	s10 =	sld [smem:$0x3FAE];
	_ =	sdelay $0x3  }
0x34: {  	[smem:$0x3FAE] =	sst s10  }
0x35: {  	s10 =	sld [smem:$0x3FAD];
	_ =	sdelay $0x3  }
0x36: {  	p1 =	seq.s32 s10, $0x1;
	s10 =	sld [smem:$0x3FAE];
	_ =	sdelay $0x3  }
0x37: {  	[smem:$0x3FAE] =	sst s10  }
0x38: {  	s10 =	sld [smem:$0x3FAF]  }
0x39: {  	_ = 	snop;
	(pc) =	sbr.ind lr, $3  }
0x3a: {  	_ = 	snop  }
0x3b: {  	_ = 	snop  }
0x3c: {  	p2 =	seq.s32 s10, $0x1;
	s10 =	sld [smem:$0x3FAE]  }
0x3d: {  	_ =	shalt  }
0x3e: {  	_ =	shalt  }
0x3f: {  	_ =	shalt  }
0x40: {  	_ =	shalt  }
0x41: {  	_ =	shalt  }
0x42: {  	_ =	shalt  }
0x43: {  	_ =	shalt  }
0x44: {  	_ =	shalt  }
0x45: {  	_ =	shalt  }
0x46: {  	_ =	shalt  }
0x47: {  	_ =	shalt  }
0x48: {  	_ =	shalt  }
0x49: {  	_ =	shalt  }
0x4a: {  	_ =	shalt  }
0x4b: {  	_ =	shalt  }
0x4c: {  	_ =	shalt  }
0x4d: {  	_ =	shalt  }
0x4e: {  	_ =	shalt  }
0x4f: {  	_ =	shalt  }
0x50: {  	_ =	shalt  }
0x51: {  	_ =	shalt  }
0x52: {  	_ =	shalt  }
0x53: {  	_ =	shalt  }
0x54: {  	_ =	shalt  }
0x55: {  	_ =	shalt  }
0x56: {  	_ =	shalt  }
0x57: {  	_ =	shalt  }
0x58: {  	_ =	shalt  }
0x59: {  	_ =	shalt  }
0x5a: {  	_ =	shalt  }
0x5b: {  	_ =	shalt  }
0x5c: {  	_ =	shalt  }
0x5d: {  	_ =	shalt  }
0x5e: {  	_ =	shalt  }
0x5f: {  	_ =	shalt  }
0x60: {  	_ =	shalt  }
0x61: {  	_ =	shalt  }
0x62: {  	_ =	shalt  }
0x63: {  	_ =	shalt  }
0x64: {  	_ =	shalt  }
0x65: {  	_ =	shalt  }
0x66: {  	_ =	shalt  }
0x67: {  	_ =	shalt  }
0x68: {  	_ =	shalt  }
0x69: {  	_ =	shalt  }
0x6a: {  	_ =	shalt  }
0x6b: {  	_ =	shalt  }
0x6c: {  	_ =	shalt  }
0x6d: {  	_ =	shalt  }
0x6e: {  	_ =	shalt  }
0x6f: {  	_ =	shalt  }
0x70: {  	_ =	shalt  }
0x71: {  	_ =	shalt  }
0x72: {  	_ =	shalt  }
0x73: {  	_ =	shalt  }
0x74: {  	_ =	shalt  }
0x75: {  	_ =	shalt  }
0x76: {  	_ =	shalt  }
0x77: {  	_ =	shalt  }
0x78: {  	_ =	shalt  }
0x79: {  	_ =	shalt  }
0x7a: {  	_ =	shalt  }
0x7b: {  	_ =	shalt  }
0x7c: {  	_ =	shalt  }
0x7d: {  	_ =	shalt  }
0x7e: {  	_ =	shalt  }
0x7f: {  	_ =	shalt  }
0x80: {  	_ =	shalt  }
0x81: {  	_ =	shalt  }
0x82: {  	_ =	shalt  }
0x83: {  	_ =	shalt  }
0x84: {  	_ =	shalt  }
0x85: {  	_ =	shalt  }
0x86: {  	_ =	shalt  }
0x87: {  	_ =	shalt  }
.Lfunc_end0:
.L_simem_size_0:
called_computation_lowered:
.L_overlay_start_0:
0x88: {  	s2 =	sld [smem:$0x3FD9]  }
0x89: {  	s3 =	sld [smem:$0x3FFE];
	_ =	sdelay $0x1  }
0x8a: {  	s1 =	srdreg.scid  }
0x8b: {  	s0 =	sand.u32 $0x1, s1  }
0x8c: {  	s17 =	sshll.u32 s0, $0xA;
	s2 =	sadd.s32 s3, s2  }
0x8d: {  	s2 =	sadd.s32 s2, s17  }
0x8e: {  	[smem:$0x3FBA] =	sst s2  }
0x8f: {  	_ = 	snop  }
0x90: {  	s2 =	sld [smem:$0x3FD0];
	(tm) =	ssettm $0x1  }
0x91: {  	s18 =	sld [smem:$0x3FFB];
	_ =	sdelay $0x3  }
0x92: {  	_ =	strace s18  }
0x93: {  	s3 =	sld [smem:$0x3FFC];
	_ =	sdelay $0x3  }
0x94: {  	_ =	strace s3  }
0x95: {  	s3 =	sld [smem:$0x3FFD];
	_ =	sdelay $0x3  }
0x96: {  	_ =	strace s3  }
0x97: {  	_ =	strace $0x8FFFFFFF  }
0x98: {  	s19 =	sld [smem:$0x3FDB];
	_ =	sdelay $0x1  }
0x99: {  	s4 =	simm.s32 $_scs_section_size  }
0x9a: {  	s5 =	simm.s32 $_size__tile_overlayer_lowered;
	s6 =	simm.s32 $_tile_overlayer_lowered  }
0x9b: {  	s22 =	simm.s32 $0x1BFF;
	s21 =	sshll.u32 s6, $0x1;
	s3 =	sadd.s32 s4, s19  }
0x9c: {  	s7 =	simm.s32 $0x0;
	s20 =	sshll.u32 s5, $0x1;
	s5 =	sadd.s32 s21, s3  }
0x9d: {  	[timem:s7], [sflag:s22] =	dma.local [hbm:s5], s20  }
0x9e: {  	_ =	swait.ge [sflag:s22], s20  }
0x9f: {  	s4 =	ssub.s32 $0x0, s20;
	[sflag:s22] =	ssyncset.done $0x0  }
0xa0: {  	[sflag:s22] =	ssyncadd.s32 s4;
	_ =	sdelay $0x1  }
0xa1: {  	s23 =	simm.s32 $0x1B8B  }
0xa2: {  	_ =	swait.ge [sflag:s23], $0x1  }
0xa3: {  	[sflag:s23] =	ssyncset.done $0x0  }
0xa4: {  	s25 =	simm.s32 $0x1B8E;
	s24 =	sld [smem:$0x3FFE];
	[sflag:s23] =	ssyncadd.s32 $0xFFFFFFFF  }
0xa5: {  	s26 =	simm.s32 $execute0_lowered;
	[smem:$0x3FD2] =	sst s25  }
0xa6: {  	s5 =	sshll.u32 s26, $0x1;
	_ =	strace $0x80000046;
	[dreg:$0x1] =	wrdreg $0xFFFFFFFF  }
0xa7: {  	s28 =	simm.s32 $_size_execute0_lowered;
	s3 =	sadd.s32 s3, s5;
	[dreg:$0x0] =	wrdreg $0x0  }
0xa8: {  	s5 =	sshll.u32 s28, $0x1;
	[dreg:$0x2] =	wrdreg s3  }
0xa9: {  	[dreg:$0x3] =	wrdreg s5  }
0xaa: {  	[dreg:$0x4] =	wrdreg $0xC0  }
0xab: {  	_ =	task [dreg:s7], $0x5FFFF  }
0xac: {  	[dreg:$0x1] =	wrdreg $0xFFFFFFFF  }
0xad: {  	[dreg:$0x0] =	wrdreg $0x60  }
0xae: {  	[dreg:$0x2] =	wrdreg s24  }
0xaf: {  	[dreg:$0x3] =	wrdreg s2  }
0xb0: {  	[dreg:$0x4] =	wrdreg $0x68000  }
0xb1: {  	[dreg:$0x5] =	wrdreg $0x9  }
0xb2: {  	_ =	task.clear_ibuf [dreg:s7], $0x6FFFF;
	_ =	strace $0x90000046  }
0xb3: {  	s29 =	simm.s32 $0x9;
	_ =	strace $0x80000048  }
0xb4: {  	_ =	swait.ge [sflag:s29], $0x1  }
0xb5: {  	[sflag:s29] =	ssyncadd.s32 $0xFFFFFFFF  }
0xb6: {  	_ =	strace $0x90000048  }
0xb7: {  	_ =	sfence  }
0xb8: {  	s30 =	sld [smem:$0x0];
	_ =	sdelay $0x2  }
0xb9: {  	s31 =	sshll.u32 s1, $0xD;
	s1 =	sshrl.u32 s1, $0x2  }
0xba: {  	s3 =	sand.u32 $0x4000, s31;
	s1 =	sadd.s32 s1, s30  }
0xbb: {  	s0 =	sor.u32 s3, s0;
	s1 =	sshll.u32 s1, $0x11  }
0xbc: {  	s0 =	sor.u32 s1, s0  }
0xbd: {  	s0 =	sadd.s32 $0x8F2B, s0  }
0xbe: {  	[sflag:s0] =	ssyncadd.remote.s32 $0x1  }
0xbf: {  	_ =	sfence.sel $0xFFFF  }
0xc0: {  	[dreg:$0x0] =	wrdreg $0xFFFFFFFF;
	(pc) =	sbr.abs _section_cstart, $3  }
0xc1: {  	[dreg:$0x1] =	wrdreg $0xFFFFFFFF  }
0xc2: {  	_ =	task.clear_ibuf [dreg:s7], $0x2FFFF;
	_ =	strace $0x9FFFFFFF  }
0xc3: {  	(tm) =	ssettm $0x7FFFFFFF  }
tec
execute0_lowered:
.L_overlay_start_1:
0x0: {  	(tag) =	ssettag $0x1  }
0x1: {  	s5 =	rddreg [dreg:$0x0];
	s2 =	srdreg.scid  }
0x2: {  	s6 =	rddreg [dreg:$0x1];
	s7 =	sand.u32 $0x1, s2  }
0x3: {  	s1 =	rddreg [dreg:$0x2];
	s4 =	smul.u32 $0x5000, s7  }
0x4: {  	s2 =	stileid.u32;
	s8 =	smul.u32 $0x14000, s7  }
0x5: {  	s0 =	rddreg [dreg:$0x3];
	s3 =	simm.s32 $0x0;
	s10 =	smul.u32 $0x1400, s2  }
0x6: {  	s13 =	simm.s32 $0x80;
	s14 =	simm.s32 $0x1;
	s11 =	smul.u32 $0x500, s2  }
0x7: {  	s15 =	simm.s32 $0x2;
	s16 =	simm.s32 $0x2780;
	s12 =	smul.u32 $0x29000, s2  }
0x8: {  	s18 =	simm.s32 $0x0;
	[smem:$0x7FF] =	sst s3;
	s26 =	smul.u32 $0x28000, s2  }
0x9: {  	_ =	strace $0x80000047;
	s7 =	ssub.s32 $0x2, s7;
	s30 =	smul.u32 $0x1480, s2  }
0xa: {  	s31 =	sshll.u32 s2, $0x6;
	s25 =	sshrl.u32 s7, $0x1;
	s9 =	sadd.s32 s4, s5  }
0xb: {  	s4 =	sadd.s32 $0x12A00, s5;
	s8 =	sadd.s32 s10, s8;
	s10 =	ssub.s32 s7, s25  }
0xc: {  	s29 =	sshrl.u32 s12, $0x2;
	s7 =	sshrl.u32 s26, $0x2;
	s6 =	sadd.s32 s6, s30  }
0xd: {  	s8 =	sadd.s32 s8, s5;
	s28 =	sadd.s32 s11, s9;
	s12 =	sadd.s32 s29, s1  }
0xe: {  	s17 =	sadd.s32 s7, s1;
	s9 =	simm.s32 $0x3;
	s11 =	sor.u32 $0x1C03, s31  }
0xf: {  	s5 =	sadd.s32 $0x8A00, s28;
	s7 =	sadd.s32 $0x13200, s8;
	s8 =	smax.u32 s10, $0x1  }
0x10: {  	s10 =	simm.s32 $0x2800;
	s12 =	sshrl.u32 s12, $0x3;
	s17 =	sshrl.u32 s17, $0x3  }
.LBB2_1:
0x11: {  	[tilespmem:s3], [sflag:$0x3] =	stream.linear.gather [hbm4b:s5+s3], $0x2800, $0x38;
	[tilespmem:$0x10C00] =	vst v63  }
0x12: {  	_ =	swait.ge [sflag:s9], $0x2800  }
0x13: {  	[sflag:s9] =	ssyncset.done $0x0  }
0x14: {  	[sflag:s9] =	ssyncadd.s32 $0xFFFFD800  }
0x15: {  	[tilespmem:s10], [sflag:$0x3] =	stream.linear.gather [hbm4b:s4+s3], $0x4000, $0x38;
	[tilespmem:$0x10C00] =	vst v63  }
0x16: {  	_ =	swait.ge [sflag:s9], $0x4000  }
0x17: {  	[sflag:s9] =	ssyncset.done $0x0  }
0x18: {  	[sflag:s9] =	ssyncadd.s32 $0xFFFFC000  }
0x19: {  	[spmem:s12], [sflag:s11] =	dma.local [hbm:s6], $0x1480  }
0x1a: {  	_ =	swait.ge [sflag:s9], $0x1480  }
0x1b: {  	[sflag:s9] =	ssyncset.done $0x0  }
0x1c: {  	[sflag:s9] =	ssyncadd.s32 $0xFFFFEB80  }
0x1d: {  	[bflag:$0x0] =	sbarrier.arrive $0xFFFF  }
0x1e: {  	[spmem:s1] =	stream.indirect.scatter.add.f32 [tilespmem:s10], [sflag:$0x1], $0x80, s3, s13, $0xb8;
	[tilespmem:$0x10C00] =	vst v63  }
0x1f: {  	s19 =	simm.s32 $0x80  }
0x20: {  	[spmem:s1] =	stream.indirect.scatter.add.f32 [tilespmem:s10], [sflag:$0x2], $0x80, s19, s13, $0xb8;
	[tilespmem:$0x10C00] =	vst v63  }
0x21: {  	_ =	swait.ge [sflag:s14], $0x4000  }
0x22: {  	[sflag:s14] =	ssyncset.done $0x0  }
0x23: {  	s31 =	simm.s32 $0x100;
	[sflag:s14] =	ssyncadd.s32 $0xFFFFC000  }
0x24: {  	[spmem:s1] =	stream.indirect.scatter.add.f32 [tilespmem:s10], [sflag:$0x1], $0x80, s31, s13, $0xb8;
	[tilespmem:$0x10C00] =	vst v63  }
0x25: {  	_ =	swait.ge [sflag:s15], $0x4000  }
0x26: {  	s20 =	simm.s32 $0xFFFF6C00;
	s19 =	simm.s32 $0xFFFFDA00;
	[sflag:s15] =	ssyncset.done $0x0  }
.LBB2_2:
0x27: {  	s21 =	sadd.s32 $0x2780, s19  }
0x28: {  	[sflag:s15] =	ssyncadd.s32 $0xFFFFC000;
	s22 =	smov.u32 s20;
	s23 =	sadd.s32 $0x400, s20  }
0x29: {  	[spmem:s1] =	stream.indirect.scatter.add.f32 [tilespmem:s10], [sflag:$0x2], $0x80, s21, s13, $0xb8;
	[tilespmem:$0x10C00] =	vst v63  }
0x2a: {  	p0 =	sne.s32 s20, $0xFFFFFC00;
	_ =	swait.ge [sflag:s14], $0x4000  }
.Ltmp0:
0x2b: {  	[sflag:s14] =	ssyncset.done $0x0;
	(pc) =	sbr.rel @p0 .LBB2_2-.Ltmp0, $4  }
0x2c: {  	s19 =	sadd.s32 $0x2800, s19;
	[sflag:s14] =	ssyncadd.s32 $0xFFFFC000  }
0x2d: {  	[spmem:s1] =	stream.indirect.scatter.add.f32 [tilespmem:s10], [sflag:$0x1], $0x80, s19, s13, $0xb8;
	[tilespmem:$0x10C00] =	vst v63  }
0x2e: {  	_ =	swait.ge [sflag:s15], $0x4000  }
0x2f: {  	s20 =	smov.u32 s23;
	s19 =	sshra.s32 s22, $0x2;
	[sflag:s15] =	ssyncset.done $0x0  }
0x30: {  	s20 =	sadd.s32 $0x2780, s19;
	[sflag:s15] =	ssyncadd.s32 $0xFFFFC000  }
0x31: {  	[spmem:s1] =	stream.indirect.scatter.add.f32 [tilespmem:s10], [sflag:$0x2], $0x80, s20, s13, $0xb8;
	[tilespmem:$0x10C00] =	vst v63  }
0x32: {  	_ =	swait.ge [sflag:s14], $0x4000  }
0x33: {  	[sflag:s14] =	ssyncset.done $0x0  }
0x34: {  	s31 =	sadd.s32 $0x2800, s19;
	[sflag:s14] =	ssyncadd.s32 $0xFFFFC000  }
0x35: {  	[spmem:s1] =	stream.indirect.scatter.add.f32 [tilespmem:s10], [sflag:$0x1], $0x80, s31, s13, $0xb8;
	[tilespmem:$0x10C00] =	vst v63  }
0x36: {  	_ =	swait.ge [sflag:s15], $0x4000  }
0x37: {  	[sflag:s15] =	ssyncset.done $0x0  }
0x38: {  	[sflag:s15] =	ssyncadd.s32 $0xFFFFC000  }
0x39: {  	[spmem:s1] =	stream.indirect.scatter.add.f32 [tilespmem:s10], [sflag:$0x2], $0x80, s16, s13, $0xb8;
	[tilespmem:$0x10C00] =	vst v63  }
0x3a: {  	_ =	swait.ge [sflag:s14], $0x4000  }
0x3b: {  	[sflag:s14] =	ssyncset.done $0x0  }
0x3c: {  	[sflag:s14] =	ssyncadd.s32 $0xFFFFC000  }
0x3d: {  	_ =	swait.ge [sflag:s15], $0x4000  }
0x3e: {  	s18 =	sadd.s32 $0x1, s18;
	[sflag:s15] =	ssyncset.done $0x0  }
0x3f: {  	p0 =	sne.s32 s18, s8;
	[sflag:s15] =	ssyncadd.s32 $0xFFFFC000  }
.Ltmp1:
0x40: {  	[bflag:$0x0] =	sbarrier.arrive $0xFFFF;
	(pc) =	sbr.rel @p0 .LBB2_1-.Ltmp1, $4  }
0x41: {  	[hbm:s7], [sflag:s11] =	dma.local [spmem:s17], $0x1400  }
0x42: {  	_ =	swait.ge [sflag:s9], $0x1400  }
0x43: {  	[sflag:s9] =	ssyncset.done $0x0  }
0x44: {  	[sflag:s9] =	ssyncadd.s32 $0xFFFFEC00  }
0x45: {  	_ =	sfence.sel $0x180000  }
0x46: {  	[bflag:$0x0] =	sbarrier.arrive $0xFFFF  }
0x47: {  	p0 =	sne.s32 s2, $0x0;
	_ =	strace $0x90000047  }
0x48: {  	s0 =	sadd.s32 @!p0 $0x100000, s0;
	[bflag:$0x2] =	sbarrier.arrive $0xFFFF  }
0x49: {  	[sflag:s0] =	ssyncadd.tile.s32 @!p0 $0x1;
	_ =	shalt  }
.Lfunc_end2:
_tile_overlayer_lowered:
.L_overlay_start_2:
0x4a: {  	(tag) =	ssettag $0x2  }
0x4b: {  	s0 =	rddreg [dreg:$0x0];
	s2 =	stileid.u32  }
0x4c: {  	s1 =	rddreg [dreg:$0x1];
	p0 =	sne.s32 s2, $0x0  }
0x4d: {  	s3 =	rddreg [dreg:$0x2];
	[bflag:$0x3] =	sbarrier.arrive $0xFFFF;
	s2 =	simm.s32 @!p0 $0x1C03  }
0x4e: {  	[timem:s3], [sflag:s2] =	dma.local @!p0 [hbm:s0], s1  }
0x4f: {  	s0 =	simm.s32 @!p0 $0x3  }
0x50: {  	_ =	swait.ge @!p0 [sflag:s0], s1  }
0x51: {  	s1 =	ssub.s32 @!p0 $0x0, s1;
	[sflag:s0] =	ssyncset.done @!p0 $0x0  }
0x52: {  	[sflag:s0] =	ssyncadd.s32 @!p0 s1  }
0x53: {  	[bflag:$0x3] =	sbarrier.arrive $0xFFFF  }
0x54: {  	_ =	shalt  }

</sc_bundles>
